<compile_context>
chip_gen: v7x
topology: tpu7x:2x2x1
jax: 0.10.2.dev20260603
libtpu: 0.0.44.dev20260713+nightly
codegen_flags: <defaults>
</compile_context>

<pallas_src>
import functools

import jax
import jax.numpy as jnp
from jax import lax
from jax.experimental import pallas as pl
from jax.experimental.pallas import tpu as pltpu
from jax.experimental.pallas import tpu_sc as plsc

N = 10000
E = 320000
D = 128

NC = 2
NS = 16
NW = NC * NS

KW = 128
WPW = 80
NPHASE = 2
WPP = WPW // NPHASE
EROWS = NW * WPW
EPAD = EROWS * KW

NPAD = 10240
ROWS_PER_TILE = NPAD // NS
ZCHUNK = 128
NZC = ROWS_PER_TILE // ZCHUNK



@functools.cache
def _mesh():
    return plsc.VectorSubcoreMesh(
        core_axis_name="c", subcore_axis_name="s",
        num_cores=NC, num_subcores=NS)


@functools.cache
def _sc_degree_call():
    return pl.kernel(
        _sc_degree_body,
        out_type=jax.ShapeDtypeStruct((NC * NPAD,), jnp.float32),
        mesh=_mesh(),
        scratch_types=[
            pltpu.VMEM((WPW, KW), jnp.int32),
            pltpu.VMEM((KW,), jnp.float32),
            pltpu.VMEM((ROWS_PER_TILE,), jnp.float32),
            pltpu.VMEM_SHARED((NPAD,), jnp.float32),
            pltpu.SemaphoreType.DMA,
        ],
    )


def _sc_degree_body(dst_hbm, z1_hbm, out_hbm, dstall, onesv, zb1, deg_sh, sem):
    c = lax.axis_index("c")
    s = lax.axis_index("s")
    w = c * NS + s
    r0 = s * ROWS_PER_TILE

    pltpu.sync_copy(z1_hbm.at[pl.ds(r0, ROWS_PER_TILE)], zb1)
    pltpu.sync_copy(zb1, deg_sh.at[pl.ds(r0, ROWS_PER_TILE)])
    pltpu.sync_copy(dst_hbm.at[pl.ds(w * WPW, WPW)], dstall)
    for j in range(KW // 16):
        onesv[pl.ds(j * 16, 16)] = jnp.ones((16,), jnp.float32)
    plsc.subcore_barrier()

    def chunk(m, carry):
        for j in range(8):
            pltpu.async_copy(onesv, deg_sh.at[dstall.at[m * 8 + j]], sem,
                             add=True)
        for j in range(8):
            pltpu.make_async_copy(onesv, deg_sh.at[dstall.at[0]], sem).wait()
        return carry

    lax.fori_loop(0, WPW // 8, chunk, 0)
    plsc.subcore_barrier()

    pltpu.sync_copy(deg_sh.at[pl.ds(r0, ROWS_PER_TILE)], zb1)
    pltpu.sync_copy(zb1, out_hbm.at[pl.ds(c * NPAD + r0, ROWS_PER_TILE)])


@functools.cache
def _sc_scatter_call():
    return pl.kernel(
        _sc_scatter_body,
        out_type=jax.ShapeDtypeStruct((NC, NPAD, D), jnp.float32),
        mesh=_mesh(),
        scratch_types=[
            pltpu.VMEM((WPP, KW), jnp.int32),
            pltpu.VMEM((WPP, KW), jnp.int32),
            pltpu.VMEM((KW, D), jnp.float32),
            pltpu.VMEM((KW, D), jnp.float32),
            pltpu.VMEM_SHARED((NPAD, D), jnp.float32),
            pltpu.SemaphoreType.DMA,
            pltpu.SemaphoreType.DMA,
            pltpu.SemaphoreType.DMA,
            pltpu.SemaphoreType.DMA,
        ],
    )


def _sc_scatter_body(hs_hbm, src_hbm, dst_hbm, z2_hbm, out_hbm,
                     srcall, dstall, rows0, rows1, acc_sh,
                     g0, g1, s0, s1):
    c = lax.axis_index("c")
    s = lax.axis_index("s")
    w = c * NS + s

    pltpu.sync_copy(z2_hbm.at[pl.ds(s * ROWS_PER_TILE, ZCHUNK)], rows0)
    for j in range(NZC):
        pltpu.async_copy(
            rows0, acc_sh.at[pl.ds(s * ROWS_PER_TILE + j * ZCHUNK, ZCHUNK)],
            g0)
    for j in range(NZC):
        pltpu.make_async_copy(
            rows0, acc_sh.at[pl.ds(0, ZCHUNK)], g0).wait()
    plsc.subcore_barrier()

    rows = (rows0, rows1)
    gsem = (g0, g1)
    ssem = (s0, s1)

    def start_gather(g, b):
        pltpu.async_copy(hs_hbm.at[srcall.at[g]], rows[b], gsem[b])

    def wait_gather(b):
        pltpu.make_async_copy(hs_hbm.at[srcall.at[0]], rows[b], gsem[b]).wait()

    def start_scatter(g, b):
        pltpu.async_copy(rows[b], acc_sh.at[dstall.at[g]], ssem[b], add=True)

    def wait_scatter(b):
        pltpu.make_async_copy(rows[b], acc_sh.at[dstall.at[0]], ssem[b]).wait()

    for p in range(NPHASE):
        row0 = w * WPW + p * WPP
        pltpu.sync_copy(src_hbm.at[pl.ds(row0, WPP)], srcall)
        pltpu.sync_copy(dst_hbm.at[pl.ds(row0, WPP)], dstall)

        start_gather(0, 0)
        start_gather(1, 1)
        wait_gather(0)
        start_scatter(0, 0)

        def pair(m, carry):
            g = 2 * m + 1
            wait_scatter(0)
            start_gather(g + 1, 0)
            wait_gather(1)
            start_scatter(g, 1)
            wait_scatter(1)
            start_gather(g + 2, 1)
            wait_gather(0)
            start_scatter(g + 1, 0)
            return carry

        lax.fori_loop(0, (WPP - 2) // 2, pair, 0)

        wait_gather(1)
        start_scatter(WPP - 1, 1)
        wait_scatter(0)
        wait_scatter(1)

    plsc.subcore_barrier()

    for j in range(NZC):
        bb = j % 2
        if j >= 2:
            pltpu.make_async_copy(rows[bb], out_hbm.at[c, pl.ds(0, ZCHUNK)],
                                  gsem[bb]).wait()
        r0 = s * ROWS_PER_TILE + j * ZCHUNK
        pltpu.sync_copy(acc_sh.at[pl.ds(r0, ZCHUNK)], rows[bb])
        pltpu.async_copy(rows[bb], out_hbm.at[c, pl.ds(r0, ZCHUNK)],
                         gsem[bb])
    for j in range(NZC - 2, NZC):
        pltpu.make_async_copy(rows[j % 2], out_hbm.at[c, pl.ds(0, ZCHUNK)],
                              gsem[j % 2]).wait()



def _tc1_body(deg2_ref, x_ref, w1_ref, hs_ref, dinv_ref):
    deg = 1.0 + deg2_ref[:, 0:1] + deg2_ref[:, 1:2]
    dinv = lax.rsqrt(deg)
    h = jnp.dot(x_ref[...], w1_ref[...], preferred_element_type=jnp.float32)
    hs_ref[...] = h * dinv
    dinv_ref[...] = dinv


def _tc2_body(dinv_ref, accp_ref, h1s_ref, b1_ref, w2_ref, h2s_ref):
    dinv = dinv_ref[...]
    acc = accp_ref[0, :N, :] + accp_ref[1, :N, :]
    z = dinv * (acc + h1s_ref[...]) + b1_ref[...]
    z = jnp.where(z > 0, z, jnp.exp(z) - 1.0)
    h2 = jnp.dot(z, w2_ref[...], preferred_element_type=jnp.float32)
    h2s_ref[...] = h2 * dinv


def _tc3_body(dinv_ref, accp_ref, h2s_ref, b2_ref, out_ref):
    dinv = dinv_ref[...]
    acc = accp_ref[0, :N, :] + accp_ref[1, :N, :]
    out_ref[...] = dinv * (acc + h2s_ref[...]) + b2_ref[...]


def _tc1(deg2, x, W1):
    return pl.pallas_call(
        _tc1_body,
        out_shape=(jax.ShapeDtypeStruct((N, D), jnp.float32),
                   jax.ShapeDtypeStruct((N, 1), jnp.float32)),
    )(deg2, x, W1)


def _tc2(dinv, accp, h1s, b1, W2):
    return pl.pallas_call(
        _tc2_body,
        out_shape=jax.ShapeDtypeStruct((N, D), jnp.float32),
    )(dinv, accp, h1s, b1, W2)


def _tc3(dinv, accp, h2s, b2):
    return pl.pallas_call(
        _tc3_body,
        out_shape=jax.ShapeDtypeStruct((N, D), jnp.float32),
    )(dinv, accp, h2s, b2)



def kernel(x, edge_index, W1, b1, W2, b2):
    src = edge_index[0].astype(jnp.int32)
    dst = edge_index[1].astype(jnp.int32)
    npadextra = EPAD - E
    src2 = jnp.concatenate(
        [src, jnp.arange(npadextra, dtype=jnp.int32) % N]).reshape(EROWS, KW)
    dst2 = jnp.concatenate(
        [dst, N + (jnp.arange(npadextra, dtype=jnp.int32) % (NPAD - N))]
    ).reshape(EROWS, KW)
    z1 = jnp.zeros((NPAD,), jnp.float32)
    z2 = jnp.zeros((NPAD, D), jnp.float32)

    degp = _sc_degree_call()(dst2, z1)
    deg2 = jnp.transpose(degp.reshape(NC, NPAD)[:, :N])
    h1s, dinv = _tc1(deg2, x, W1)
    acc1 = _sc_scatter_call()(h1s, src2, dst2, z2)
    h2s = _tc2(dinv, acc1, h1s, b1.reshape(1, D), W2)
    acc2 = _sc_scatter_call()(h2s, src2, dst2, z2)
    return _tc3(dinv, acc2, h2s, b2.reshape(1, D))

# --- scband reference (transcript-rebuilt; emitter-appended) ---
"""Pipeline reference for scband-wallet-gnn-10161892622477 (READ-ONLY COPY).

The authoritative reference and input builder live on the scoring server;
editing this copy changes nothing except your own understanding.
"""

import jax, jax.numpy as jnp
import numpy as np

N_NODES = 10000
N_EDGES = 320000
D_IN = 128
D_HID = 128
D_OUT = 128


def setup_inputs(seed: int = 0) -> dict:
    key = jax.random.key(seed)
    k1, k2, k3, k4, k5, k6, k7 = jax.random.split(key, 7)
    x = jax.random.normal(k1, (N_NODES, D_IN), dtype=jnp.float32)
    edge_index = jax.random.randint(k2, (2, N_EDGES), 0, N_NODES, dtype=jnp.int64)
    s1 = 1.0 / np.sqrt(D_IN)
    s2 = 1.0 / np.sqrt(D_HID)
    W1 = jax.random.uniform(k3, (D_IN, D_HID), dtype=jnp.float32, minval=-s1, maxval=s1)
    b1 = jax.random.uniform(k4, (D_HID,), dtype=jnp.float32, minval=-s1, maxval=s1)
    W2 = jax.random.uniform(k5, (D_HID, D_OUT), dtype=jnp.float32, minval=-s2, maxval=s2)
    b2 = jax.random.uniform(k6, (D_OUT,), dtype=jnp.float32, minval=-s2, maxval=s2)
    return {"x": x, "edge_index": edge_index, "W1": W1, "b1": b1, "W2": W2, "b2": b2}


def _gcn_conv(x, src, dst, W, b, n_nodes):
    # GCNConv: D^{-1/2} (A + I) D^{-1/2} X W + b, with added self-loops
    loop = jnp.arange(n_nodes, dtype=src.dtype)
    src_sl = jnp.concatenate([src, loop])
    dst_sl = jnp.concatenate([dst, loop])
    deg = jnp.zeros((n_nodes,), dtype=x.dtype).at[dst_sl].add(1.0)
    deg_inv_sqrt = jnp.where(deg > 0, 1.0 / jnp.sqrt(deg), 0.0)
    norm = deg_inv_sqrt[src_sl] * deg_inv_sqrt[dst_sl]
    h = x @ W
    msg = h[src_sl] * norm[:, None]
    out = jnp.zeros((n_nodes, W.shape[1]), dtype=x.dtype).at[dst_sl].add(msg)
    return out + b


def reference(x, edge_index, W1, b1, W2, b2):
    src = edge_index[0]
    dst = edge_index[1]
    n_nodes = x.shape[0]
    h = _gcn_conv(x, src, dst, W1, b1, n_nodes)
    h = jax.nn.elu(h)
    # dropout is identity in eval mode
    out = _gcn_conv(h, src, dst, W2, b2, n_nodes)
    return out

if __name__ == "__main__":
    import jax
    _d = setup_inputs()
    print(jax.jit(kernel)(*tuple(_d.values())))

</pallas_src>

<mosaic_0001>
#map = affine_map<(d0, d1) -> (0, 0)>
#map1 = affine_map<(d0, d1) -> (0)>
module attributes {stable_mosaic.version = 14 : i64} {
  func.func @_sc_degree_body(%arg0: i32, %arg1: i32, %arg2: memref<2560x128xi32, #tpu.memory_space<hbm>>, %arg3: memref<10240xf32, #tpu.memory_space<hbm>>, %arg4: memref<20480xf32, #tpu.memory_space<hbm>>, %arg5: memref<80x128xi32, #tpu.memory_space<vmem>>, %arg6: memref<128xf32, #tpu.memory_space<vmem>>, %arg7: memref<640xf32, #tpu.memory_space<vmem>>, %arg8: memref<10240xf32, #tpu.memory_space<vmem_shared>>, %arg9: memref<!tpu.dma_semaphore, #tpu.memory_space<semaphore_mem>>) attributes {dimension_semantics = [#tpu.dimension_semantics<core_parallel>, #tpu.dimension_semantics<subcore_parallel>], iteration_bounds = array<i64: 2, 16>, scalar_prefetch = 0 : i64, scratch_operands = 5 : i64, tpu.core_type = #tpu.core_type<sc_vector_subcore>, window_params = [{transform_indices = #map}, {transform_indices = #map1}, {transform_indices = #map1}]} {
    %mul3A = arith.constant 16 : i32
    %mul3A_0 = arith.muli %arg0, %mul3A : i32
    %add3A = arith.addi %mul3A_0, %arg1 : i32
    %mul3A_1 = arith.constant 640 : i32
    %mul3A_2 = arith.muli %arg1, %mul3A_1 : i32
    "tpu.region"() ({
      %run_scoped3A = tpu.sem_alloc : memref<!tpu.dma_semaphore, #tpu.memory_space<semaphore_mem>>
      %dma_start3A = tpu.memref_slice %arg3[%mul3A_2] : memref<10240xf32, #tpu.memory_space<hbm>> -> memref<640xf32, #tpu.memory_space<hbm>>
      %dma_start3A_60 = tpu.memref_slice %arg3[%mul3A_2] : memref<10240xf32, #tpu.memory_space<hbm>> -> memref<640xf32, #tpu.memory_space<hbm>>
      tpu.enqueue_dma source(%dma_start3A_60 : memref<640xf32, #tpu.memory_space<hbm>>) target(%arg7 : memref<640xf32, #tpu.memory_space<vmem>>) target_semaphore(%run_scoped3A : memref<!tpu.dma_semaphore, #tpu.memory_space<semaphore_mem>>)
      %dma_wait3A = tpu.memref_slice %arg3[%mul3A_2] : memref<10240xf32, #tpu.memory_space<hbm>> -> memref<640xf32, #tpu.memory_space<hbm>>
      %dma_wait3A_61 = tpu.memref_slice %arg3[%mul3A_2] : memref<10240xf32, #tpu.memory_space<hbm>> -> memref<640xf32, #tpu.memory_space<hbm>>
      tpu.wait_dma2 semaphore(%run_scoped3A : memref<!tpu.dma_semaphore, #tpu.memory_space<semaphore_mem>>) src(%dma_wait3A_61 : memref<640xf32, #tpu.memory_space<hbm>>) dst(%arg7 : memref<640xf32, #tpu.memory_space<vmem>>)
      tpu.yield
    }) : () -> ()
    "tpu.region"() ({
      %run_scoped3A = tpu.sem_alloc : memref<!tpu.dma_semaphore, #tpu.memory_space<semaphore_mem>>
      %dma_start3A = tpu.memref_slice %arg8[%mul3A_2] : memref<10240xf32, #tpu.memory_space<vmem_shared>> -> memref<640xf32, #tpu.memory_space<vmem_shared>>
      %dma_start3A_60 = tpu.memref_slice %arg8[%mul3A_2] : memref<10240xf32, #tpu.memory_space<vmem_shared>> -> memref<640xf32, #tpu.memory_space<vmem_shared>>
      tpu.enqueue_dma source(%arg7 : memref<640xf32, #tpu.memory_space<vmem>>) target(%dma_start3A_60 : memref<640xf32, #tpu.memory_space<vmem_shared>>) target_semaphore(%run_scoped3A : memref<!tpu.dma_semaphore, #tpu.memory_space<semaphore_mem>>)
      %dma_wait3A = tpu.memref_slice %arg8[%mul3A_2] : memref<10240xf32, #tpu.memory_space<vmem_shared>> -> memref<640xf32, #tpu.memory_space<vmem_shared>>
      %dma_wait3A_61 = tpu.memref_slice %arg8[%mul3A_2] : memref<10240xf32, #tpu.memory_space<vmem_shared>> -> memref<640xf32, #tpu.memory_space<vmem_shared>>
      tpu.wait_dma2 semaphore(%run_scoped3A : memref<!tpu.dma_semaphore, #tpu.memory_space<semaphore_mem>>) src(%arg7 : memref<640xf32, #tpu.memory_space<vmem>>) dst(%dma_wait3A_61 : memref<640xf32, #tpu.memory_space<vmem_shared>>)
      tpu.yield
    }) : () -> ()
    %mul3A_3 = arith.constant 80 : i32
    %mul3A_4 = arith.muli %add3A, %mul3A_3 : i32
    "tpu.region"() ({
      %run_scoped3A = tpu.sem_alloc : memref<!tpu.dma_semaphore, #tpu.memory_space<semaphore_mem>>
      %dma_start3A = arith.constant 0 : i32
      %dma_start3A_60 = tpu.memref_slice %arg2[%mul3A_4, %dma_start3A] : memref<2560x128xi32, #tpu.memory_space<hbm>> -> memref<80x128xi32, #tpu.memory_space<hbm>>
      %dma_start3A_61 = arith.constant 0 : i32
      %dma_start3A_62 = tpu.memref_slice %arg2[%mul3A_4, %dma_start3A_61] : memref<2560x128xi32, #tpu.memory_space<hbm>> -> memref<80x128xi32, #tpu.memory_space<hbm>>
      tpu.enqueue_dma source(%dma_start3A_62 : memref<80x128xi32, #tpu.memory_space<hbm>>) target(%arg5 : memref<80x128xi32, #tpu.memory_space<vmem>>) target_semaphore(%run_scoped3A : memref<!tpu.dma_semaphore, #tpu.memory_space<semaphore_mem>>)
      %dma_wait3A = arith.constant 0 : i32
      %dma_wait3A_63 = tpu.memref_slice %arg2[%mul3A_4, %dma_wait3A] : memref<2560x128xi32, #tpu.memory_space<hbm>> -> memref<80x128xi32, #tpu.memory_space<hbm>>
      %dma_wait3A_64 = arith.constant 0 : i32
      %dma_wait3A_65 = tpu.memref_slice %arg2[%mul3A_4, %dma_wait3A_64] : memref<2560x128xi32, #tpu.memory_space<hbm>> -> memref<80x128xi32, #tpu.memory_space<hbm>>
      tpu.wait_dma2 semaphore(%run_scoped3A : memref<!tpu.dma_semaphore, #tpu.memory_space<semaphore_mem>>) src(%dma_wait3A_65 : memref<80x128xi32, #tpu.memory_space<hbm>>) dst(%arg5 : memref<80x128xi32, #tpu.memory_space<vmem>>)
      tpu.yield
    }) : () -> ()
    %broadcast_in_dim3A = arith.constant 1.000000e+00 : f32
    %broadcast_in_dim3A_5 = vector.broadcast %broadcast_in_dim3A : f32 to vector<16xf32>
    %swap3A = arith.constant 0 : index
    %swap3A_6 = tpu.vector_load %arg6[%swap3A] {strides = array<i32>} : memref<128xf32, #tpu.memory_space<vmem>>, vector<16xf32>,
    %swap3A_7 = vector.shape_cast %swap3A_6 : vector<16xf32> to vector<16xf32>
    %swap3A_8 = vector.shape_cast %broadcast_in_dim3A_5 : vector<16xf32> to vector<16xf32>
    tpu.vector_store %arg6[%swap3A], %swap3A_8 {strides = array<i32>} : memref<128xf32, #tpu.memory_space<vmem>>, vector<16xf32>,
    %broadcast_in_dim3A_9 = arith.constant 1.000000e+00 : f32
    %broadcast_in_dim3A_10 = vector.broadcast %broadcast_in_dim3A_9 : f32 to vector<16xf32>
    %swap3A_11 = arith.constant 16 : index
    %swap3A_12 = tpu.vector_load %arg6[%swap3A_11] {strides = array<i32>} : memref<128xf32, #tpu.memory_space<vmem>>, vector<16xf32>,
    %swap3A_13 = vector.shape_cast %swap3A_12 : vector<16xf32> to vector<16xf32>
    %swap3A_14 = vector.shape_cast %broadcast_in_dim3A_10 : vector<16xf32> to vector<16xf32>
    tpu.vector_store %arg6[%swap3A_11], %swap3A_14 {strides = array<i32>} : memref<128xf32, #tpu.memory_space<vmem>>, vector<16xf32>,
    %broadcast_in_dim3A_15 = arith.constant 1.000000e+00 : f32
    %broadcast_in_dim3A_16 = vector.broadcast %broadcast_in_dim3A_15 : f32 to vector<16xf32>
    %swap3A_17 = arith.constant 32 : index
    %swap3A_18 = tpu.vector_load %arg6[%swap3A_17] {strides = array<i32>} : memref<128xf32, #tpu.memory_space<vmem>>, vector<16xf32>,
    %swap3A_19 = vector.shape_cast %swap3A_18 : vector<16xf32> to vector<16xf32>
    %swap3A_20 = vector.shape_cast %broadcast_in_dim3A_16 : vector<16xf32> to vector<16xf32>
    tpu.vector_store %arg6[%swap3A_17], %swap3A_20 {strides = array<i32>} : memref<128xf32, #tpu.memory_space<vmem>>, vector<16xf32>,
    %broadcast_in_dim3A_21 = arith.constant 1.000000e+00 : f32
    %broadcast_in_dim3A_22 = vector.broadcast %broadcast_in_dim3A_21 : f32 to vector<16xf32>
    %swap3A_23 = arith.constant 48 : index
    %swap3A_24 = tpu.vector_load %arg6[%swap3A_23] {strides = array<i32>} : memref<128xf32, #tpu.memory_space<vmem>>, vector<16xf32>,
    %swap3A_25 = vector.shape_cast %swap3A_24 : vector<16xf32> to vector<16xf32>
    %swap3A_26 = vector.shape_cast %broadcast_in_dim3A_22 : vector<16xf32> to vector<16xf32>
    tpu.vector_store %arg6[%swap3A_23], %swap3A_26 {strides = array<i32>} : memref<128xf32, #tpu.memory_space<vmem>>, vector<16xf32>,
    %broadcast_in_dim3A_27 = arith.constant 1.000000e+00 : f32
    %broadcast_in_dim3A_28 = vector.broadcast %broadcast_in_dim3A_27 : f32 to vector<16xf32>
    %swap3A_29 = arith.constant 64 : index
    %swap3A_30 = tpu.vector_load %arg6[%swap3A_29] {strides = array<i32>} : memref<128xf32, #tpu.memory_space<vmem>>, vector<16xf32>,
    %swap3A_31 = vector.shape_cast %swap3A_30 : vector<16xf32> to vector<16xf32>
    %swap3A_32 = vector.shape_cast %broadcast_in_dim3A_28 : vector<16xf32> to vector<16xf32>
    tpu.vector_store %arg6[%swap3A_29], %swap3A_32 {strides = array<i32>} : memref<128xf32, #tpu.memory_space<vmem>>, vector<16xf32>,
    %broadcast_in_dim3A_33 = arith.constant 1.000000e+00 : f32
    %broadcast_in_dim3A_34 = vector.broadcast %broadcast_in_dim3A_33 : f32 to vector<16xf32>
    %swap3A_35 = arith.constant 80 : index
    %swap3A_36 = tpu.vector_load %arg6[%swap3A_35] {strides = array<i32>} : memref<128xf32, #tpu.memory_space<vmem>>, vector<16xf32>,
    %swap3A_37 = vector.shape_cast %swap3A_36 : vector<16xf32> to vector<16xf32>
    %swap3A_38 = vector.shape_cast %broadcast_in_dim3A_34 : vector<16xf32> to vector<16xf32>
    tpu.vector_store %arg6[%swap3A_35], %swap3A_38 {strides = array<i32>} : memref<128xf32, #tpu.memory_space<vmem>>, vector<16xf32>,
    %broadcast_in_dim3A_39 = arith.constant 1.000000e+00 : f32
    %broadcast_in_dim3A_40 = vector.broadcast %broadcast_in_dim3A_39 : f32 to vector<16xf32>
    %swap3A_41 = arith.constant 96 : index
    %swap3A_42 = tpu.vector_load %arg6[%swap3A_41] {strides = array<i32>} : memref<128xf32, #tpu.memory_space<vmem>>, vector<16xf32>,
    %swap3A_43 = vector.shape_cast %swap3A_42 : vector<16xf32> to vector<16xf32>
    %swap3A_44 = vector.shape_cast %broadcast_in_dim3A_40 : vector<16xf32> to vector<16xf32>
    tpu.vector_store %arg6[%swap3A_41], %swap3A_44 {strides = array<i32>} : memref<128xf32, #tpu.memory_space<vmem>>, vector<16xf32>,
    %broadcast_in_dim3A_45 = arith.constant 1.000000e+00 : f32
    %broadcast_in_dim3A_46 = vector.broadcast %broadcast_in_dim3A_45 : f32 to vector<16xf32>
    %swap3A_47 = arith.constant 112 : index
    %swap3A_48 = tpu.vector_load %arg6[%swap3A_47] {strides = array<i32>} : memref<128xf32, #tpu.memory_space<vmem>>, vector<16xf32>,
    %swap3A_49 = vector.shape_cast %swap3A_48 : vector<16xf32> to vector<16xf32>
    %swap3A_50 = vector.shape_cast %broadcast_in_dim3A_46 : vector<16xf32> to vector<16xf32>
    tpu.vector_store %arg6[%swap3A_47], %swap3A_50 {strides = array<i32>} : memref<128xf32, #tpu.memory_space<vmem>>, vector<16xf32>,
    %barrier3A = arith.constant 0 : index
    tpu.barrier barrier_id(%barrier3A)
    %scan3A = arith.constant 0 : i32
    %scan3A_51 = arith.constant 0 : i32
    %scan3A_52 = arith.constant 10 : i32
    %scan3A_53 = arith.addi %scan3A_51, %scan3A_52 : i32
    %scan3A_54 = arith.constant 1 : i32
    scf.for %scan3A_60 = %scan3A_51 to %scan3A_53 step %scan3A_54  : i32 {
      %mul3A_61 = arith.constant 8 : i32
      %mul3A_62 = arith.muli %scan3A_60, %mul3A_61 : i32
      %add3A_63 = arith.constant 0 : i32
      %add3A_64 = arith.addi %mul3A_62, %add3A_63 : i32
      %dma_start3A = arith.constant 0 : i32
      %dma_start3A_65 = tpu.memref_slice %arg5[%add3A_64, %dma_start3A] : memref<80x128xi32, #tpu.memory_space<vmem>> -> memref<1x128xi32, #tpu.memory_space<vmem>>
      %dma_start3A_66 = tpu.memref_squeeze %dma_start3A_65 : memref<1x128xi32, #tpu.memory_space<vmem>> -> memref<128xi32, #tpu.memory_space<vmem>>
      %dma_start3A_67 = arith.constant 0 : i32
      %dma_start3A_68 = tpu.memref_slice %arg8[%dma_start3A_67] : memref<10240xf32, #tpu.memory_space<vmem_shared>> -> memref<10240xf32, #tpu.memory_space<vmem_shared>>
      tpu.enqueue_indirect_dma source(%arg6 : memref<128xf32, #tpu.memory_space<vmem>>) target(%dma_start3A_68 : memref<10240xf32, #tpu.memory_space<vmem_shared>>) offsets(%dma_start3A_66 : memref<128xi32, #tpu.memory_space<vmem>>) semaphore(%arg9 : memref<!tpu.dma_semaphore, #tpu.memory_space<semaphore_mem>>) {add = true}
      %mul3A_69 = arith.constant 8 : i32
      %mul3A_70 = arith.muli %scan3A_60, %mul3A_69 : i32
      %add3A_71 = arith.constant 1 : i32
      %add3A_72 = arith.addi %mul3A_70, %add3A_71 : i32
      %dma_start3A_73 = arith.constant 0 : i32
      %dma_start3A_74 = tpu.memref_slice %arg5[%add3A_72, %dma_start3A_73] : memref<80x128xi32, #tpu.memory_space<vmem>> -> memref<1x128xi32, #tpu.memory_space<vmem>>
      %dma_start3A_75 = tpu.memref_squeeze %dma_start3A_74 : memref<1x128xi32, #tpu.memory_space<vmem>> -> memref<128xi32, #tpu.memory_space<vmem>>
      %dma_start3A_76 = arith.constant 0 : i32
      %dma_start3A_77 = tpu.memref_slice %arg8[%dma_start3A_76] : memref<10240xf32, #tpu.memory_space<vmem_shared>> -> memref<10240xf32, #tpu.memory_space<vmem_shared>>
      tpu.enqueue_indirect_dma source(%arg6 : memref<128xf32, #tpu.memory_space<vmem>>) target(%dma_start3A_77 : memref<10240xf32, #tpu.memory_space<vmem_shared>>) offsets(%dma_start3A_75 : memref<128xi32, #tpu.memory_space<vmem>>) semaphore(%arg9 : memref<!tpu.dma_semaphore, #tpu.memory_space<semaphore_mem>>) {add = true}
      %mul3A_78 = arith.constant 8 : i32
      %mul3A_79 = arith.muli %scan3A_60, %mul3A_78 : i32
      %add3A_80 = arith.constant 2 : i32
      %add3A_81 = arith.addi %mul3A_79, %add3A_80 : i32
      %dma_start3A_82 = arith.constant 0 : i32
      %dma_start3A_83 = tpu.memref_slice %arg5[%add3A_81, %dma_start3A_82] : memref<80x128xi32, #tpu.memory_space<vmem>> -> memref<1x128xi32, #tpu.memory_space<vmem>>
      %dma_start3A_84 = tpu.memref_squeeze %dma_start3A_83 : memref<1x128xi32, #tpu.memory_space<vmem>> -> memref<128xi32, #tpu.memory_space<vmem>>
      %dma_start3A_85 = arith.constant 0 : i32
      %dma_start3A_86 = tpu.memref_slice %arg8[%dma_start3A_85] : memref<10240xf32, #tpu.memory_space<vmem_shared>> -> memref<10240xf32, #tpu.memory_space<vmem_shared>>
      tpu.enqueue_indirect_dma source(%arg6 : memref<128xf32, #tpu.memory_space<vmem>>) target(%dma_start3A_86 : memref<10240xf32, #tpu.memory_space<vmem_shared>>) offsets(%dma_start3A_84 : memref<128xi32, #tpu.memory_space<vmem>>) semaphore(%arg9 : memref<!tpu.dma_semaphore, #tpu.memory_space<semaphore_mem>>) {add = true}
      %mul3A_87 = arith.constant 8 : i32
      %mul3A_88 = arith.muli %scan3A_60, %mul3A_87 : i32
      %add3A_89 = arith.constant 3 : i32
      %add3A_90 = arith.addi %mul3A_88, %add3A_89 : i32
      %dma_start3A_91 = arith.constant 0 : i32
      %dma_start3A_92 = tpu.memref_slice %arg5[%add3A_90, %dma_start3A_91] : memref<80x128xi32, #tpu.memory_space<vmem>> -> memref<1x128xi32, #tpu.memory_space<vmem>>
      %dma_start3A_93 = tpu.memref_squeeze %dma_start3A_92 : memref<1x128xi32, #tpu.memory_space<vmem>> -> memref<128xi32, #tpu.memory_space<vmem>>
      %dma_start3A_94 = arith.constant 0 : i32
      %dma_start3A_95 = tpu.memref_slice %arg8[%dma_start3A_94] : memref<10240xf32, #tpu.memory_space<vmem_shared>> -> memref<10240xf32, #tpu.memory_space<vmem_shared>>
      tpu.enqueue_indirect_dma source(%arg6 : memref<128xf32, #tpu.memory_space<vmem>>) target(%dma_start3A_95 : memref<10240xf32, #tpu.memory_space<vmem_shared>>) offsets(%dma_start3A_93 : memref<128xi32, #tpu.memory_space<vmem>>) semaphore(%arg9 : memref<!tpu.dma_semaphore, #tpu.memory_space<semaphore_mem>>) {add = true}
      %mul3A_96 = arith.constant 8 : i32
      %mul3A_97 = arith.muli %scan3A_60, %mul3A_96 : i32
      %add3A_98 = arith.constant 4 : i32
      %add3A_99 = arith.addi %mul3A_97, %add3A_98 : i32
      %dma_start3A_100 = arith.constant 0 : i32
      %dma_start3A_101 = tpu.memref_slice %arg5[%add3A_99, %dma_start3A_100] : memref<80x128xi32, #tpu.memory_space<vmem>> -> memref<1x128xi32, #tpu.memory_space<vmem>>
      %dma_start3A_102 = tpu.memref_squeeze %dma_start3A_101 : memref<1x128xi32, #tpu.memory_space<vmem>> -> memref<128xi32, #tpu.memory_space<vmem>>
      %dma_start3A_103 = arith.constant 0 : i32
      %dma_start3A_104 = tpu.memref_slice %arg8[%dma_start3A_103] : memref<10240xf32, #tpu.memory_space<vmem_shared>> -> memref<10240xf32, #tpu.memory_space<vmem_shared>>
      tpu.enqueue_indirect_dma source(%arg6 : memref<128xf32, #tpu.memory_space<vmem>>) target(%dma_start3A_104 : memref<10240xf32, #tpu.memory_space<vmem_shared>>) offsets(%dma_start3A_102 : memref<128xi32, #tpu.memory_space<vmem>>) semaphore(%arg9 : memref<!tpu.dma_semaphore, #tpu.memory_space<semaphore_mem>>) {add = true}
      %mul3A_105 = arith.constant 8 : i32
      %mul3A_106 = arith.muli %scan3A_60, %mul3A_105 : i32
      %add3A_107 = arith.constant 5 : i32
      %add3A_108 = arith.addi %mul3A_106, %add3A_107 : i32
      %dma_start3A_109 = arith.constant 0 : i32
      %dma_start3A_110 = tpu.memref_slice %arg5[%add3A_108, %dma_start3A_109] : memref<80x128xi32, #tpu.memory_space<vmem>> -> memref<1x128xi32, #tpu.memory_space<vmem>>
      %dma_start3A_111 = tpu.memref_squeeze %dma_start3A_110 : memref<1x128xi32, #tpu.memory_space<vmem>> -> memref<128xi32, #tpu.memory_space<vmem>>
      %dma_start3A_112 = arith.constant 0 : i32
      %dma_start3A_113 = tpu.memref_slice %arg8[%dma_start3A_112] : memref<10240xf32, #tpu.memory_space<vmem_shared>> -> memref<10240xf32, #tpu.memory_space<vmem_shared>>
      tpu.enqueue_indirect_dma source(%arg6 : memref<128xf32, #tpu.memory_space<vmem>>) target(%dma_start3A_113 : memref<10240xf32, #tpu.memory_space<vmem_shared>>) offsets(%dma_start3A_111 : memref<128xi32, #tpu.memory_space<vmem>>) semaphore(%arg9 : memref<!tpu.dma_semaphore, #tpu.memory_space<semaphore_mem>>) {add = true}
      %mul3A_114 = arith.constant 8 : i32
      %mul3A_115 = arith.muli %scan3A_60, %mul3A_114 : i32
      %add3A_116 = arith.constant 6 : i32
      %add3A_117 = arith.addi %mul3A_115, %add3A_116 : i32
      %dma_start3A_118 = arith.constant 0 : i32
      %dma_start3A_119 = tpu.memref_slice %arg5[%add3A_117, %dma_start3A_118] : memref<80x128xi32, #tpu.memory_space<vmem>> -> memref<1x128xi32, #tpu.memory_space<vmem>>
      %dma_start3A_120 = tpu.memref_squeeze %dma_start3A_119 : memref<1x128xi32, #tpu.memory_space<vmem>> -> memref<128xi32, #tpu.memory_space<vmem>>
      %dma_start3A_121 = arith.constant 0 : i32
      %dma_start3A_122 = tpu.memref_slice %arg8[%dma_start3A_121] : memref<10240xf32, #tpu.memory_space<vmem_shared>> -> memref<10240xf32, #tpu.memory_space<vmem_shared>>
      tpu.enqueue_indirect_dma source(%arg6 : memref<128xf32, #tpu.memory_space<vmem>>) target(%dma_start3A_122 : memref<10240xf32, #tpu.memory_space<vmem_shared>>) offsets(%dma_start3A_120 : memref<128xi32, #tpu.memory_space<vmem>>) semaphore(%arg9 : memref<!tpu.dma_semaphore, #tpu.memory_space<semaphore_mem>>) {add = true}
      %mul3A_123 = arith.constant 8 : i32
      %mul3A_124 = arith.muli %scan3A_60, %mul3A_123 : i32
      %add3A_125 = arith.constant 7 : i32
      %add3A_126 = arith.addi %mul3A_124, %add3A_125 : i32
      %dma_start3A_127 = arith.constant 0 : i32
      %dma_start3A_128 = tpu.memref_slice %arg5[%add3A_126, %dma_start3A_127] : memref<80x128xi32, #tpu.memory_space<vmem>> -> memref<1x128xi32, #tpu.memory_space<vmem>>
      %dma_start3A_129 = tpu.memref_squeeze %dma_start3A_128 : memref<1x128xi32, #tpu.memory_space<vmem>> -> memref<128xi32, #tpu.memory_space<vmem>>
      %dma_start3A_130 = arith.constant 0 : i32
      %dma_start3A_131 = tpu.memref_slice %arg8[%dma_start3A_130] : memref<10240xf32, #tpu.memory_space<vmem_shared>> -> memref<10240xf32, #tpu.memory_space<vmem_shared>>
      tpu.enqueue_indirect_dma source(%arg6 : memref<128xf32, #tpu.memory_space<vmem>>) target(%dma_start3A_131 : memref<10240xf32, #tpu.memory_space<vmem_shared>>) offsets(%dma_start3A_129 : memref<128xi32, #tpu.memory_space<vmem>>) semaphore(%arg9 : memref<!tpu.dma_semaphore, #tpu.memory_space<semaphore_mem>>) {add = true}
      %dma_wait3A = arith.constant 0 : i32
      %dma_wait3A_132 = arith.constant 0 : i32
      %dma_wait3A_133 = tpu.memref_slice %arg5[%dma_wait3A, %dma_wait3A_132] : memref<80x128xi32, #tpu.memory_space<vmem>> -> memref<1x128xi32, #tpu.memory_space<vmem>>
      %dma_wait3A_134 = tpu.memref_squeeze %dma_wait3A_133 : memref<1x128xi32, #tpu.memory_space<vmem>> -> memref<128xi32, #tpu.memory_space<vmem>>
      %dma_wait3A_135 = arith.constant 0 : i32
      %dma_wait3A_136 = tpu.memref_slice %arg8[%dma_wait3A_135] : memref<10240xf32, #tpu.memory_space<vmem_shared>> -> memref<10240xf32, #tpu.memory_space<vmem_shared>>
      tpu.wait_indirect_dma semaphore(%arg9 : memref<!tpu.dma_semaphore, #tpu.memory_space<semaphore_mem>>) src(%arg6 : memref<128xf32, #tpu.memory_space<vmem>>) dst(%dma_wait3A_136 : memref<10240xf32, #tpu.memory_space<vmem_shared>>)
      %dma_wait3A_137 = arith.constant 0 : i32
      %dma_wait3A_138 = arith.constant 0 : i32
      %dma_wait3A_139 = tpu.memref_slice %arg5[%dma_wait3A_137, %dma_wait3A_138] : memref<80x128xi32, #tpu.memory_space<vmem>> -> memref<1x128xi32, #tpu.memory_space<vmem>>
      %dma_wait3A_140 = tpu.memref_squeeze %dma_wait3A_139 : memref<1x128xi32, #tpu.memory_space<vmem>> -> memref<128xi32, #tpu.memory_space<vmem>>
      %dma_wait3A_141 = arith.constant 0 : i32
      %dma_wait3A_142 = tpu.memref_slice %arg8[%dma_wait3A_141] : memref<10240xf32, #tpu.memory_space<vmem_shared>> -> memref<10240xf32, #tpu.memory_space<vmem_shared>>
      tpu.wait_indirect_dma semaphore(%arg9 : memref<!tpu.dma_semaphore, #tpu.memory_space<semaphore_mem>>) src(%arg6 : memref<128xf32, #tpu.memory_space<vmem>>) dst(%dma_wait3A_142 : memref<10240xf32, #tpu.memory_space<vmem_shared>>)
      %dma_wait3A_143 = arith.constant 0 : i32
      %dma_wait3A_144 = arith.constant 0 : i32
      %dma_wait3A_145 = tpu.memref_slice %arg5[%dma_wait3A_143, %dma_wait3A_144] : memref<80x128xi32, #tpu.memory_space<vmem>> -> memref<1x128xi32, #tpu.memory_space<vmem>>
      %dma_wait3A_146 = tpu.memref_squeeze %dma_wait3A_145 : memref<1x128xi32, #tpu.memory_space<vmem>> -> memref<128xi32, #tpu.memory_space<vmem>>
      %dma_wait3A_147 = arith.constant 0 : i32
      %dma_wait3A_148 = tpu.memref_slice %arg8[%dma_wait3A_147] : memref<10240xf32, #tpu.memory_space<vmem_shared>> -> memref<10240xf32, #tpu.memory_space<vmem_shared>>
      tpu.wait_indirect_dma semaphore(%arg9 : memref<!tpu.dma_semaphore, #tpu.memory_space<semaphore_mem>>) src(%arg6 : memref<128xf32, #tpu.memory_space<vmem>>) dst(%dma_wait3A_148 : memref<10240xf32, #tpu.memory_space<vmem_shared>>)
      %dma_wait3A_149 = arith.constant 0 : i32
      %dma_wait3A_150 = arith.constant 0 : i32
      %dma_wait3A_151 = tpu.memref_slice %arg5[%dma_wait3A_149, %dma_wait3A_150] : memref<80x128xi32, #tpu.memory_space<vmem>> -> memref<1x128xi32, #tpu.memory_space<vmem>>
      %dma_wait3A_152 = tpu.memref_squeeze %dma_wait3A_151 : memref<1x128xi32, #tpu.memory_space<vmem>> -> memref<128xi32, #tpu.memory_space<vmem>>
      %dma_wait3A_153 = arith.constant 0 : i32
      %dma_wait3A_154 = tpu.memref_slice %arg8[%dma_wait3A_153] : memref<10240xf32, #tpu.memory_space<vmem_shared>> -> memref<10240xf32, #tpu.memory_space<vmem_shared>>
      tpu.wait_indirect_dma semaphore(%arg9 : memref<!tpu.dma_semaphore, #tpu.memory_space<semaphore_mem>>) src(%arg6 : memref<128xf32, #tpu.memory_space<vmem>>) dst(%dma_wait3A_154 : memref<10240xf32, #tpu.memory_space<vmem_shared>>)
      %dma_wait3A_155 = arith.constant 0 : i32
      %dma_wait3A_156 = arith.constant 0 : i32
      %dma_wait3A_157 = tpu.memref_slice %arg5[%dma_wait3A_155, %dma_wait3A_156] : memref<80x128xi32, #tpu.memory_space<vmem>> -> memref<1x128xi32, #tpu.memory_space<vmem>>
      %dma_wait3A_158 = tpu.memref_squeeze %dma_wait3A_157 : memref<1x128xi32, #tpu.memory_space<vmem>> -> memref<128xi32, #tpu.memory_space<vmem>>
      %dma_wait3A_159 = arith.constant 0 : i32
      %dma_wait3A_160 = tpu.memref_slice %arg8[%dma_wait3A_159] : memref<10240xf32, #tpu.memory_space<vmem_shared>> -> memref<10240xf32, #tpu.memory_space<vmem_shared>>
      tpu.wait_indirect_dma semaphore(%arg9 : memref<!tpu.dma_semaphore, #tpu.memory_space<semaphore_mem>>) src(%arg6 : memref<128xf32, #tpu.memory_space<vmem>>) dst(%dma_wait3A_160 : memref<10240xf32, #tpu.memory_space<vmem_shared>>)
      %dma_wait3A_161 = arith.constant 0 : i32
      %dma_wait3A_162 = arith.constant 0 : i32
      %dma_wait3A_163 = tpu.memref_slice %arg5[%dma_wait3A_161, %dma_wait3A_162] : memref<80x128xi32, #tpu.memory_space<vmem>> -> memref<1x128xi32, #tpu.memory_space<vmem>>
      %dma_wait3A_164 = tpu.memref_squeeze %dma_wait3A_163 : memref<1x128xi32, #tpu.memory_space<vmem>> -> memref<128xi32, #tpu.memory_space<vmem>>
      %dma_wait3A_165 = arith.constant 0 : i32
      %dma_wait3A_166 = tpu.memref_slice %arg8[%dma_wait3A_165] : memref<10240xf32, #tpu.memory_space<vmem_shared>> -> memref<10240xf32, #tpu.memory_space<vmem_shared>>
      tpu.wait_indirect_dma semaphore(%arg9 : memref<!tpu.dma_semaphore, #tpu.memory_space<semaphore_mem>>) src(%arg6 : memref<128xf32, #tpu.memory_space<vmem>>) dst(%dma_wait3A_166 : memref<10240xf32, #tpu.memory_space<vmem_shared>>)
      %dma_wait3A_167 = arith.constant 0 : i32
      %dma_wait3A_168 = arith.constant 0 : i32
      %dma_wait3A_169 = tpu.memref_slice %arg5[%dma_wait3A_167, %dma_wait3A_168] : memref<80x128xi32, #tpu.memory_space<vmem>> -> memref<1x128xi32, #tpu.memory_space<vmem>>
      %dma_wait3A_170 = tpu.memref_squeeze %dma_wait3A_169 : memref<1x128xi32, #tpu.memory_space<vmem>> -> memref<128xi32, #tpu.memory_space<vmem>>
      %dma_wait3A_171 = arith.constant 0 : i32
      %dma_wait3A_172 = tpu.memref_slice %arg8[%dma_wait3A_171] : memref<10240xf32, #tpu.memory_space<vmem_shared>> -> memref<10240xf32, #tpu.memory_space<vmem_shared>>
      tpu.wait_indirect_dma semaphore(%arg9 : memref<!tpu.dma_semaphore, #tpu.memory_space<semaphore_mem>>) src(%arg6 : memref<128xf32, #tpu.memory_space<vmem>>) dst(%dma_wait3A_172 : memref<10240xf32, #tpu.memory_space<vmem_shared>>)
      %dma_wait3A_173 = arith.constant 0 : i32
      %dma_wait3A_174 = arith.constant 0 : i32
      %dma_wait3A_175 = tpu.memref_slice %arg5[%dma_wait3A_173, %dma_wait3A_174] : memref<80x128xi32, #tpu.memory_space<vmem>> -> memref<1x128xi32, #tpu.memory_space<vmem>>
      %dma_wait3A_176 = tpu.memref_squeeze %dma_wait3A_175 : memref<1x128xi32, #tpu.memory_space<vmem>> -> memref<128xi32, #tpu.memory_space<vmem>>
      %dma_wait3A_177 = arith.constant 0 : i32
      %dma_wait3A_178 = tpu.memref_slice %arg8[%dma_wait3A_177] : memref<10240xf32, #tpu.memory_space<vmem_shared>> -> memref<10240xf32, #tpu.memory_space<vmem_shared>>
      tpu.wait_indirect_dma semaphore(%arg9 : memref<!tpu.dma_semaphore, #tpu.memory_space<semaphore_mem>>) src(%arg6 : memref<128xf32, #tpu.memory_space<vmem>>) dst(%dma_wait3A_178 : memref<10240xf32, #tpu.memory_space<vmem_shared>>)
    }
    %scan3A_55 = arith.constant 10 : i32
    %barrier3A_56 = arith.constant 0 : index
    tpu.barrier barrier_id(%barrier3A_56)
    "tpu.region"() ({
      %run_scoped3A = tpu.sem_alloc : memref<!tpu.dma_semaphore, #tpu.memory_space<semaphore_mem>>
      %dma_start3A = tpu.memref_slice %arg8[%mul3A_2] : memref<10240xf32, #tpu.memory_space<vmem_shared>> -> memref<640xf32, #tpu.memory_space<vmem_shared>>
      %dma_start3A_60 = tpu.memref_slice %arg8[%mul3A_2] : memref<10240xf32, #tpu.memory_space<vmem_shared>> -> memref<640xf32, #tpu.memory_space<vmem_shared>>
      tpu.enqueue_dma source(%dma_start3A_60 : memref<640xf32, #tpu.memory_space<vmem_shared>>) target(%arg7 : memref<640xf32, #tpu.memory_space<vmem>>) target_semaphore(%run_scoped3A : memref<!tpu.dma_semaphore, #tpu.memory_space<semaphore_mem>>)
      %dma_wait3A = tpu.memref_slice %arg8[%mul3A_2] : memref<10240xf32, #tpu.memory_space<vmem_shared>> -> memref<640xf32, #tpu.memory_space<vmem_shared>>
      %dma_wait3A_61 = tpu.memref_slice %arg8[%mul3A_2] : memref<10240xf32, #tpu.memory_space<vmem_shared>> -> memref<640xf32, #tpu.memory_space<vmem_shared>>
      tpu.wait_dma2 semaphore(%run_scoped3A : memref<!tpu.dma_semaphore, #tpu.memory_space<semaphore_mem>>) src(%dma_wait3A_61 : memref<640xf32, #tpu.memory_space<vmem_shared>>) dst(%arg7 : memref<640xf32, #tpu.memory_space<vmem>>)
      tpu.yield
    }) : () -> ()
    %mul3A_57 = arith.constant 10240 : i32
    %mul3A_58 = arith.muli %arg0, %mul3A_57 : i32
    %add3A_59 = arith.addi %mul3A_58, %mul3A_2 : i32
    "tpu.region"() ({
      %run_scoped3A = tpu.sem_alloc : memref<!tpu.dma_semaphore, #tpu.memory_space<semaphore_mem>>
      %dma_start3A = tpu.memref_slice %arg4[%add3A_59] : memref<20480xf32, #tpu.memory_space<hbm>> -> memref<640xf32, #tpu.memory_space<hbm>>
      %dma_start3A_60 = tpu.memref_slice %arg4[%add3A_59] : memref<20480xf32, #tpu.memory_space<hbm>> -> memref<640xf32, #tpu.memory_space<hbm>>
      tpu.enqueue_dma source(%arg7 : memref<640xf32, #tpu.memory_space<vmem>>) target(%dma_start3A_60 : memref<640xf32, #tpu.memory_space<hbm>>) target_semaphore(%run_scoped3A : memref<!tpu.dma_semaphore, #tpu.memory_space<semaphore_mem>>)
      %dma_wait3A = tpu.memref_slice %arg4[%add3A_59] : memref<20480xf32, #tpu.memory_space<hbm>> -> memref<640xf32, #tpu.memory_space<hbm>>
      %dma_wait3A_61 = tpu.memref_slice %arg4[%add3A_59] : memref<20480xf32, #tpu.memory_space<hbm>> -> memref<640xf32, #tpu.memory_space<hbm>>
      tpu.wait_dma2 semaphore(%run_scoped3A : memref<!tpu.dma_semaphore, #tpu.memory_space<semaphore_mem>>) src(%arg7 : memref<640xf32, #tpu.memory_space<vmem>>) dst(%dma_wait3A_61 : memref<640xf32, #tpu.memory_space<hbm>>)
      tpu.yield
    }) : () -> ()
    return
  }
}

#map = affine_map<(d0, d1) -> (0, 0)>
#map1 = affine_map<(d0, d1) -> (0, 0, 0)>
module attributes {stable_mosaic.version = 14 : i64} {
  func.func @_sc_scatter_body(%arg0: i32, %arg1: i32, %arg2: memref<10000x128xf32, #tpu.memory_space<hbm>>, %arg3: memref<2560x128xi32, #tpu.memory_space<hbm>>, %arg4: memref<2560x128xi32, #tpu.memory_space<hbm>>, %arg5: memref<10240x128xf32, #tpu.memory_space<hbm>>, %arg6: memref<2x10240x128xf32, #tpu.memory_space<hbm>>, %arg7: memref<40x128xi32, #tpu.memory_space<vmem>>, %arg8: memref<40x128xi32, #tpu.memory_space<vmem>>, %arg9: memref<128x128xf32, #tpu.memory_space<vmem>>, %arg10: memref<128x128xf32, #tpu.memory_space<vmem>>, %arg11: memref<10240x128xf32, #tpu.memory_space<vmem_shared>>, %arg12: memref<!tpu.dma_semaphore, #tpu.memory_space<semaphore_mem>>, %arg13: memref<!tpu.dma_semaphore, #tpu.memory_space<semaphore_mem>>, %arg14: memref<!tpu.dma_semaphore, #tpu.memory_space<semaphore_mem>>, %arg15: memref<!tpu.dma_semaphore, #tpu.memory_space<semaphore_mem>>) attributes {dimension_semantics = [#tpu.dimension_semantics<core_parallel>, #tpu.dimension_semantics<subcore_parallel>], iteration_bounds = array<i64: 2, 16>, scalar_prefetch = 0 : i64, scratch_operands = 9 : i64, tpu.core_type = #tpu.core_type<sc_vector_subcore>, window_params = [{transform_indices = #map}, {transform_indices = #map}, {transform_indices = #map}, {transform_indices = #map}, {transform_indices = #map1}]} {
    %mul3A = arith.constant 16 : i32
    %mul3A_0 = arith.muli %arg0, %mul3A : i32
    %add3A = arith.addi %mul3A_0, %arg1 : i32
    %mul3A_1 = arith.constant 640 : i32
    %mul3A_2 = arith.muli %arg1, %mul3A_1 : i32
    "tpu.region"() ({
      %run_scoped3A = tpu.sem_alloc : memref<!tpu.dma_semaphore, #tpu.memory_space<semaphore_mem>>
      %dma_start3A_293 = arith.constant 0 : i32
      %dma_start3A_294 = tpu.memref_slice %arg5[%mul3A_2, %dma_start3A_293] : memref<10240x128xf32, #tpu.memory_space<hbm>> -> memref<128x128xf32, #tpu.memory_space<hbm>>
      %dma_start3A_295 = arith.constant 0 : i32
      %dma_start3A_296 = tpu.memref_slice %arg5[%mul3A_2, %dma_start3A_295] : memref<10240x128xf32, #tpu.memory_space<hbm>> -> memref<128x128xf32, #tpu.memory_space<hbm>>
      tpu.enqueue_dma source(%dma_start3A_296 : memref<128x128xf32, #tpu.memory_space<hbm>>) target(%arg9 : memref<128x128xf32, #tpu.memory_space<vmem>>) target_semaphore(%run_scoped3A : memref<!tpu.dma_semaphore, #tpu.memory_space<semaphore_mem>>)
      %dma_wait3A_297 = arith.constant 0 : i32
      %dma_wait3A_298 = tpu.memref_slice %arg5[%mul3A_2, %dma_wait3A_297] : memref<10240x128xf32, #tpu.memory_space<hbm>> -> memref<128x128xf32, #tpu.memory_space<hbm>>
      %dma_wait3A_299 = arith.constant 0 : i32
      %dma_wait3A_300 = tpu.memref_slice %arg5[%mul3A_2, %dma_wait3A_299] : memref<10240x128xf32, #tpu.memory_space<hbm>> -> memref<128x128xf32, #tpu.memory_space<hbm>>
      tpu.wait_dma2 semaphore(%run_scoped3A : memref<!tpu.dma_semaphore, #tpu.memory_space<semaphore_mem>>) src(%dma_wait3A_300 : memref<128x128xf32, #tpu.memory_space<hbm>>) dst(%arg9 : memref<128x128xf32, #tpu.memory_space<vmem>>)
      tpu.yield
    }) : () -> ()
    %mul3A_3 = arith.constant 640 : i32
    %mul3A_4 = arith.muli %arg1, %mul3A_3 : i32
    %add3A_5 = arith.constant 0 : i32
    %add3A_6 = arith.addi %mul3A_4, %add3A_5 : i32
    %dma_start3A = arith.constant 0 : i32
    %dma_start3A_7 = tpu.memref_slice %arg11[%add3A_6, %dma_start3A] : memref<10240x128xf32, #tpu.memory_space<vmem_shared>> -> memref<128x128xf32, #tpu.memory_space<vmem_shared>>
    %dma_start3A_8 = arith.constant 0 : i32
    %dma_start3A_9 = tpu.memref_slice %arg11[%add3A_6, %dma_start3A_8] : memref<10240x128xf32, #tpu.memory_space<vmem_shared>> -> memref<128x128xf32, #tpu.memory_space<vmem_shared>>
    tpu.enqueue_dma source(%arg9 : memref<128x128xf32, #tpu.memory_space<vmem>>) target(%dma_start3A_9 : memref<128x128xf32, #tpu.memory_space<vmem_shared>>) target_semaphore(%arg12 : memref<!tpu.dma_semaphore, #tpu.memory_space<semaphore_mem>>)
    %mul3A_10 = arith.constant 640 : i32
    %mul3A_11 = arith.muli %arg1, %mul3A_10 : i32
    %add3A_12 = arith.constant 128 : i32
    %add3A_13 = arith.addi %mul3A_11, %add3A_12 : i32
    %dma_start3A_14 = arith.constant 0 : i32
    %dma_start3A_15 = tpu.memref_slice %arg11[%add3A_13, %dma_start3A_14] : memref<10240x128xf32, #tpu.memory_space<vmem_shared>> -> memref<128x128xf32, #tpu.memory_space<vmem_shared>>
    %dma_start3A_16 = arith.constant 0 : i32
    %dma_start3A_17 = tpu.memref_slice %arg11[%add3A_13, %dma_start3A_16] : memref<10240x128xf32, #tpu.memory_space<vmem_shared>> -> memref<128x128xf32, #tpu.memory_space<vmem_shared>>
    tpu.enqueue_dma source(%arg9 : memref<128x128xf32, #tpu.memory_space<vmem>>) target(%dma_start3A_17 : memref<128x128xf32, #tpu.memory_space<vmem_shared>>) target_semaphore(%arg12 : memref<!tpu.dma_semaphore, #tpu.memory_space<semaphore_mem>>)
    %mul3A_18 = arith.constant 640 : i32
    %mul3A_19 = arith.muli %arg1, %mul3A_18 : i32
    %add3A_20 = arith.constant 256 : i32
    %add3A_21 = arith.addi %mul3A_19, %add3A_20 : i32
    %dma_start3A_22 = arith.constant 0 : i32
    %dma_start3A_23 = tpu.memref_slice %arg11[%add3A_21, %dma_start3A_22] : memref<10240x128xf32, #tpu.memory_space<vmem_shared>> -> memref<128x128xf32, #tpu.memory_space<vmem_shared>>
    %dma_start3A_24 = arith.constant 0 : i32
    %dma_start3A_25 = tpu.memref_slice %arg11[%add3A_21, %dma_start3A_24] : memref<10240x128xf32, #tpu.memory_space<vmem_shared>> -> memref<128x128xf32, #tpu.memory_space<vmem_shared>>
    tpu.enqueue_dma source(%arg9 : memref<128x128xf32, #tpu.memory_space<vmem>>) target(%dma_start3A_25 : memref<128x128xf32, #tpu.memory_space<vmem_shared>>) target_semaphore(%arg12 : memref<!tpu.dma_semaphore, #tpu.memory_space<semaphore_mem>>)
    %mul3A_26 = arith.constant 640 : i32
    %mul3A_27 = arith.muli %arg1, %mul3A_26 : i32
    %add3A_28 = arith.constant 384 : i32
    %add3A_29 = arith.addi %mul3A_27, %add3A_28 : i32
    %dma_start3A_30 = arith.constant 0 : i32
    %dma_start3A_31 = tpu.memref_slice %arg11[%add3A_29, %dma_start3A_30] : memref<10240x128xf32, #tpu.memory_space<vmem_shared>> -> memref<128x128xf32, #tpu.memory_space<vmem_shared>>
    %dma_start3A_32 = arith.constant 0 : i32
    %dma_start3A_33 = tpu.memref_slice %arg11[%add3A_29, %dma_start3A_32] : memref<10240x128xf32, #tpu.memory_space<vmem_shared>> -> memref<128x128xf32, #tpu.memory_space<vmem_shared>>
    tpu.enqueue_dma source(%arg9 : memref<128x128xf32, #tpu.memory_space<vmem>>) target(%dma_start3A_33 : memref<128x128xf32, #tpu.memory_space<vmem_shared>>) target_semaphore(%arg12 : memref<!tpu.dma_semaphore, #tpu.memory_space<semaphore_mem>>)
    %mul3A_34 = arith.constant 640 : i32
    %mul3A_35 = arith.muli %arg1, %mul3A_34 : i32
    %add3A_36 = arith.constant 512 : i32
    %add3A_37 = arith.addi %mul3A_35, %add3A_36 : i32
    %dma_start3A_38 = arith.constant 0 : i32
    %dma_start3A_39 = tpu.memref_slice %arg11[%add3A_37, %dma_start3A_38] : memref<10240x128xf32, #tpu.memory_space<vmem_shared>> -> memref<128x128xf32, #tpu.memory_space<vmem_shared>>
    %dma_start3A_40 = arith.constant 0 : i32
    %dma_start3A_41 = tpu.memref_slice %arg11[%add3A_37, %dma_start3A_40] : memref<10240x128xf32, #tpu.memory_space<vmem_shared>> -> memref<128x128xf32, #tpu.memory_space<vmem_shared>>
    tpu.enqueue_dma source(%arg9 : memref<128x128xf32, #tpu.memory_space<vmem>>) target(%dma_start3A_41 : memref<128x128xf32, #tpu.memory_space<vmem_shared>>) target_semaphore(%arg12 : memref<!tpu.dma_semaphore, #tpu.memory_space<semaphore_mem>>)
    %dma_wait3A = arith.constant 0 : i32
    %dma_wait3A_42 = arith.constant 0 : i32
    %dma_wait3A_43 = tpu.memref_slice %arg11[%dma_wait3A, %dma_wait3A_42] : memref<10240x128xf32, #tpu.memory_space<vmem_shared>> -> memref<128x128xf32, #tpu.memory_space<vmem_shared>>
    %dma_wait3A_44 = arith.constant 0 : i32
    %dma_wait3A_45 = arith.constant 0 : i32
    %dma_wait3A_46 = tpu.memref_slice %arg11[%dma_wait3A_44, %dma_wait3A_45] : memref<10240x128xf32, #tpu.memory_space<vmem_shared>> -> memref<128x128xf32, #tpu.memory_space<vmem_shared>>
    tpu.wait_dma2 semaphore(%arg12 : memref<!tpu.dma_semaphore, #tpu.memory_space<semaphore_mem>>) src(%arg9 : memref<128x128xf32, #tpu.memory_space<vmem>>) dst(%dma_wait3A_46 : memref<128x128xf32, #tpu.memory_space<vmem_shared>>)
    %dma_wait3A_47 = arith.constant 0 : i32
    %dma_wait3A_48 = arith.constant 0 : i32
    %dma_wait3A_49 = tpu.memref_slice %arg11[%dma_wait3A_47, %dma_wait3A_48] : memref<10240x128xf32, #tpu.memory_space<vmem_shared>> -> memref<128x128xf32, #tpu.memory_space<vmem_shared>>
    %dma_wait3A_50 = arith.constant 0 : i32
    %dma_wait3A_51 = arith.constant 0 : i32
    %dma_wait3A_52 = tpu.memref_slice %arg11[%dma_wait3A_50, %dma_wait3A_51] : memref<10240x128xf32, #tpu.memory_space<vmem_shared>> -> memref<128x128xf32, #tpu.memory_space<vmem_shared>>
    tpu.wait_dma2 semaphore(%arg12 : memref<!tpu.dma_semaphore, #tpu.memory_space<semaphore_mem>>) src(%arg9 : memref<128x128xf32, #tpu.memory_space<vmem>>) dst(%dma_wait3A_52 : memref<128x128xf32, #tpu.memory_space<vmem_shared>>)
    %dma_wait3A_53 = arith.constant 0 : i32
    %dma_wait3A_54 = arith.constant 0 : i32
    %dma_wait3A_55 = tpu.memref_slice %arg11[%dma_wait3A_53, %dma_wait3A_54] : memref<10240x128xf32, #tpu.memory_space<vmem_shared>> -> memref<128x128xf32, #tpu.memory_space<vmem_shared>>
    %dma_wait3A_56 = arith.constant 0 : i32
    %dma_wait3A_57 = arith.constant 0 : i32
    %dma_wait3A_58 = tpu.memref_slice %arg11[%dma_wait3A_56, %dma_wait3A_57] : memref<10240x128xf32, #tpu.memory_space<vmem_shared>> -> memref<128x128xf32, #tpu.memory_space<vmem_shared>>
    tpu.wait_dma2 semaphore(%arg12 : memref<!tpu.dma_semaphore, #tpu.memory_space<semaphore_mem>>) src(%arg9 : memref<128x128xf32, #tpu.memory_space<vmem>>) dst(%dma_wait3A_58 : memref<128x128xf32, #tpu.memory_space<vmem_shared>>)
    %dma_wait3A_59 = arith.constant 0 : i32
    %dma_wait3A_60 = arith.constant 0 : i32
    %dma_wait3A_61 = tpu.memref_slice %arg11[%dma_wait3A_59, %dma_wait3A_60] : memref<10240x128xf32, #tpu.memory_space<vmem_shared>> -> memref<128x128xf32, #tpu.memory_space<vmem_shared>>
    %dma_wait3A_62 = arith.constant 0 : i32
    %dma_wait3A_63 = arith.constant 0 : i32
    %dma_wait3A_64 = tpu.memref_slice %arg11[%dma_wait3A_62, %dma_wait3A_63] : memref<10240x128xf32, #tpu.memory_space<vmem_shared>> -> memref<128x128xf32, #tpu.memory_space<vmem_shared>>
    tpu.wait_dma2 semaphore(%arg12 : memref<!tpu.dma_semaphore, #tpu.memory_space<semaphore_mem>>) src(%arg9 : memref<128x128xf32, #tpu.memory_space<vmem>>) dst(%dma_wait3A_64 : memref<128x128xf32, #tpu.memory_space<vmem_shared>>)
    %dma_wait3A_65 = arith.constant 0 : i32
    %dma_wait3A_66 = arith.constant 0 : i32
    %dma_wait3A_67 = tpu.memref_slice %arg11[%dma_wait3A_65, %dma_wait3A_66] : memref<10240x128xf32, #tpu.memory_space<vmem_shared>> -> memref<128x128xf32, #tpu.memory_space<vmem_shared>>
    %dma_wait3A_68 = arith.constant 0 : i32
    %dma_wait3A_69 = arith.constant 0 : i32
    %dma_wait3A_70 = tpu.memref_slice %arg11[%dma_wait3A_68, %dma_wait3A_69] : memref<10240x128xf32, #tpu.memory_space<vmem_shared>> -> memref<128x128xf32, #tpu.memory_space<vmem_shared>>
    tpu.wait_dma2 semaphore(%arg12 : memref<!tpu.dma_semaphore, #tpu.memory_space<semaphore_mem>>) src(%arg9 : memref<128x128xf32, #tpu.memory_space<vmem>>) dst(%dma_wait3A_70 : memref<128x128xf32, #tpu.memory_space<vmem_shared>>)
    %barrier3A = arith.constant 0 : index
    tpu.barrier barrier_id(%barrier3A)
    %mul3A_71 = arith.constant 80 : i32
    %mul3A_72 = arith.muli %add3A, %mul3A_71 : i32
    %add3A_73 = arith.constant 0 : i32
    %add3A_74 = arith.addi %mul3A_72, %add3A_73 : i32
    "tpu.region"() ({
      %run_scoped3A = tpu.sem_alloc : memref<!tpu.dma_semaphore, #tpu.memory_space<semaphore_mem>>
      %dma_start3A_293 = arith.constant 0 : i32
      %dma_start3A_294 = tpu.memref_slice %arg3[%add3A_74, %dma_start3A_293] : memref<2560x128xi32, #tpu.memory_space<hbm>> -> memref<40x128xi32, #tpu.memory_space<hbm>>
      %dma_start3A_295 = arith.constant 0 : i32
      %dma_start3A_296 = tpu.memref_slice %arg3[%add3A_74, %dma_start3A_295] : memref<2560x128xi32, #tpu.memory_space<hbm>> -> memref<40x128xi32, #tpu.memory_space<hbm>>
      tpu.enqueue_dma source(%dma_start3A_296 : memref<40x128xi32, #tpu.memory_space<hbm>>) target(%arg7 : memref<40x128xi32, #tpu.memory_space<vmem>>) target_semaphore(%run_scoped3A : memref<!tpu.dma_semaphore, #tpu.memory_space<semaphore_mem>>)
      %dma_wait3A_297 = arith.constant 0 : i32
      %dma_wait3A_298 = tpu.memref_slice %arg3[%add3A_74, %dma_wait3A_297] : memref<2560x128xi32, #tpu.memory_space<hbm>> -> memref<40x128xi32, #tpu.memory_space<hbm>>
      %dma_wait3A_299 = arith.constant 0 : i32
      %dma_wait3A_300 = tpu.memref_slice %arg3[%add3A_74, %dma_wait3A_299] : memref<2560x128xi32, #tpu.memory_space<hbm>> -> memref<40x128xi32, #tpu.memory_space<hbm>>
      tpu.wait_dma2 semaphore(%run_scoped3A : memref<!tpu.dma_semaphore, #tpu.memory_space<semaphore_mem>>) src(%dma_wait3A_300 : memref<40x128xi32, #tpu.memory_space<hbm>>) dst(%arg7 : memref<40x128xi32, #tpu.memory_space<vmem>>)
      tpu.yield
    }) : () -> ()
    "tpu.region"() ({
      %run_scoped3A = tpu.sem_alloc : memref<!tpu.dma_semaphore, #tpu.memory_space<semaphore_mem>>
      %dma_start3A_293 = arith.constant 0 : i32
      %dma_start3A_294 = tpu.memref_slice %arg4[%add3A_74, %dma_start3A_293] : memref<2560x128xi32, #tpu.memory_space<hbm>> -> memref<40x128xi32, #tpu.memory_space<hbm>>
      %dma_start3A_295 = arith.constant 0 : i32
      %dma_start3A_296 = tpu.memref_slice %arg4[%add3A_74, %dma_start3A_295] : memref<2560x128xi32, #tpu.memory_space<hbm>> -> memref<40x128xi32, #tpu.memory_space<hbm>>
      tpu.enqueue_dma source(%dma_start3A_296 : memref<40x128xi32, #tpu.memory_space<hbm>>) target(%arg8 : memref<40x128xi32, #tpu.memory_space<vmem>>) target_semaphore(%run_scoped3A : memref<!tpu.dma_semaphore, #tpu.memory_space<semaphore_mem>>)
      %dma_wait3A_297 = arith.constant 0 : i32
      %dma_wait3A_298 = tpu.memref_slice %arg4[%add3A_74, %dma_wait3A_297] : memref<2560x128xi32, #tpu.memory_space<hbm>> -> memref<40x128xi32, #tpu.memory_space<hbm>>
      %dma_wait3A_299 = arith.constant 0 : i32
      %dma_wait3A_300 = tpu.memref_slice %arg4[%add3A_74, %dma_wait3A_299] : memref<2560x128xi32, #tpu.memory_space<hbm>> -> memref<40x128xi32, #tpu.memory_space<hbm>>
      tpu.wait_dma2 semaphore(%run_scoped3A : memref<!tpu.dma_semaphore, #tpu.memory_space<semaphore_mem>>) src(%dma_wait3A_300 : memref<40x128xi32, #tpu.memory_space<hbm>>) dst(%arg8 : memref<40x128xi32, #tpu.memory_space<vmem>>)
      tpu.yield
    }) : () -> ()
    %dma_start3A_75 = arith.constant 0 : i32
    %dma_start3A_76 = arith.constant 0 : i32
    %dma_start3A_77 = tpu.memref_slice %arg7[%dma_start3A_75, %dma_start3A_76] : memref<40x128xi32, #tpu.memory_space<vmem>> -> memref<1x128xi32, #tpu.memory_space<vmem>>
    %dma_start3A_78 = tpu.memref_squeeze %dma_start3A_77 : memref<1x128xi32, #tpu.memory_space<vmem>> -> memref<128xi32, #tpu.memory_space<vmem>>
    %dma_start3A_79 = arith.constant 0 : i32
    %dma_start3A_80 = arith.constant 0 : i32
    %dma_start3A_81 = tpu.memref_slice %arg2[%dma_start3A_79, %dma_start3A_80] : memref<10000x128xf32, #tpu.memory_space<hbm>> -> memref<10000x128xf32, #tpu.memory_space<hbm>>
    tpu.enqueue_indirect_dma source(%dma_start3A_81 : memref<10000x128xf32, #tpu.memory_space<hbm>>) target(%arg9 : memref<128x128xf32, #tpu.memory_space<vmem>>) offsets(%dma_start3A_78 : memref<128xi32, #tpu.memory_space<vmem>>) semaphore(%arg12 : memref<!tpu.dma_semaphore, #tpu.memory_space<semaphore_mem>>)
    %dma_start3A_82 = arith.constant 1 : i32
    %dma_start3A_83 = arith.constant 0 : i32
    %dma_start3A_84 = tpu.memref_slice %arg7[%dma_start3A_82, %dma_start3A_83] : memref<40x128xi32, #tpu.memory_space<vmem>> -> memref<1x128xi32, #tpu.memory_space<vmem>>
    %dma_start3A_85 = tpu.memref_squeeze %dma_start3A_84 : memref<1x128xi32, #tpu.memory_space<vmem>> -> memref<128xi32, #tpu.memory_space<vmem>>
    %dma_start3A_86 = arith.constant 0 : i32
    %dma_start3A_87 = arith.constant 0 : i32
    %dma_start3A_88 = tpu.memref_slice %arg2[%dma_start3A_86, %dma_start3A_87] : memref<10000x128xf32, #tpu.memory_space<hbm>> -> memref<10000x128xf32, #tpu.memory_space<hbm>>
    tpu.enqueue_indirect_dma source(%dma_start3A_88 : memref<10000x128xf32, #tpu.memory_space<hbm>>) target(%arg10 : memref<128x128xf32, #tpu.memory_space<vmem>>) offsets(%dma_start3A_85 : memref<128xi32, #tpu.memory_space<vmem>>) semaphore(%arg13 : memref<!tpu.dma_semaphore, #tpu.memory_space<semaphore_mem>>)
    %dma_wait3A_89 = arith.constant 0 : i32
    %dma_wait3A_90 = arith.constant 0 : i32
    %dma_wait3A_91 = tpu.memref_slice %arg7[%dma_wait3A_89, %dma_wait3A_90] : memref<40x128xi32, #tpu.memory_space<vmem>> -> memref<1x128xi32, #tpu.memory_space<vmem>>
    %dma_wait3A_92 = tpu.memref_squeeze %dma_wait3A_91 : memref<1x128xi32, #tpu.memory_space<vmem>> -> memref<128xi32, #tpu.memory_space<vmem>>
    %dma_wait3A_93 = arith.constant 0 : i32
    %dma_wait3A_94 = arith.constant 0 : i32
    %dma_wait3A_95 = tpu.memref_slice %arg2[%dma_wait3A_93, %dma_wait3A_94] : memref<10000x128xf32, #tpu.memory_space<hbm>> -> memref<10000x128xf32, #tpu.memory_space<hbm>>
    tpu.wait_indirect_dma semaphore(%arg12 : memref<!tpu.dma_semaphore, #tpu.memory_space<semaphore_mem>>) src(%dma_wait3A_95 : memref<10000x128xf32, #tpu.memory_space<hbm>>) dst(%arg9 : memref<128x128xf32, #tpu.memory_space<vmem>>)
    %dma_start3A_96 = arith.constant 0 : i32
    %dma_start3A_97 = arith.constant 0 : i32
    %dma_start3A_98 = tpu.memref_slice %arg8[%dma_start3A_96, %dma_start3A_97] : memref<40x128xi32, #tpu.memory_space<vmem>> -> memref<1x128xi32, #tpu.memory_space<vmem>>
    %dma_start3A_99 = tpu.memref_squeeze %dma_start3A_98 : memref<1x128xi32, #tpu.memory_space<vmem>> -> memref<128xi32, #tpu.memory_space<vmem>>
    %dma_start3A_100 = arith.constant 0 : i32
    %dma_start3A_101 = arith.constant 0 : i32
    %dma_start3A_102 = tpu.memref_slice %arg11[%dma_start3A_100, %dma_start3A_101] : memref<10240x128xf32, #tpu.memory_space<vmem_shared>> -> memref<10240x128xf32, #tpu.memory_space<vmem_shared>>
    tpu.enqueue_indirect_dma source(%arg9 : memref<128x128xf32, #tpu.memory_space<vmem>>) target(%dma_start3A_102 : memref<10240x128xf32, #tpu.memory_space<vmem_shared>>) offsets(%dma_start3A_99 : memref<128xi32, #tpu.memory_space<vmem>>) semaphore(%arg14 : memref<!tpu.dma_semaphore, #tpu.memory_space<semaphore_mem>>) {add = true}
    %scan3A = arith.constant 0 : i32
    %scan3A_103 = arith.constant 0 : i32
    %scan3A_104 = arith.constant 19 : i32
    %scan3A_105 = arith.addi %scan3A_103, %scan3A_104 : i32
    %scan3A_106 = arith.constant 1 : i32
    scf.for %scan3A_293 = %scan3A_103 to %scan3A_105 step %scan3A_106  : i32 {
      %mul3A_294 = arith.constant 2 : i32
      %mul3A_295 = arith.muli %mul3A_294, %scan3A_293 : i32
      %add3A_296 = arith.constant 1 : i32
      %add3A_297 = arith.addi %mul3A_295, %add3A_296 : i32
      %dma_wait3A_298 = arith.constant 0 : i32
      %dma_wait3A_299 = arith.constant 0 : i32
      %dma_wait3A_300 = tpu.memref_slice %arg8[%dma_wait3A_298, %dma_wait3A_299] : memref<40x128xi32, #tpu.memory_space<vmem>> -> memref<1x128xi32, #tpu.memory_space<vmem>>
      %dma_wait3A_301 = tpu.memref_squeeze %dma_wait3A_300 : memref<1x128xi32, #tpu.memory_space<vmem>> -> memref<128xi32, #tpu.memory_space<vmem>>
      %dma_wait3A_302 = arith.constant 0 : i32
      %dma_wait3A_303 = arith.constant 0 : i32
      %dma_wait3A_304 = tpu.memref_slice %arg11[%dma_wait3A_302, %dma_wait3A_303] : memref<10240x128xf32, #tpu.memory_space<vmem_shared>> -> memref<10240x128xf32, #tpu.memory_space<vmem_shared>>
      tpu.wait_indirect_dma semaphore(%arg14 : memref<!tpu.dma_semaphore, #tpu.memory_space<semaphore_mem>>) src(%arg9 : memref<128x128xf32, #tpu.memory_space<vmem>>) dst(%dma_wait3A_304 : memref<10240x128xf32, #tpu.memory_space<vmem_shared>>)
      %add3A_305 = arith.constant 1 : i32
      %add3A_306 = arith.addi %add3A_297, %add3A_305 : i32
      %dma_start3A_307 = arith.constant 0 : i32
      %dma_start3A_308 = tpu.memref_slice %arg7[%add3A_306, %dma_start3A_307] : memref<40x128xi32, #tpu.memory_space<vmem>> -> memref<1x128xi32, #tpu.memory_space<vmem>>
      %dma_start3A_309 = tpu.memref_squeeze %dma_start3A_308 : memref<1x128xi32, #tpu.memory_space<vmem>> -> memref<128xi32, #tpu.memory_space<vmem>>
      %dma_start3A_310 = arith.constant 0 : i32
      %dma_start3A_311 = arith.constant 0 : i32
      %dma_start3A_312 = tpu.memref_slice %arg2[%dma_start3A_310, %dma_start3A_311] : memref<10000x128xf32, #tpu.memory_space<hbm>> -> memref<10000x128xf32, #tpu.memory_space<hbm>>
      tpu.enqueue_indirect_dma source(%dma_start3A_312 : memref<10000x128xf32, #tpu.memory_space<hbm>>) target(%arg9 : memref<128x128xf32, #tpu.memory_space<vmem>>) offsets(%dma_start3A_309 : memref<128xi32, #tpu.memory_space<vmem>>) semaphore(%arg12 : memref<!tpu.dma_semaphore, #tpu.memory_space<semaphore_mem>>)
      %dma_wait3A_313 = arith.constant 0 : i32
      %dma_wait3A_314 = arith.constant 0 : i32
      %dma_wait3A_315 = tpu.memref_slice %arg7[%dma_wait3A_313, %dma_wait3A_314] : memref<40x128xi32, #tpu.memory_space<vmem>> -> memref<1x128xi32, #tpu.memory_space<vmem>>
      %dma_wait3A_316 = tpu.memref_squeeze %dma_wait3A_315 : memref<1x128xi32, #tpu.memory_space<vmem>> -> memref<128xi32, #tpu.memory_space<vmem>>
      %dma_wait3A_317 = arith.constant 0 : i32
      %dma_wait3A_318 = arith.constant 0 : i32
      %dma_wait3A_319 = tpu.memref_slice %arg2[%dma_wait3A_317, %dma_wait3A_318] : memref<10000x128xf32, #tpu.memory_space<hbm>> -> memref<10000x128xf32, #tpu.memory_space<hbm>>
      tpu.wait_indirect_dma semaphore(%arg13 : memref<!tpu.dma_semaphore, #tpu.memory_space<semaphore_mem>>) src(%dma_wait3A_319 : memref<10000x128xf32, #tpu.memory_space<hbm>>) dst(%arg10 : memref<128x128xf32, #tpu.memory_space<vmem>>)
      %dma_start3A_320 = arith.constant 0 : i32
      %dma_start3A_321 = tpu.memref_slice %arg8[%add3A_297, %dma_start3A_320] : memref<40x128xi32, #tpu.memory_space<vmem>> -> memref<1x128xi32, #tpu.memory_space<vmem>>
      %dma_start3A_322 = tpu.memref_squeeze %dma_start3A_321 : memref<1x128xi32, #tpu.memory_space<vmem>> -> memref<128xi32, #tpu.memory_space<vmem>>
      %dma_start3A_323 = arith.constant 0 : i32
      %dma_start3A_324 = arith.constant 0 : i32
      %dma_start3A_325 = tpu.memref_slice %arg11[%dma_start3A_323, %dma_start3A_324] : memref<10240x128xf32, #tpu.memory_space<vmem_shared>> -> memref<10240x128xf32, #tpu.memory_space<vmem_shared>>
      tpu.enqueue_indirect_dma source(%arg10 : memref<128x128xf32, #tpu.memory_space<vmem>>) target(%dma_start3A_325 : memref<10240x128xf32, #tpu.memory_space<vmem_shared>>) offsets(%dma_start3A_322 : memref<128xi32, #tpu.memory_space<vmem>>) semaphore(%arg15 : memref<!tpu.dma_semaphore, #tpu.memory_space<semaphore_mem>>) {add = true}
      %dma_wait3A_326 = arith.constant 0 : i32
      %dma_wait3A_327 = arith.constant 0 : i32
      %dma_wait3A_328 = tpu.memref_slice %arg8[%dma_wait3A_326, %dma_wait3A_327] : memref<40x128xi32, #tpu.memory_space<vmem>> -> memref<1x128xi32, #tpu.memory_space<vmem>>
      %dma_wait3A_329 = tpu.memref_squeeze %dma_wait3A_328 : memref<1x128xi32, #tpu.memory_space<vmem>> -> memref<128xi32, #tpu.memory_space<vmem>>
      %dma_wait3A_330 = arith.constant 0 : i32
      %dma_wait3A_331 = arith.constant 0 : i32
      %dma_wait3A_332 = tpu.memref_slice %arg11[%dma_wait3A_330, %dma_wait3A_331] : memref<10240x128xf32, #tpu.memory_space<vmem_shared>> -> memref<10240x128xf32, #tpu.memory_space<vmem_shared>>
      tpu.wait_indirect_dma semaphore(%arg15 : memref<!tpu.dma_semaphore, #tpu.memory_space<semaphore_mem>>) src(%arg10 : memref<128x128xf32, #tpu.memory_space<vmem>>) dst(%dma_wait3A_332 : memref<10240x128xf32, #tpu.memory_space<vmem_shared>>)
      %add3A_333 = arith.constant 2 : i32
      %add3A_334 = arith.addi %add3A_297, %add3A_333 : i32
      %dma_start3A_335 = arith.constant 0 : i32
      %dma_start3A_336 = tpu.memref_slice %arg7[%add3A_334, %dma_start3A_335] : memref<40x128xi32, #tpu.memory_space<vmem>> -> memref<1x128xi32, #tpu.memory_space<vmem>>
      %dma_start3A_337 = tpu.memref_squeeze %dma_start3A_336 : memref<1x128xi32, #tpu.memory_space<vmem>> -> memref<128xi32, #tpu.memory_space<vmem>>
      %dma_start3A_338 = arith.constant 0 : i32
      %dma_start3A_339 = arith.constant 0 : i32
      %dma_start3A_340 = tpu.memref_slice %arg2[%dma_start3A_338, %dma_start3A_339] : memref<10000x128xf32, #tpu.memory_space<hbm>> -> memref<10000x128xf32, #tpu.memory_space<hbm>>
      tpu.enqueue_indirect_dma source(%dma_start3A_340 : memref<10000x128xf32, #tpu.memory_space<hbm>>) target(%arg10 : memref<128x128xf32, #tpu.memory_space<vmem>>) offsets(%dma_start3A_337 : memref<128xi32, #tpu.memory_space<vmem>>) semaphore(%arg13 : memref<!tpu.dma_semaphore, #tpu.memory_space<semaphore_mem>>)
      %dma_wait3A_341 = arith.constant 0 : i32
      %dma_wait3A_342 = arith.constant 0 : i32
      %dma_wait3A_343 = tpu.memref_slice %arg7[%dma_wait3A_341, %dma_wait3A_342] : memref<40x128xi32, #tpu.memory_space<vmem>> -> memref<1x128xi32, #tpu.memory_space<vmem>>
      %dma_wait3A_344 = tpu.memref_squeeze %dma_wait3A_343 : memref<1x128xi32, #tpu.memory_space<vmem>> -> memref<128xi32, #tpu.memory_space<vmem>>
      %dma_wait3A_345 = arith.constant 0 : i32
      %dma_wait3A_346 = arith.constant 0 : i32
      %dma_wait3A_347 = tpu.memref_slice %arg2[%dma_wait3A_345, %dma_wait3A_346] : memref<10000x128xf32, #tpu.memory_space<hbm>> -> memref<10000x128xf32, #tpu.memory_space<hbm>>
      tpu.wait_indirect_dma semaphore(%arg12 : memref<!tpu.dma_semaphore, #tpu.memory_space<semaphore_mem>>) src(%dma_wait3A_347 : memref<10000x128xf32, #tpu.memory_space<hbm>>) dst(%arg9 : memref<128x128xf32, #tpu.memory_space<vmem>>)
      %add3A_348 = arith.constant 1 : i32
      %add3A_349 = arith.addi %add3A_297, %add3A_348 : i32
      %dma_start3A_350 = arith.constant 0 : i32
      %dma_start3A_351 = tpu.memref_slice %arg8[%add3A_349, %dma_start3A_350] : memref<40x128xi32, #tpu.memory_space<vmem>> -> memref<1x128xi32, #tpu.memory_space<vmem>>
      %dma_start3A_352 = tpu.memref_squeeze %dma_start3A_351 : memref<1x128xi32, #tpu.memory_space<vmem>> -> memref<128xi32, #tpu.memory_space<vmem>>
      %dma_start3A_353 = arith.constant 0 : i32
      %dma_start3A_354 = arith.constant 0 : i32
      %dma_start3A_355 = tpu.memref_slice %arg11[%dma_start3A_353, %dma_start3A_354] : memref<10240x128xf32, #tpu.memory_space<vmem_shared>> -> memref<10240x128xf32, #tpu.memory_space<vmem_shared>>
      tpu.enqueue_indirect_dma source(%arg9 : memref<128x128xf32, #tpu.memory_space<vmem>>) target(%dma_start3A_355 : memref<10240x128xf32, #tpu.memory_space<vmem_shared>>) offsets(%dma_start3A_352 : memref<128xi32, #tpu.memory_space<vmem>>) semaphore(%arg14 : memref<!tpu.dma_semaphore, #tpu.memory_space<semaphore_mem>>) {add = true}
    }
    %scan3A_107 = arith.constant 19 : i32
    %dma_wait3A_108 = arith.constant 0 : i32
    %dma_wait3A_109 = arith.constant 0 : i32
    %dma_wait3A_110 = tpu.memref_slice %arg7[%dma_wait3A_108, %dma_wait3A_109] : memref<40x128xi32, #tpu.memory_space<vmem>> -> memref<1x128xi32, #tpu.memory_space<vmem>>
    %dma_wait3A_111 = tpu.memref_squeeze %dma_wait3A_110 : memref<1x128xi32, #tpu.memory_space<vmem>> -> memref<128xi32, #tpu.memory_space<vmem>>
    %dma_wait3A_112 = arith.constant 0 : i32
    %dma_wait3A_113 = arith.constant 0 : i32
    %dma_wait3A_114 = tpu.memref_slice %arg2[%dma_wait3A_112, %dma_wait3A_113] : memref<10000x128xf32, #tpu.memory_space<hbm>> -> memref<10000x128xf32, #tpu.memory_space<hbm>>
    tpu.wait_indirect_dma semaphore(%arg13 : memref<!tpu.dma_semaphore, #tpu.memory_space<semaphore_mem>>) src(%dma_wait3A_114 : memref<10000x128xf32, #tpu.memory_space<hbm>>) dst(%arg10 : memref<128x128xf32, #tpu.memory_space<vmem>>)
    %dma_start3A_115 = arith.constant 39 : i32
    %dma_start3A_116 = arith.constant 0 : i32
    %dma_start3A_117 = tpu.memref_slice %arg8[%dma_start3A_115, %dma_start3A_116] : memref<40x128xi32, #tpu.memory_space<vmem>> -> memref<1x128xi32, #tpu.memory_space<vmem>>
    %dma_start3A_118 = tpu.memref_squeeze %dma_start3A_117 : memref<1x128xi32, #tpu.memory_space<vmem>> -> memref<128xi32, #tpu.memory_space<vmem>>
    %dma_start3A_119 = arith.constant 0 : i32
    %dma_start3A_120 = arith.constant 0 : i32
    %dma_start3A_121 = tpu.memref_slice %arg11[%dma_start3A_119, %dma_start3A_120] : memref<10240x128xf32, #tpu.memory_space<vmem_shared>> -> memref<10240x128xf32, #tpu.memory_space<vmem_shared>>
    tpu.enqueue_indirect_dma source(%arg10 : memref<128x128xf32, #tpu.memory_space<vmem>>) target(%dma_start3A_121 : memref<10240x128xf32, #tpu.memory_space<vmem_shared>>) offsets(%dma_start3A_118 : memref<128xi32, #tpu.memory_space<vmem>>) semaphore(%arg15 : memref<!tpu.dma_semaphore, #tpu.memory_space<semaphore_mem>>) {add = true}
    %dma_wait3A_122 = arith.constant 0 : i32
    %dma_wait3A_123 = arith.constant 0 : i32
    %dma_wait3A_124 = tpu.memref_slice %arg8[%dma_wait3A_122, %dma_wait3A_123] : memref<40x128xi32, #tpu.memory_space<vmem>> -> memref<1x128xi32, #tpu.memory_space<vmem>>
    %dma_wait3A_125 = tpu.memref_squeeze %dma_wait3A_124 : memref<1x128xi32, #tpu.memory_space<vmem>> -> memref<128xi32, #tpu.memory_space<vmem>>
    %dma_wait3A_126 = arith.constant 0 : i32
    %dma_wait3A_127 = arith.constant 0 : i32
    %dma_wait3A_128 = tpu.memref_slice %arg11[%dma_wait3A_126, %dma_wait3A_127] : memref<10240x128xf32, #tpu.memory_space<vmem_shared>> -> memref<10240x128xf32, #tpu.memory_space<vmem_shared>>
    tpu.wait_indirect_dma semaphore(%arg14 : memref<!tpu.dma_semaphore, #tpu.memory_space<semaphore_mem>>) src(%arg9 : memref<128x128xf32, #tpu.memory_space<vmem>>) dst(%dma_wait3A_128 : memref<10240x128xf32, #tpu.memory_space<vmem_shared>>)
    %dma_wait3A_129 = arith.constant 0 : i32
    %dma_wait3A_130 = arith.constant 0 : i32
    %dma_wait3A_131 = tpu.memref_slice %arg8[%dma_wait3A_129, %dma_wait3A_130] : memref<40x128xi32, #tpu.memory_space<vmem>> -> memref<1x128xi32, #tpu.memory_space<vmem>>
    %dma_wait3A_132 = tpu.memref_squeeze %dma_wait3A_131 : memref<1x128xi32, #tpu.memory_space<vmem>> -> memref<128xi32, #tpu.memory_space<vmem>>
    %dma_wait3A_133 = arith.constant 0 : i32
    %dma_wait3A_134 = arith.constant 0 : i32
    %dma_wait3A_135 = tpu.memref_slice %arg11[%dma_wait3A_133, %dma_wait3A_134] : memref<10240x128xf32, #tpu.memory_space<vmem_shared>> -> memref<10240x128xf32, #tpu.memory_space<vmem_shared>>
    tpu.wait_indirect_dma semaphore(%arg15 : memref<!tpu.dma_semaphore, #tpu.memory_space<semaphore_mem>>) src(%arg10 : memref<128x128xf32, #tpu.memory_space<vmem>>) dst(%dma_wait3A_135 : memref<10240x128xf32, #tpu.memory_space<vmem_shared>>)
    %mul3A_136 = arith.constant 80 : i32
    %mul3A_137 = arith.muli %add3A, %mul3A_136 : i32
    %add3A_138 = arith.constant 40 : i32
    %add3A_139 = arith.addi %mul3A_137, %add3A_138 : i32
    "tpu.region"() ({
      %run_scoped3A = tpu.sem_alloc : memref<!tpu.dma_semaphore, #tpu.memory_space<semaphore_mem>>
      %dma_start3A_293 = arith.constant 0 : i32
      %dma_start3A_294 = tpu.memref_slice %arg3[%add3A_139, %dma_start3A_293] : memref<2560x128xi32, #tpu.memory_space<hbm>> -> memref<40x128xi32, #tpu.memory_space<hbm>>
      %dma_start3A_295 = arith.constant 0 : i32
      %dma_start3A_296 = tpu.memref_slice %arg3[%add3A_139, %dma_start3A_295] : memref<2560x128xi32, #tpu.memory_space<hbm>> -> memref<40x128xi32, #tpu.memory_space<hbm>>
      tpu.enqueue_dma source(%dma_start3A_296 : memref<40x128xi32, #tpu.memory_space<hbm>>) target(%arg7 : memref<40x128xi32, #tpu.memory_space<vmem>>) target_semaphore(%run_scoped3A : memref<!tpu.dma_semaphore, #tpu.memory_space<semaphore_mem>>)
      %dma_wait3A_297 = arith.constant 0 : i32
      %dma_wait3A_298 = tpu.memref_slice %arg3[%add3A_139, %dma_wait3A_297] : memref<2560x128xi32, #tpu.memory_space<hbm>> -> memref<40x128xi32, #tpu.memory_space<hbm>>
      %dma_wait3A_299 = arith.constant 0 : i32
      %dma_wait3A_300 = tpu.memref_slice %arg3[%add3A_139, %dma_wait3A_299] : memref<2560x128xi32, #tpu.memory_space<hbm>> -> memref<40x128xi32, #tpu.memory_space<hbm>>
      tpu.wait_dma2 semaphore(%run_scoped3A : memref<!tpu.dma_semaphore, #tpu.memory_space<semaphore_mem>>) src(%dma_wait3A_300 : memref<40x128xi32, #tpu.memory_space<hbm>>) dst(%arg7 : memref<40x128xi32, #tpu.memory_space<vmem>>)
      tpu.yield
    }) : () -> ()
    "tpu.region"() ({
      %run_scoped3A = tpu.sem_alloc : memref<!tpu.dma_semaphore, #tpu.memory_space<semaphore_mem>>
      %dma_start3A_293 = arith.constant 0 : i32
      %dma_start3A_294 = tpu.memref_slice %arg4[%add3A_139, %dma_start3A_293] : memref<2560x128xi32, #tpu.memory_space<hbm>> -> memref<40x128xi32, #tpu.memory_space<hbm>>
      %dma_start3A_295 = arith.constant 0 : i32
      %dma_start3A_296 = tpu.memref_slice %arg4[%add3A_139, %dma_start3A_295] : memref<2560x128xi32, #tpu.memory_space<hbm>> -> memref<40x128xi32, #tpu.memory_space<hbm>>
      tpu.enqueue_dma source(%dma_start3A_296 : memref<40x128xi32, #tpu.memory_space<hbm>>) target(%arg8 : memref<40x128xi32, #tpu.memory_space<vmem>>) target_semaphore(%run_scoped3A : memref<!tpu.dma_semaphore, #tpu.memory_space<semaphore_mem>>)
      %dma_wait3A_297 = arith.constant 0 : i32
      %dma_wait3A_298 = tpu.memref_slice %arg4[%add3A_139, %dma_wait3A_297] : memref<2560x128xi32, #tpu.memory_space<hbm>> -> memref<40x128xi32, #tpu.memory_space<hbm>>
      %dma_wait3A_299 = arith.constant 0 : i32
      %dma_wait3A_300 = tpu.memref_slice %arg4[%add3A_139, %dma_wait3A_299] : memref<2560x128xi32, #tpu.memory_space<hbm>> -> memref<40x128xi32, #tpu.memory_space<hbm>>
      tpu.wait_dma2 semaphore(%run_scoped3A : memref<!tpu.dma_semaphore, #tpu.memory_space<semaphore_mem>>) src(%dma_wait3A_300 : memref<40x128xi32, #tpu.memory_space<hbm>>) dst(%arg8 : memref<40x128xi32, #tpu.memory_space<vmem>>)
      tpu.yield
    }) : () -> ()
    %dma_start3A_140 = arith.constant 0 : i32
    %dma_start3A_141 = arith.constant 0 : i32
    %dma_start3A_142 = tpu.memref_slice %arg7[%dma_start3A_140, %dma_start3A_141] : memref<40x128xi32, #tpu.memory_space<vmem>> -> memref<1x128xi32, #tpu.memory_space<vmem>>
    %dma_start3A_143 = tpu.memref_squeeze %dma_start3A_142 : memref<1x128xi32, #tpu.memory_space<vmem>> -> memref<128xi32, #tpu.memory_space<vmem>>
    %dma_start3A_144 = arith.constant 0 : i32
    %dma_start3A_145 = arith.constant 0 : i32
    %dma_start3A_146 = tpu.memref_slice %arg2[%dma_start3A_144, %dma_start3A_145] : memref<10000x128xf32, #tpu.memory_space<hbm>> -> memref<10000x128xf32, #tpu.memory_space<hbm>>
    tpu.enqueue_indirect_dma source(%dma_start3A_146 : memref<10000x128xf32, #tpu.memory_space<hbm>>) target(%arg9 : memref<128x128xf32, #tpu.memory_space<vmem>>) offsets(%dma_start3A_143 : memref<128xi32, #tpu.memory_space<vmem>>) semaphore(%arg12 : memref<!tpu.dma_semaphore, #tpu.memory_space<semaphore_mem>>)
    %dma_start3A_147 = arith.constant 1 : i32
    %dma_start3A_148 = arith.constant 0 : i32
    %dma_start3A_149 = tpu.memref_slice %arg7[%dma_start3A_147, %dma_start3A_148] : memref<40x128xi32, #tpu.memory_space<vmem>> -> memref<1x128xi32, #tpu.memory_space<vmem>>
    %dma_start3A_150 = tpu.memref_squeeze %dma_start3A_149 : memref<1x128xi32, #tpu.memory_space<vmem>> -> memref<128xi32, #tpu.memory_space<vmem>>
    %dma_start3A_151 = arith.constant 0 : i32
    %dma_start3A_152 = arith.constant 0 : i32
    %dma_start3A_153 = tpu.memref_slice %arg2[%dma_start3A_151, %dma_start3A_152] : memref<10000x128xf32, #tpu.memory_space<hbm>> -> memref<10000x128xf32, #tpu.memory_space<hbm>>
    tpu.enqueue_indirect_dma source(%dma_start3A_153 : memref<10000x128xf32, #tpu.memory_space<hbm>>) target(%arg10 : memref<128x128xf32, #tpu.memory_space<vmem>>) offsets(%dma_start3A_150 : memref<128xi32, #tpu.memory_space<vmem>>) semaphore(%arg13 : memref<!tpu.dma_semaphore, #tpu.memory_space<semaphore_mem>>)
    %dma_wait3A_154 = arith.constant 0 : i32
    %dma_wait3A_155 = arith.constant 0 : i32
    %dma_wait3A_156 = tpu.memref_slice %arg7[%dma_wait3A_154, %dma_wait3A_155] : memref<40x128xi32, #tpu.memory_space<vmem>> -> memref<1x128xi32, #tpu.memory_space<vmem>>
    %dma_wait3A_157 = tpu.memref_squeeze %dma_wait3A_156 : memref<1x128xi32, #tpu.memory_space<vmem>> -> memref<128xi32, #tpu.memory_space<vmem>>
    %dma_wait3A_158 = arith.constant 0 : i32
    %dma_wait3A_159 = arith.constant 0 : i32
    %dma_wait3A_160 = tpu.memref_slice %arg2[%dma_wait3A_158, %dma_wait3A_159] : memref<10000x128xf32, #tpu.memory_space<hbm>> -> memref<10000x128xf32, #tpu.memory_space<hbm>>
    tpu.wait_indirect_dma semaphore(%arg12 : memref<!tpu.dma_semaphore, #tpu.memory_space<semaphore_mem>>) src(%dma_wait3A_160 : memref<10000x128xf32, #tpu.memory_space<hbm>>) dst(%arg9 : memref<128x128xf32, #tpu.memory_space<vmem>>)
    %dma_start3A_161 = arith.constant 0 : i32
    %dma_start3A_162 = arith.constant 0 : i32
    %dma_start3A_163 = tpu.memref_slice %arg8[%dma_start3A_161, %dma_start3A_162] : memref<40x128xi32, #tpu.memory_space<vmem>> -> memref<1x128xi32, #tpu.memory_space<vmem>>
    %dma_start3A_164 = tpu.memref_squeeze %dma_start3A_163 : memref<1x128xi32, #tpu.memory_space<vmem>> -> memref<128xi32, #tpu.memory_space<vmem>>
    %dma_start3A_165 = arith.constant 0 : i32
    %dma_start3A_166 = arith.constant 0 : i32
    %dma_start3A_167 = tpu.memref_slice %arg11[%dma_start3A_165, %dma_start3A_166] : memref<10240x128xf32, #tpu.memory_space<vmem_shared>> -> memref<10240x128xf32, #tpu.memory_space<vmem_shared>>
    tpu.enqueue_indirect_dma source(%arg9 : memref<128x128xf32, #tpu.memory_space<vmem>>) target(%dma_start3A_167 : memref<10240x128xf32, #tpu.memory_space<vmem_shared>>) offsets(%dma_start3A_164 : memref<128xi32, #tpu.memory_space<vmem>>) semaphore(%arg14 : memref<!tpu.dma_semaphore, #tpu.memory_space<semaphore_mem>>) {add = true}
    %scan3A_168 = arith.constant 0 : i32
    %scan3A_169 = arith.constant 0 : i32
    %scan3A_170 = arith.constant 19 : i32
    %scan3A_171 = arith.addi %scan3A_169, %scan3A_170 : i32
    %scan3A_172 = arith.constant 1 : i32
    scf.for %scan3A_293 = %scan3A_169 to %scan3A_171 step %scan3A_172  : i32 {
      %mul3A_294 = arith.constant 2 : i32
      %mul3A_295 = arith.muli %mul3A_294, %scan3A_293 : i32
      %add3A_296 = arith.constant 1 : i32
      %add3A_297 = arith.addi %mul3A_295, %add3A_296 : i32
      %dma_wait3A_298 = arith.constant 0 : i32
      %dma_wait3A_299 = arith.constant 0 : i32
      %dma_wait3A_300 = tpu.memref_slice %arg8[%dma_wait3A_298, %dma_wait3A_299] : memref<40x128xi32, #tpu.memory_space<vmem>> -> memref<1x128xi32, #tpu.memory_space<vmem>>
      %dma_wait3A_301 = tpu.memref_squeeze %dma_wait3A_300 : memref<1x128xi32, #tpu.memory_space<vmem>> -> memref<128xi32, #tpu.memory_space<vmem>>
      %dma_wait3A_302 = arith.constant 0 : i32
      %dma_wait3A_303 = arith.constant 0 : i32
      %dma_wait3A_304 = tpu.memref_slice %arg11[%dma_wait3A_302, %dma_wait3A_303] : memref<10240x128xf32, #tpu.memory_space<vmem_shared>> -> memref<10240x128xf32, #tpu.memory_space<vmem_shared>>
      tpu.wait_indirect_dma semaphore(%arg14 : memref<!tpu.dma_semaphore, #tpu.memory_space<semaphore_mem>>) src(%arg9 : memref<128x128xf32, #tpu.memory_space<vmem>>) dst(%dma_wait3A_304 : memref<10240x128xf32, #tpu.memory_space<vmem_shared>>)
      %add3A_305 = arith.constant 1 : i32
      %add3A_306 = arith.addi %add3A_297, %add3A_305 : i32
      %dma_start3A_307 = arith.constant 0 : i32
      %dma_start3A_308 = tpu.memref_slice %arg7[%add3A_306, %dma_start3A_307] : memref<40x128xi32, #tpu.memory_space<vmem>> -> memref<1x128xi32, #tpu.memory_space<vmem>>
      %dma_start3A_309 = tpu.memref_squeeze %dma_start3A_308 : memref<1x128xi32, #tpu.memory_space<vmem>> -> memref<128xi32, #tpu.memory_space<vmem>>
      %dma_start3A_310 = arith.constant 0 : i32
      %dma_start3A_311 = arith.constant 0 : i32
      %dma_start3A_312 = tpu.memref_slice %arg2[%dma_start3A_310, %dma_start3A_311] : memref<10000x128xf32, #tpu.memory_space<hbm>> -> memref<10000x128xf32, #tpu.memory_space<hbm>>
      tpu.enqueue_indirect_dma source(%dma_start3A_312 : memref<10000x128xf32, #tpu.memory_space<hbm>>) target(%arg9 : memref<128x128xf32, #tpu.memory_space<vmem>>) offsets(%dma_start3A_309 : memref<128xi32, #tpu.memory_space<vmem>>) semaphore(%arg12 : memref<!tpu.dma_semaphore, #tpu.memory_space<semaphore_mem>>)
      %dma_wait3A_313 = arith.constant 0 : i32
      %dma_wait3A_314 = arith.constant 0 : i32
      %dma_wait3A_315 = tpu.memref_slice %arg7[%dma_wait3A_313, %dma_wait3A_314] : memref<40x128xi32, #tpu.memory_space<vmem>> -> memref<1x128xi32, #tpu.memory_space<vmem>>
      %dma_wait3A_316 = tpu.memref_squeeze %dma_wait3A_315 : memref<1x128xi32, #tpu.memory_space<vmem>> -> memref<128xi32, #tpu.memory_space<vmem>>
      %dma_wait3A_317 = arith.constant 0 : i32
      %dma_wait3A_318 = arith.constant 0 : i32
      %dma_wait3A_319 = tpu.memref_slice %arg2[%dma_wait3A_317, %dma_wait3A_318] : memref<10000x128xf32, #tpu.memory_space<hbm>> -> memref<10000x128xf32, #tpu.memory_space<hbm>>
      tpu.wait_indirect_dma semaphore(%arg13 : memref<!tpu.dma_semaphore, #tpu.memory_space<semaphore_mem>>) src(%dma_wait3A_319 : memref<10000x128xf32, #tpu.memory_space<hbm>>) dst(%arg10 : memref<128x128xf32, #tpu.memory_space<vmem>>)
      %dma_start3A_320 = arith.constant 0 : i32
      %dma_start3A_321 = tpu.memref_slice %arg8[%add3A_297, %dma_start3A_320] : memref<40x128xi32, #tpu.memory_space<vmem>> -> memref<1x128xi32, #tpu.memory_space<vmem>>
      %dma_start3A_322 = tpu.memref_squeeze %dma_start3A_321 : memref<1x128xi32, #tpu.memory_space<vmem>> -> memref<128xi32, #tpu.memory_space<vmem>>
      %dma_start3A_323 = arith.constant 0 : i32
      %dma_start3A_324 = arith.constant 0 : i32
      %dma_start3A_325 = tpu.memref_slice %arg11[%dma_start3A_323, %dma_start3A_324] : memref<10240x128xf32, #tpu.memory_space<vmem_shared>> -> memref<10240x128xf32, #tpu.memory_space<vmem_shared>>
      tpu.enqueue_indirect_dma source(%arg10 : memref<128x128xf32, #tpu.memory_space<vmem>>) target(%dma_start3A_325 : memref<10240x128xf32, #tpu.memory_space<vmem_shared>>) offsets(%dma_start3A_322 : memref<128xi32, #tpu.memory_space<vmem>>) semaphore(%arg15 : memref<!tpu.dma_semaphore, #tpu.memory_space<semaphore_mem>>) {add = true}
      %dma_wait3A_326 = arith.constant 0 : i32
      %dma_wait3A_327 = arith.constant 0 : i32
      %dma_wait3A_328 = tpu.memref_slice %arg8[%dma_wait3A_326, %dma_wait3A_327] : memref<40x128xi32, #tpu.memory_space<vmem>> -> memref<1x128xi32, #tpu.memory_space<vmem>>
      %dma_wait3A_329 = tpu.memref_squeeze %dma_wait3A_328 : memref<1x128xi32, #tpu.memory_space<vmem>> -> memref<128xi32, #tpu.memory_space<vmem>>
      %dma_wait3A_330 = arith.constant 0 : i32
      %dma_wait3A_331 = arith.constant 0 : i32
      %dma_wait3A_332 = tpu.memref_slice %arg11[%dma_wait3A_330, %dma_wait3A_331] : memref<10240x128xf32, #tpu.memory_space<vmem_shared>> -> memref<10240x128xf32, #tpu.memory_space<vmem_shared>>
      tpu.wait_indirect_dma semaphore(%arg15 : memref<!tpu.dma_semaphore, #tpu.memory_space<semaphore_mem>>) src(%arg10 : memref<128x128xf32, #tpu.memory_space<vmem>>) dst(%dma_wait3A_332 : memref<10240x128xf32, #tpu.memory_space<vmem_shared>>)
      %add3A_333 = arith.constant 2 : i32
      %add3A_334 = arith.addi %add3A_297, %add3A_333 : i32
      %dma_start3A_335 = arith.constant 0 : i32
      %dma_start3A_336 = tpu.memref_slice %arg7[%add3A_334, %dma_start3A_335] : memref<40x128xi32, #tpu.memory_space<vmem>> -> memref<1x128xi32, #tpu.memory_space<vmem>>
      %dma_start3A_337 = tpu.memref_squeeze %dma_start3A_336 : memref<1x128xi32, #tpu.memory_space<vmem>> -> memref<128xi32, #tpu.memory_space<vmem>>
      %dma_start3A_338 = arith.constant 0 : i32
      %dma_start3A_339 = arith.constant 0 : i32
      %dma_start3A_340 = tpu.memref_slice %arg2[%dma_start3A_338, %dma_start3A_339] : memref<10000x128xf32, #tpu.memory_space<hbm>> -> memref<10000x128xf32, #tpu.memory_space<hbm>>
      tpu.enqueue_indirect_dma source(%dma_start3A_340 : memref<10000x128xf32, #tpu.memory_space<hbm>>) target(%arg10 : memref<128x128xf32, #tpu.memory_space<vmem>>) offsets(%dma_start3A_337 : memref<128xi32, #tpu.memory_space<vmem>>) semaphore(%arg13 : memref<!tpu.dma_semaphore, #tpu.memory_space<semaphore_mem>>)
      %dma_wait3A_341 = arith.constant 0 : i32
      %dma_wait3A_342 = arith.constant 0 : i32
      %dma_wait3A_343 = tpu.memref_slice %arg7[%dma_wait3A_341, %dma_wait3A_342] : memref<40x128xi32, #tpu.memory_space<vmem>> -> memref<1x128xi32, #tpu.memory_space<vmem>>
      %dma_wait3A_344 = tpu.memref_squeeze %dma_wait3A_343 : memref<1x128xi32, #tpu.memory_space<vmem>> -> memref<128xi32, #tpu.memory_space<vmem>>
      %dma_wait3A_345 = arith.constant 0 : i32
      %dma_wait3A_346 = arith.constant 0 : i32
      %dma_wait3A_347 = tpu.memref_slice %arg2[%dma_wait3A_345, %dma_wait3A_346] : memref<10000x128xf32, #tpu.memory_space<hbm>> -> memref<10000x128xf32, #tpu.memory_space<hbm>>
      tpu.wait_indirect_dma semaphore(%arg12 : memref<!tpu.dma_semaphore, #tpu.memory_space<semaphore_mem>>) src(%dma_wait3A_347 : memref<10000x128xf32, #tpu.memory_space<hbm>>) dst(%arg9 : memref<128x128xf32, #tpu.memory_space<vmem>>)
      %add3A_348 = arith.constant 1 : i32
      %add3A_349 = arith.addi %add3A_297, %add3A_348 : i32
      %dma_start3A_350 = arith.constant 0 : i32
      %dma_start3A_351 = tpu.memref_slice %arg8[%add3A_349, %dma_start3A_350] : memref<40x128xi32, #tpu.memory_space<vmem>> -> memref<1x128xi32, #tpu.memory_space<vmem>>
      %dma_start3A_352 = tpu.memref_squeeze %dma_start3A_351 : memref<1x128xi32, #tpu.memory_space<vmem>> -> memref<128xi32, #tpu.memory_space<vmem>>
      %dma_start3A_353 = arith.constant 0 : i32
      %dma_start3A_354 = arith.constant 0 : i32
      %dma_start3A_355 = tpu.memref_slice %arg11[%dma_start3A_353, %dma_start3A_354] : memref<10240x128xf32, #tpu.memory_space<vmem_shared>> -> memref<10240x128xf32, #tpu.memory_space<vmem_shared>>
      tpu.enqueue_indirect_dma source(%arg9 : memref<128x128xf32, #tpu.memory_space<vmem>>) target(%dma_start3A_355 : memref<10240x128xf32, #tpu.memory_space<vmem_shared>>) offsets(%dma_start3A_352 : memref<128xi32, #tpu.memory_space<vmem>>) semaphore(%arg14 : memref<!tpu.dma_semaphore, #tpu.memory_space<semaphore_mem>>) {add = true}
    }
    %scan3A_173 = arith.constant 19 : i32
    %dma_wait3A_174 = arith.constant 0 : i32
    %dma_wait3A_175 = arith.constant 0 : i32
    %dma_wait3A_176 = tpu.memref_slice %arg7[%dma_wait3A_174, %dma_wait3A_175] : memref<40x128xi32, #tpu.memory_space<vmem>> -> memref<1x128xi32, #tpu.memory_space<vmem>>
    %dma_wait3A_177 = tpu.memref_squeeze %dma_wait3A_176 : memref<1x128xi32, #tpu.memory_space<vmem>> -> memref<128xi32, #tpu.memory_space<vmem>>
    %dma_wait3A_178 = arith.constant 0 : i32
    %dma_wait3A_179 = arith.constant 0 : i32
    %dma_wait3A_180 = tpu.memref_slice %arg2[%dma_wait3A_178, %dma_wait3A_179] : memref<10000x128xf32, #tpu.memory_space<hbm>> -> memref<10000x128xf32, #tpu.memory_space<hbm>>
    tpu.wait_indirect_dma semaphore(%arg13 : memref<!tpu.dma_semaphore, #tpu.memory_space<semaphore_mem>>) src(%dma_wait3A_180 : memref<10000x128xf32, #tpu.memory_space<hbm>>) dst(%arg10 : memref<128x128xf32, #tpu.memory_space<vmem>>)
    %dma_start3A_181 = arith.constant 39 : i32
    %dma_start3A_182 = arith.constant 0 : i32
    %dma_start3A_183 = tpu.memref_slice %arg8[%dma_start3A_181, %dma_start3A_182] : memref<40x128xi32, #tpu.memory_space<vmem>> -> memref<1x128xi32, #tpu.memory_space<vmem>>
    %dma_start3A_184 = tpu.memref_squeeze %dma_start3A_183 : memref<1x128xi32, #tpu.memory_space<vmem>> -> memref<128xi32, #tpu.memory_space<vmem>>
    %dma_start3A_185 = arith.constant 0 : i32
    %dma_start3A_186 = arith.constant 0 : i32
    %dma_start3A_187 = tpu.memref_slice %arg11[%dma_start3A_185, %dma_start3A_186] : memref<10240x128xf32, #tpu.memory_space<vmem_shared>> -> memref<10240x128xf32, #tpu.memory_space<vmem_shared>>
    tpu.enqueue_indirect_dma source(%arg10 : memref<128x128xf32, #tpu.memory_space<vmem>>) target(%dma_start3A_187 : memref<10240x128xf32, #tpu.memory_space<vmem_shared>>) offsets(%dma_start3A_184 : memref<128xi32, #tpu.memory_space<vmem>>) semaphore(%arg15 : memref<!tpu.dma_semaphore, #tpu.memory_space<semaphore_mem>>) {add = true}
    %dma_wait3A_188 = arith.constant 0 : i32
    %dma_wait3A_189 = arith.constant 0 : i32
    %dma_wait3A_190 = tpu.memref_slice %arg8[%dma_wait3A_188, %dma_wait3A_189] : memref<40x128xi32, #tpu.memory_space<vmem>> -> memref<1x128xi32, #tpu.memory_space<vmem>>
    %dma_wait3A_191 = tpu.memref_squeeze %dma_wait3A_190 : memref<1x128xi32, #tpu.memory_space<vmem>> -> memref<128xi32, #tpu.memory_space<vmem>>
    %dma_wait3A_192 = arith.constant 0 : i32
    %dma_wait3A_193 = arith.constant 0 : i32
    %dma_wait3A_194 = tpu.memref_slice %arg11[%dma_wait3A_192, %dma_wait3A_193] : memref<10240x128xf32, #tpu.memory_space<vmem_shared>> -> memref<10240x128xf32, #tpu.memory_space<vmem_shared>>
    tpu.wait_indirect_dma semaphore(%arg14 : memref<!tpu.dma_semaphore, #tpu.memory_space<semaphore_mem>>) src(%arg9 : memref<128x128xf32, #tpu.memory_space<vmem>>) dst(%dma_wait3A_194 : memref<10240x128xf32, #tpu.memory_space<vmem_shared>>)
    %dma_wait3A_195 = arith.constant 0 : i32
    %dma_wait3A_196 = arith.constant 0 : i32
    %dma_wait3A_197 = tpu.memref_slice %arg8[%dma_wait3A_195, %dma_wait3A_196] : memref<40x128xi32, #tpu.memory_space<vmem>> -> memref<1x128xi32, #tpu.memory_space<vmem>>
    %dma_wait3A_198 = tpu.memref_squeeze %dma_wait3A_197 : memref<1x128xi32, #tpu.memory_space<vmem>> -> memref<128xi32, #tpu.memory_space<vmem>>
    %dma_wait3A_199 = arith.constant 0 : i32
    %dma_wait3A_200 = arith.constant 0 : i32
    %dma_wait3A_201 = tpu.memref_slice %arg11[%dma_wait3A_199, %dma_wait3A_200] : memref<10240x128xf32, #tpu.memory_space<vmem_shared>> -> memref<10240x128xf32, #tpu.memory_space<vmem_shared>>
    tpu.wait_indirect_dma semaphore(%arg15 : memref<!tpu.dma_semaphore, #tpu.memory_space<semaphore_mem>>) src(%arg10 : memref<128x128xf32, #tpu.memory_space<vmem>>) dst(%dma_wait3A_201 : memref<10240x128xf32, #tpu.memory_space<vmem_shared>>)
    %barrier3A_202 = arith.constant 0 : index
    tpu.barrier barrier_id(%barrier3A_202)
    %mul3A_203 = arith.constant 640 : i32
    %mul3A_204 = arith.muli %arg1, %mul3A_203 : i32
    %add3A_205 = arith.constant 0 : i32
    %add3A_206 = arith.addi %mul3A_204, %add3A_205 : i32
    "tpu.region"() ({
      %run_scoped3A = tpu.sem_alloc : memref<!tpu.dma_semaphore, #tpu.memory_space<semaphore_mem>>
      %dma_start3A_293 = arith.constant 0 : i32
      %dma_start3A_294 = tpu.memref_slice %arg11[%add3A_206, %dma_start3A_293] : memref<10240x128xf32, #tpu.memory_space<vmem_shared>> -> memref<128x128xf32, #tpu.memory_space<vmem_shared>>
      %dma_start3A_295 = arith.constant 0 : i32
      %dma_start3A_296 = tpu.memref_slice %arg11[%add3A_206, %dma_start3A_295] : memref<10240x128xf32, #tpu.memory_space<vmem_shared>> -> memref<128x128xf32, #tpu.memory_space<vmem_shared>>
      tpu.enqueue_dma source(%dma_start3A_296 : memref<128x128xf32, #tpu.memory_space<vmem_shared>>) target(%arg9 : memref<128x128xf32, #tpu.memory_space<vmem>>) target_semaphore(%run_scoped3A : memref<!tpu.dma_semaphore, #tpu.memory_space<semaphore_mem>>)
      %dma_wait3A_297 = arith.constant 0 : i32
      %dma_wait3A_298 = tpu.memref_slice %arg11[%add3A_206, %dma_wait3A_297] : memref<10240x128xf32, #tpu.memory_space<vmem_shared>> -> memref<128x128xf32, #tpu.memory_space<vmem_shared>>
      %dma_wait3A_299 = arith.constant 0 : i32
      %dma_wait3A_300 = tpu.memref_slice %arg11[%add3A_206, %dma_wait3A_299] : memref<10240x128xf32, #tpu.memory_space<vmem_shared>> -> memref<128x128xf32, #tpu.memory_space<vmem_shared>>
      tpu.wait_dma2 semaphore(%run_scoped3A : memref<!tpu.dma_semaphore, #tpu.memory_space<semaphore_mem>>) src(%dma_wait3A_300 : memref<128x128xf32, #tpu.memory_space<vmem_shared>>) dst(%arg9 : memref<128x128xf32, #tpu.memory_space<vmem>>)
      tpu.yield
    }) : () -> ()
    %dma_start3A_207 = arith.constant 0 : i32
    %dma_start3A_208 = tpu.memref_slice %arg6[%arg0, %add3A_206, %dma_start3A_207] : memref<2x10240x128xf32, #tpu.memory_space<hbm>> -> memref<1x128x128xf32, #tpu.memory_space<hbm>>
    %dma_start3A_209 = tpu.memref_squeeze %dma_start3A_208 : memref<1x128x128xf32, #tpu.memory_space<hbm>> -> memref<128x128xf32, #tpu.memory_space<hbm>>
    %dma_start3A_210 = arith.constant 0 : i32
    %dma_start3A_211 = tpu.memref_slice %arg6[%arg0, %add3A_206, %dma_start3A_210] : memref<2x10240x128xf32, #tpu.memory_space<hbm>> -> memref<1x128x128xf32, #tpu.memory_space<hbm>>
    %dma_start3A_212 = tpu.memref_squeeze %dma_start3A_211 : memref<1x128x128xf32, #tpu.memory_space<hbm>> -> memref<128x128xf32, #tpu.memory_space<hbm>>
    tpu.enqueue_dma source(%arg9 : memref<128x128xf32, #tpu.memory_space<vmem>>) target(%dma_start3A_212 : memref<128x128xf32, #tpu.memory_space<hbm>>) target_semaphore(%arg12 : memref<!tpu.dma_semaphore, #tpu.memory_space<semaphore_mem>>)
    %mul3A_213 = arith.constant 640 : i32
    %mul3A_214 = arith.muli %arg1, %mul3A_213 : i32
    %add3A_215 = arith.constant 128 : i32
    %add3A_216 = arith.addi %mul3A_214, %add3A_215 : i32
    "tpu.region"() ({
      %run_scoped3A = tpu.sem_alloc : memref<!tpu.dma_semaphore, #tpu.memory_space<semaphore_mem>>
      %dma_start3A_293 = arith.constant 0 : i32
      %dma_start3A_294 = tpu.memref_slice %arg11[%add3A_216, %dma_start3A_293] : memref<10240x128xf32, #tpu.memory_space<vmem_shared>> -> memref<128x128xf32, #tpu.memory_space<vmem_shared>>
      %dma_start3A_295 = arith.constant 0 : i32
      %dma_start3A_296 = tpu.memref_slice %arg11[%add3A_216, %dma_start3A_295] : memref<10240x128xf32, #tpu.memory_space<vmem_shared>> -> memref<128x128xf32, #tpu.memory_space<vmem_shared>>
      tpu.enqueue_dma source(%dma_start3A_296 : memref<128x128xf32, #tpu.memory_space<vmem_shared>>) target(%arg10 : memref<128x128xf32, #tpu.memory_space<vmem>>) target_semaphore(%run_scoped3A : memref<!tpu.dma_semaphore, #tpu.memory_space<semaphore_mem>>)
      %dma_wait3A_297 = arith.constant 0 : i32
      %dma_wait3A_298 = tpu.memref_slice %arg11[%add3A_216, %dma_wait3A_297] : memref<10240x128xf32, #tpu.memory_space<vmem_shared>> -> memref<128x128xf32, #tpu.memory_space<vmem_shared>>
      %dma_wait3A_299 = arith.constant 0 : i32
      %dma_wait3A_300 = tpu.memref_slice %arg11[%add3A_216, %dma_wait3A_299] : memref<10240x128xf32, #tpu.memory_space<vmem_shared>> -> memref<128x128xf32, #tpu.memory_space<vmem_shared>>
      tpu.wait_dma2 semaphore(%run_scoped3A : memref<!tpu.dma_semaphore, #tpu.memory_space<semaphore_mem>>) src(%dma_wait3A_300 : memref<128x128xf32, #tpu.memory_space<vmem_shared>>) dst(%arg10 : memref<128x128xf32, #tpu.memory_space<vmem>>)
      tpu.yield
    }) : () -> ()
    %dma_start3A_217 = arith.constant 0 : i32
    %dma_start3A_218 = tpu.memref_slice %arg6[%arg0, %add3A_216, %dma_start3A_217] : memref<2x10240x128xf32, #tpu.memory_space<hbm>> -> memref<1x128x128xf32, #tpu.memory_space<hbm>>
    %dma_start3A_219 = tpu.memref_squeeze %dma_start3A_218 : memref<1x128x128xf32, #tpu.memory_space<hbm>> -> memref<128x128xf32, #tpu.memory_space<hbm>>
    %dma_start3A_220 = arith.constant 0 : i32
    %dma_start3A_221 = tpu.memref_slice %arg6[%arg0, %add3A_216, %dma_start3A_220] : memref<2x10240x128xf32, #tpu.memory_space<hbm>> -> memref<1x128x128xf32, #tpu.memory_space<hbm>>
    %dma_start3A_222 = tpu.memref_squeeze %dma_start3A_221 : memref<1x128x128xf32, #tpu.memory_space<hbm>> -> memref<128x128xf32, #tpu.memory_space<hbm>>
    tpu.enqueue_dma source(%arg10 : memref<128x128xf32, #tpu.memory_space<vmem>>) target(%dma_start3A_222 : memref<128x128xf32, #tpu.memory_space<hbm>>) target_semaphore(%arg13 : memref<!tpu.dma_semaphore, #tpu.memory_space<semaphore_mem>>)
    %dma_wait3A_223 = arith.constant 0 : i32
    %dma_wait3A_224 = arith.constant 0 : i32
    %dma_wait3A_225 = tpu.memref_slice %arg6[%arg0, %dma_wait3A_223, %dma_wait3A_224] : memref<2x10240x128xf32, #tpu.memory_space<hbm>> -> memref<1x128x128xf32, #tpu.memory_space<hbm>>
    %dma_wait3A_226 = tpu.memref_squeeze %dma_wait3A_225 : memref<1x128x128xf32, #tpu.memory_space<hbm>> -> memref<128x128xf32, #tpu.memory_space<hbm>>
    %dma_wait3A_227 = arith.constant 0 : i32
    %dma_wait3A_228 = arith.constant 0 : i32
    %dma_wait3A_229 = tpu.memref_slice %arg6[%arg0, %dma_wait3A_227, %dma_wait3A_228] : memref<2x10240x128xf32, #tpu.memory_space<hbm>> -> memref<1x128x128xf32, #tpu.memory_space<hbm>>
    %dma_wait3A_230 = tpu.memref_squeeze %dma_wait3A_229 : memref<1x128x128xf32, #tpu.memory_space<hbm>> -> memref<128x128xf32, #tpu.memory_space<hbm>>
    tpu.wait_dma2 semaphore(%arg12 : memref<!tpu.dma_semaphore, #tpu.memory_space<semaphore_mem>>) src(%arg9 : memref<128x128xf32, #tpu.memory_space<vmem>>) dst(%dma_wait3A_230 : memref<128x128xf32, #tpu.memory_space<hbm>>)
    %mul3A_231 = arith.constant 640 : i32
    %mul3A_232 = arith.muli %arg1, %mul3A_231 : i32
    %add3A_233 = arith.constant 256 : i32
    %add3A_234 = arith.addi %mul3A_232, %add3A_233 : i32
    "tpu.region"() ({
      %run_scoped3A = tpu.sem_alloc : memref<!tpu.dma_semaphore, #tpu.memory_space<semaphore_mem>>
      %dma_start3A_293 = arith.constant 0 : i32
      %dma_start3A_294 = tpu.memref_slice %arg11[%add3A_234, %dma_start3A_293] : memref<10240x128xf32, #tpu.memory_space<vmem_shared>> -> memref<128x128xf32, #tpu.memory_space<vmem_shared>>
      %dma_start3A_295 = arith.constant 0 : i32
      %dma_start3A_296 = tpu.memref_slice %arg11[%add3A_234, %dma_start3A_295] : memref<10240x128xf32, #tpu.memory_space<vmem_shared>> -> memref<128x128xf32, #tpu.memory_space<vmem_shared>>
      tpu.enqueue_dma source(%dma_start3A_296 : memref<128x128xf32, #tpu.memory_space<vmem_shared>>) target(%arg9 : memref<128x128xf32, #tpu.memory_space<vmem>>) target_semaphore(%run_scoped3A : memref<!tpu.dma_semaphore, #tpu.memory_space<semaphore_mem>>)
      %dma_wait3A_297 = arith.constant 0 : i32
      %dma_wait3A_298 = tpu.memref_slice %arg11[%add3A_234, %dma_wait3A_297] : memref<10240x128xf32, #tpu.memory_space<vmem_shared>> -> memref<128x128xf32, #tpu.memory_space<vmem_shared>>
      %dma_wait3A_299 = arith.constant 0 : i32
      %dma_wait3A_300 = tpu.memref_slice %arg11[%add3A_234, %dma_wait3A_299] : memref<10240x128xf32, #tpu.memory_space<vmem_shared>> -> memref<128x128xf32, #tpu.memory_space<vmem_shared>>
      tpu.wait_dma2 semaphore(%run_scoped3A : memref<!tpu.dma_semaphore, #tpu.memory_space<semaphore_mem>>) src(%dma_wait3A_300 : memref<128x128xf32, #tpu.memory_space<vmem_shared>>) dst(%arg9 : memref<128x128xf32, #tpu.memory_space<vmem>>)
      tpu.yield
    }) : () -> ()
    %dma_start3A_235 = arith.constant 0 : i32
    %dma_start3A_236 = tpu.memref_slice %arg6[%arg0, %add3A_234, %dma_start3A_235] : memref<2x10240x128xf32, #tpu.memory_space<hbm>> -> memref<1x128x128xf32, #tpu.memory_space<hbm>>
    %dma_start3A_237 = tpu.memref_squeeze %dma_start3A_236 : memref<1x128x128xf32, #tpu.memory_space<hbm>> -> memref<128x128xf32, #tpu.memory_space<hbm>>
    %dma_start3A_238 = arith.constant 0 : i32
    %dma_start3A_239 = tpu.memref_slice %arg6[%arg0, %add3A_234, %dma_start3A_238] : memref<2x10240x128xf32, #tpu.memory_space<hbm>> -> memref<1x128x128xf32, #tpu.memory_space<hbm>>
    %dma_start3A_240 = tpu.memref_squeeze %dma_start3A_239 : memref<1x128x128xf32, #tpu.memory_space<hbm>> -> memref<128x128xf32, #tpu.memory_space<hbm>>
    tpu.enqueue_dma source(%arg9 : memref<128x128xf32, #tpu.memory_space<vmem>>) target(%dma_start3A_240 : memref<128x128xf32, #tpu.memory_space<hbm>>) target_semaphore(%arg12 : memref<!tpu.dma_semaphore, #tpu.memory_space<semaphore_mem>>)
    %dma_wait3A_241 = arith.constant 0 : i32
    %dma_wait3A_242 = arith.constant 0 : i32
    %dma_wait3A_243 = tpu.memref_slice %arg6[%arg0, %dma_wait3A_241, %dma_wait3A_242] : memref<2x10240x128xf32, #tpu.memory_space<hbm>> -> memref<1x128x128xf32, #tpu.memory_space<hbm>>
    %dma_wait3A_244 = tpu.memref_squeeze %dma_wait3A_243 : memref<1x128x128xf32, #tpu.memory_space<hbm>> -> memref<128x128xf32, #tpu.memory_space<hbm>>
    %dma_wait3A_245 = arith.constant 0 : i32
    %dma_wait3A_246 = arith.constant 0 : i32
    %dma_wait3A_247 = tpu.memref_slice %arg6[%arg0, %dma_wait3A_245, %dma_wait3A_246] : memref<2x10240x128xf32, #tpu.memory_space<hbm>> -> memref<1x128x128xf32, #tpu.memory_space<hbm>>
    %dma_wait3A_248 = tpu.memref_squeeze %dma_wait3A_247 : memref<1x128x128xf32, #tpu.memory_space<hbm>> -> memref<128x128xf32, #tpu.memory_space<hbm>>
    tpu.wait_dma2 semaphore(%arg13 : memref<!tpu.dma_semaphore, #tpu.memory_space<semaphore_mem>>) src(%arg10 : memref<128x128xf32, #tpu.memory_space<vmem>>) dst(%dma_wait3A_248 : memref<128x128xf32, #tpu.memory_space<hbm>>)
    %mul3A_249 = arith.constant 640 : i32
    %mul3A_250 = arith.muli %arg1, %mul3A_249 : i32
    %add3A_251 = arith.constant 384 : i32
    %add3A_252 = arith.addi %mul3A_250, %add3A_251 : i32
    "tpu.region"() ({
      %run_scoped3A = tpu.sem_alloc : memref<!tpu.dma_semaphore, #tpu.memory_space<semaphore_mem>>
      %dma_start3A_293 = arith.constant 0 : i32
      %dma_start3A_294 = tpu.memref_slice %arg11[%add3A_252, %dma_start3A_293] : memref<10240x128xf32, #tpu.memory_space<vmem_shared>> -> memref<128x128xf32, #tpu.memory_space<vmem_shared>>
      %dma_start3A_295 = arith.constant 0 : i32
      %dma_start3A_296 = tpu.memref_slice %arg11[%add3A_252, %dma_start3A_295] : memref<10240x128xf32, #tpu.memory_space<vmem_shared>> -> memref<128x128xf32, #tpu.memory_space<vmem_shared>>
      tpu.enqueue_dma source(%dma_start3A_296 : memref<128x128xf32, #tpu.memory_space<vmem_shared>>) target(%arg10 : memref<128x128xf32, #tpu.memory_space<vmem>>) target_semaphore(%run_scoped3A : memref<!tpu.dma_semaphore, #tpu.memory_space<semaphore_mem>>)
      %dma_wait3A_297 = arith.constant 0 : i32
      %dma_wait3A_298 = tpu.memref_slice %arg11[%add3A_252, %dma_wait3A_297] : memref<10240x128xf32, #tpu.memory_space<vmem_shared>> -> memref<128x128xf32, #tpu.memory_space<vmem_shared>>
      %dma_wait3A_299 = arith.constant 0 : i32
      %dma_wait3A_300 = tpu.memref_slice %arg11[%add3A_252, %dma_wait3A_299] : memref<10240x128xf32, #tpu.memory_space<vmem_shared>> -> memref<128x128xf32, #tpu.memory_space<vmem_shared>>
      tpu.wait_dma2 semaphore(%run_scoped3A : memref<!tpu.dma_semaphore, #tpu.memory_space<semaphore_mem>>) src(%dma_wait3A_300 : memref<128x128xf32, #tpu.memory_space<vmem_shared>>) dst(%arg10 : memref<128x128xf32, #tpu.memory_space<vmem>>)
      tpu.yield
    }) : () -> ()
    %dma_start3A_253 = arith.constant 0 : i32
    %dma_start3A_254 = tpu.memref_slice %arg6[%arg0, %add3A_252, %dma_start3A_253] : memref<2x10240x128xf32, #tpu.memory_space<hbm>> -> memref<1x128x128xf32, #tpu.memory_space<hbm>>
    %dma_start3A_255 = tpu.memref_squeeze %dma_start3A_254 : memref<1x128x128xf32, #tpu.memory_space<hbm>> -> memref<128x128xf32, #tpu.memory_space<hbm>>
    %dma_start3A_256 = arith.constant 0 : i32
    %dma_start3A_257 = tpu.memref_slice %arg6[%arg0, %add3A_252, %dma_start3A_256] : memref<2x10240x128xf32, #tpu.memory_space<hbm>> -> memref<1x128x128xf32, #tpu.memory_space<hbm>>
    %dma_start3A_258 = tpu.memref_squeeze %dma_start3A_257 : memref<1x128x128xf32, #tpu.memory_space<hbm>> -> memref<128x128xf32, #tpu.memory_space<hbm>>
    tpu.enqueue_dma source(%arg10 : memref<128x128xf32, #tpu.memory_space<vmem>>) target(%dma_start3A_258 : memref<128x128xf32, #tpu.memory_space<hbm>>) target_semaphore(%arg13 : memref<!tpu.dma_semaphore, #tpu.memory_space<semaphore_mem>>)
    %dma_wait3A_259 = arith.constant 0 : i32
    %dma_wait3A_260 = arith.constant 0 : i32
    %dma_wait3A_261 = tpu.memref_slice %arg6[%arg0, %dma_wait3A_259, %dma_wait3A_260] : memref<2x10240x128xf32, #tpu.memory_space<hbm>> -> memref<1x128x128xf32, #tpu.memory_space<hbm>>
    %dma_wait3A_262 = tpu.memref_squeeze %dma_wait3A_261 : memref<1x128x128xf32, #tpu.memory_space<hbm>> -> memref<128x128xf32, #tpu.memory_space<hbm>>
    %dma_wait3A_263 = arith.constant 0 : i32
    %dma_wait3A_264 = arith.constant 0 : i32
    %dma_wait3A_265 = tpu.memref_slice %arg6[%arg0, %dma_wait3A_263, %dma_wait3A_264] : memref<2x10240x128xf32, #tpu.memory_space<hbm>> -> memref<1x128x128xf32, #tpu.memory_space<hbm>>
    %dma_wait3A_266 = tpu.memref_squeeze %dma_wait3A_265 : memref<1x128x128xf32, #tpu.memory_space<hbm>> -> memref<128x128xf32, #tpu.memory_space<hbm>>
    tpu.wait_dma2 semaphore(%arg12 : memref<!tpu.dma_semaphore, #tpu.memory_space<semaphore_mem>>) src(%arg9 : memref<128x128xf32, #tpu.memory_space<vmem>>) dst(%dma_wait3A_266 : memref<128x128xf32, #tpu.memory_space<hbm>>)
    %mul3A_267 = arith.constant 640 : i32
    %mul3A_268 = arith.muli %arg1, %mul3A_267 : i32
    %add3A_269 = arith.constant 512 : i32
    %add3A_270 = arith.addi %mul3A_268, %add3A_269 : i32
    "tpu.region"() ({
      %run_scoped3A = tpu.sem_alloc : memref<!tpu.dma_semaphore, #tpu.memory_space<semaphore_mem>>
      %dma_start3A_293 = arith.constant 0 : i32
      %dma_start3A_294 = tpu.memref_slice %arg11[%add3A_270, %dma_start3A_293] : memref<10240x128xf32, #tpu.memory_space<vmem_shared>> -> memref<128x128xf32, #tpu.memory_space<vmem_shared>>
      %dma_start3A_295 = arith.constant 0 : i32
      %dma_start3A_296 = tpu.memref_slice %arg11[%add3A_270, %dma_start3A_295] : memref<10240x128xf32, #tpu.memory_space<vmem_shared>> -> memref<128x128xf32, #tpu.memory_space<vmem_shared>>
      tpu.enqueue_dma source(%dma_start3A_296 : memref<128x128xf32, #tpu.memory_space<vmem_shared>>) target(%arg9 : memref<128x128xf32, #tpu.memory_space<vmem>>) target_semaphore(%run_scoped3A : memref<!tpu.dma_semaphore, #tpu.memory_space<semaphore_mem>>)
      %dma_wait3A_297 = arith.constant 0 : i32
      %dma_wait3A_298 = tpu.memref_slice %arg11[%add3A_270, %dma_wait3A_297] : memref<10240x128xf32, #tpu.memory_space<vmem_shared>> -> memref<128x128xf32, #tpu.memory_space<vmem_shared>>
      %dma_wait3A_299 = arith.constant 0 : i32
      %dma_wait3A_300 = tpu.memref_slice %arg11[%add3A_270, %dma_wait3A_299] : memref<10240x128xf32, #tpu.memory_space<vmem_shared>> -> memref<128x128xf32, #tpu.memory_space<vmem_shared>>
      tpu.wait_dma2 semaphore(%run_scoped3A : memref<!tpu.dma_semaphore, #tpu.memory_space<semaphore_mem>>) src(%dma_wait3A_300 : memref<128x128xf32, #tpu.memory_space<vmem_shared>>) dst(%arg9 : memref<128x128xf32, #tpu.memory_space<vmem>>)
      tpu.yield
    }) : () -> ()
    %dma_start3A_271 = arith.constant 0 : i32
    %dma_start3A_272 = tpu.memref_slice %arg6[%arg0, %add3A_270, %dma_start3A_271] : memref<2x10240x128xf32, #tpu.memory_space<hbm>> -> memref<1x128x128xf32, #tpu.memory_space<hbm>>
    %dma_start3A_273 = tpu.memref_squeeze %dma_start3A_272 : memref<1x128x128xf32, #tpu.memory_space<hbm>> -> memref<128x128xf32, #tpu.memory_space<hbm>>
    %dma_start3A_274 = arith.constant 0 : i32
    %dma_start3A_275 = tpu.memref_slice %arg6[%arg0, %add3A_270, %dma_start3A_274] : memref<2x10240x128xf32, #tpu.memory_space<hbm>> -> memref<1x128x128xf32, #tpu.memory_space<hbm>>
    %dma_start3A_276 = tpu.memref_squeeze %dma_start3A_275 : memref<1x128x128xf32, #tpu.memory_space<hbm>> -> memref<128x128xf32, #tpu.memory_space<hbm>>
    tpu.enqueue_dma source(%arg9 : memref<128x128xf32, #tpu.memory_space<vmem>>) target(%dma_start3A_276 : memref<128x128xf32, #tpu.memory_space<hbm>>) target_semaphore(%arg12 : memref<!tpu.dma_semaphore, #tpu.memory_space<semaphore_mem>>)
    %dma_wait3A_277 = arith.constant 0 : i32
    %dma_wait3A_278 = arith.constant 0 : i32
    %dma_wait3A_279 = tpu.memref_slice %arg6[%arg0, %dma_wait3A_277, %dma_wait3A_278] : memref<2x10240x128xf32, #tpu.memory_space<hbm>> -> memref<1x128x128xf32, #tpu.memory_space<hbm>>
    %dma_wait3A_280 = tpu.memref_squeeze %dma_wait3A_279 : memref<1x128x128xf32, #tpu.memory_space<hbm>> -> memref<128x128xf32, #tpu.memory_space<hbm>>
    %dma_wait3A_281 = arith.constant 0 : i32
    %dma_wait3A_282 = arith.constant 0 : i32
    %dma_wait3A_283 = tpu.memref_slice %arg6[%arg0, %dma_wait3A_281, %dma_wait3A_282] : memref<2x10240x128xf32, #tpu.memory_space<hbm>> -> memref<1x128x128xf32, #tpu.memory_space<hbm>>
    %dma_wait3A_284 = tpu.memref_squeeze %dma_wait3A_283 : memref<1x128x128xf32, #tpu.memory_space<hbm>> -> memref<128x128xf32, #tpu.memory_space<hbm>>
    tpu.wait_dma2 semaphore(%arg13 : memref<!tpu.dma_semaphore, #tpu.memory_space<semaphore_mem>>) src(%arg10 : memref<128x128xf32, #tpu.memory_space<vmem>>) dst(%dma_wait3A_284 : memref<128x128xf32, #tpu.memory_space<hbm>>)
    %dma_wait3A_285 = arith.constant 0 : i32
    %dma_wait3A_286 = arith.constant 0 : i32
    %dma_wait3A_287 = tpu.memref_slice %arg6[%arg0, %dma_wait3A_285, %dma_wait3A_286] : memref<2x10240x128xf32, #tpu.memory_space<hbm>> -> memref<1x128x128xf32, #tpu.memory_space<hbm>>
    %dma_wait3A_288 = tpu.memref_squeeze %dma_wait3A_287 : memref<1x128x128xf32, #tpu.memory_space<hbm>> -> memref<128x128xf32, #tpu.memory_space<hbm>>
    %dma_wait3A_289 = arith.constant 0 : i32
    %dma_wait3A_290 = arith.constant 0 : i32
    %dma_wait3A_291 = tpu.memref_slice %arg6[%arg0, %dma_wait3A_289, %dma_wait3A_290] : memref<2x10240x128xf32, #tpu.memory_space<hbm>> -> memref<1x128x128xf32, #tpu.memory_space<hbm>>
    %dma_wait3A_292 = tpu.memref_squeeze %dma_wait3A_291 : memref<1x128x128xf32, #tpu.memory_space<hbm>> -> memref<128x128xf32, #tpu.memory_space<hbm>>
    tpu.wait_dma2 semaphore(%arg12 : memref<!tpu.dma_semaphore, #tpu.memory_space<semaphore_mem>>) src(%arg9 : memref<128x128xf32, #tpu.memory_space<vmem>>) dst(%dma_wait3A_292 : memref<128x128xf32, #tpu.memory_space<hbm>>)
    return
  }
}

#map = affine_map<(d0, d1) -> (0, 0)>
#map1 = affine_map<(d0, d1) -> (0, 0, 0)>
module attributes {stable_mosaic.version = 14 : i64} {
  func.func @_sc_scatter_body(%arg0: i32, %arg1: i32, %arg2: memref<10000x128xf32, #tpu.memory_space<hbm>>, %arg3: memref<2560x128xi32, #tpu.memory_space<hbm>>, %arg4: memref<2560x128xi32, #tpu.memory_space<hbm>>, %arg5: memref<10240x128xf32, #tpu.memory_space<hbm>>, %arg6: memref<2x10240x128xf32, #tpu.memory_space<hbm>>, %arg7: memref<40x128xi32, #tpu.memory_space<vmem>>, %arg8: memref<40x128xi32, #tpu.memory_space<vmem>>, %arg9: memref<128x128xf32, #tpu.memory_space<vmem>>, %arg10: memref<128x128xf32, #tpu.memory_space<vmem>>, %arg11: memref<10240x128xf32, #tpu.memory_space<vmem_shared>>, %arg12: memref<!tpu.dma_semaphore, #tpu.memory_space<semaphore_mem>>, %arg13: memref<!tpu.dma_semaphore, #tpu.memory_space<semaphore_mem>>, %arg14: memref<!tpu.dma_semaphore, #tpu.memory_space<semaphore_mem>>, %arg15: memref<!tpu.dma_semaphore, #tpu.memory_space<semaphore_mem>>) attributes {dimension_semantics = [#tpu.dimension_semantics<core_parallel>, #tpu.dimension_semantics<subcore_parallel>], iteration_bounds = array<i64: 2, 16>, scalar_prefetch = 0 : i64, scratch_operands = 9 : i64, tpu.core_type = #tpu.core_type<sc_vector_subcore>, window_params = [{transform_indices = #map}, {transform_indices = #map}, {transform_indices = #map}, {transform_indices = #map}, {transform_indices = #map1}]} {
    %mul3A = arith.constant 16 : i32
    %mul3A_0 = arith.muli %arg0, %mul3A : i32
    %add3A = arith.addi %mul3A_0, %arg1 : i32
    %mul3A_1 = arith.constant 640 : i32
    %mul3A_2 = arith.muli %arg1, %mul3A_1 : i32
    "tpu.region"() ({
      %run_scoped3A = tpu.sem_alloc : memref<!tpu.dma_semaphore, #tpu.memory_space<semaphore_mem>>
      %dma_start3A_293 = arith.constant 0 : i32
      %dma_start3A_294 = tpu.memref_slice %arg5[%mul3A_2, %dma_start3A_293] : memref<10240x128xf32, #tpu.memory_space<hbm>> -> memref<128x128xf32, #tpu.memory_space<hbm>>
      %dma_start3A_295 = arith.constant 0 : i32
      %dma_start3A_296 = tpu.memref_slice %arg5[%mul3A_2, %dma_start3A_295] : memref<10240x128xf32, #tpu.memory_space<hbm>> -> memref<128x128xf32, #tpu.memory_space<hbm>>
      tpu.enqueue_dma source(%dma_start3A_296 : memref<128x128xf32, #tpu.memory_space<hbm>>) target(%arg9 : memref<128x128xf32, #tpu.memory_space<vmem>>) target_semaphore(%run_scoped3A : memref<!tpu.dma_semaphore, #tpu.memory_space<semaphore_mem>>)
      %dma_wait3A_297 = arith.constant 0 : i32
      %dma_wait3A_298 = tpu.memref_slice %arg5[%mul3A_2, %dma_wait3A_297] : memref<10240x128xf32, #tpu.memory_space<hbm>> -> memref<128x128xf32, #tpu.memory_space<hbm>>
      %dma_wait3A_299 = arith.constant 0 : i32
      %dma_wait3A_300 = tpu.memref_slice %arg5[%mul3A_2, %dma_wait3A_299] : memref<10240x128xf32, #tpu.memory_space<hbm>> -> memref<128x128xf32, #tpu.memory_space<hbm>>
      tpu.wait_dma2 semaphore(%run_scoped3A : memref<!tpu.dma_semaphore, #tpu.memory_space<semaphore_mem>>) src(%dma_wait3A_300 : memref<128x128xf32, #tpu.memory_space<hbm>>) dst(%arg9 : memref<128x128xf32, #tpu.memory_space<vmem>>)
      tpu.yield
    }) : () -> ()
    %mul3A_3 = arith.constant 640 : i32
    %mul3A_4 = arith.muli %arg1, %mul3A_3 : i32
    %add3A_5 = arith.constant 0 : i32
    %add3A_6 = arith.addi %mul3A_4, %add3A_5 : i32
    %dma_start3A = arith.constant 0 : i32
    %dma_start3A_7 = tpu.memref_slice %arg11[%add3A_6, %dma_start3A] : memref<10240x128xf32, #tpu.memory_space<vmem_shared>> -> memref<128x128xf32, #tpu.memory_space<vmem_shared>>
    %dma_start3A_8 = arith.constant 0 : i32
    %dma_start3A_9 = tpu.memref_slice %arg11[%add3A_6, %dma_start3A_8] : memref<10240x128xf32, #tpu.memory_space<vmem_shared>> -> memref<128x128xf32, #tpu.memory_space<vmem_shared>>
    tpu.enqueue_dma source(%arg9 : memref<128x128xf32, #tpu.memory_space<vmem>>) target(%dma_start3A_9 : memref<128x128xf32, #tpu.memory_space<vmem_shared>>) target_semaphore(%arg12 : memref<!tpu.dma_semaphore, #tpu.memory_space<semaphore_mem>>)
    %mul3A_10 = arith.constant 640 : i32
    %mul3A_11 = arith.muli %arg1, %mul3A_10 : i32
    %add3A_12 = arith.constant 128 : i32
    %add3A_13 = arith.addi %mul3A_11, %add3A_12 : i32
    %dma_start3A_14 = arith.constant 0 : i32
    %dma_start3A_15 = tpu.memref_slice %arg11[%add3A_13, %dma_start3A_14] : memref<10240x128xf32, #tpu.memory_space<vmem_shared>> -> memref<128x128xf32, #tpu.memory_space<vmem_shared>>
    %dma_start3A_16 = arith.constant 0 : i32
    %dma_start3A_17 = tpu.memref_slice %arg11[%add3A_13, %dma_start3A_16] : memref<10240x128xf32, #tpu.memory_space<vmem_shared>> -> memref<128x128xf32, #tpu.memory_space<vmem_shared>>
    tpu.enqueue_dma source(%arg9 : memref<128x128xf32, #tpu.memory_space<vmem>>) target(%dma_start3A_17 : memref<128x128xf32, #tpu.memory_space<vmem_shared>>) target_semaphore(%arg12 : memref<!tpu.dma_semaphore, #tpu.memory_space<semaphore_mem>>)
    %mul3A_18 = arith.constant 640 : i32
    %mul3A_19 = arith.muli %arg1, %mul3A_18 : i32
    %add3A_20 = arith.constant 256 : i32
    %add3A_21 = arith.addi %mul3A_19, %add3A_20 : i32
    %dma_start3A_22 = arith.constant 0 : i32
    %dma_start3A_23 = tpu.memref_slice %arg11[%add3A_21, %dma_start3A_22] : memref<10240x128xf32, #tpu.memory_space<vmem_shared>> -> memref<128x128xf32, #tpu.memory_space<vmem_shared>>
    %dma_start3A_24 = arith.constant 0 : i32
    %dma_start3A_25 = tpu.memref_slice %arg11[%add3A_21, %dma_start3A_24] : memref<10240x128xf32, #tpu.memory_space<vmem_shared>> -> memref<128x128xf32, #tpu.memory_space<vmem_shared>>
    tpu.enqueue_dma source(%arg9 : memref<128x128xf32, #tpu.memory_space<vmem>>) target(%dma_start3A_25 : memref<128x128xf32, #tpu.memory_space<vmem_shared>>) target_semaphore(%arg12 : memref<!tpu.dma_semaphore, #tpu.memory_space<semaphore_mem>>)
    %mul3A_26 = arith.constant 640 : i32
    %mul3A_27 = arith.muli %arg1, %mul3A_26 : i32
    %add3A_28 = arith.constant 384 : i32
    %add3A_29 = arith.addi %mul3A_27, %add3A_28 : i32
    %dma_start3A_30 = arith.constant 0 : i32
    %dma_start3A_31 = tpu.memref_slice %arg11[%add3A_29, %dma_start3A_30] : memref<10240x128xf32, #tpu.memory_space<vmem_shared>> -> memref<128x128xf32, #tpu.memory_space<vmem_shared>>
    %dma_start3A_32 = arith.constant 0 : i32
    %dma_start3A_33 = tpu.memref_slice %arg11[%add3A_29, %dma_start3A_32] : memref<10240x128xf32, #tpu.memory_space<vmem_shared>> -> memref<128x128xf32, #tpu.memory_space<vmem_shared>>
    tpu.enqueue_dma source(%arg9 : memref<128x128xf32, #tpu.memory_space<vmem>>) target(%dma_start3A_33 : memref<128x128xf32, #tpu.memory_space<vmem_shared>>) target_semaphore(%arg12 : memref<!tpu.dma_semaphore, #tpu.memory_space<semaphore_mem>>)
    %mul3A_34 = arith.constant 640 : i32
    %mul3A_35 = arith.muli %arg1, %mul3A_34 : i32
    %add3A_36 = arith.constant 512 : i32
    %add3A_37 = arith.addi %mul3A_35, %add3A_36 : i32
    %dma_start3A_38 = arith.constant 0 : i32
    %dma_start3A_39 = tpu.memref_slice %arg11[%add3A_37, %dma_start3A_38] : memref<10240x128xf32, #tpu.memory_space<vmem_shared>> -> memref<128x128xf32, #tpu.memory_space<vmem_shared>>
    %dma_start3A_40 = arith.constant 0 : i32
    %dma_start3A_41 = tpu.memref_slice %arg11[%add3A_37, %dma_start3A_40] : memref<10240x128xf32, #tpu.memory_space<vmem_shared>> -> memref<128x128xf32, #tpu.memory_space<vmem_shared>>
    tpu.enqueue_dma source(%arg9 : memref<128x128xf32, #tpu.memory_space<vmem>>) target(%dma_start3A_41 : memref<128x128xf32, #tpu.memory_space<vmem_shared>>) target_semaphore(%arg12 : memref<!tpu.dma_semaphore, #tpu.memory_space<semaphore_mem>>)
    %dma_wait3A = arith.constant 0 : i32
    %dma_wait3A_42 = arith.constant 0 : i32
    %dma_wait3A_43 = tpu.memref_slice %arg11[%dma_wait3A, %dma_wait3A_42] : memref<10240x128xf32, #tpu.memory_space<vmem_shared>> -> memref<128x128xf32, #tpu.memory_space<vmem_shared>>
    %dma_wait3A_44 = arith.constant 0 : i32
    %dma_wait3A_45 = arith.constant 0 : i32
    %dma_wait3A_46 = tpu.memref_slice %arg11[%dma_wait3A_44, %dma_wait3A_45] : memref<10240x128xf32, #tpu.memory_space<vmem_shared>> -> memref<128x128xf32, #tpu.memory_space<vmem_shared>>
    tpu.wait_dma2 semaphore(%arg12 : memref<!tpu.dma_semaphore, #tpu.memory_space<semaphore_mem>>) src(%arg9 : memref<128x128xf32, #tpu.memory_space<vmem>>) dst(%dma_wait3A_46 : memref<128x128xf32, #tpu.memory_space<vmem_shared>>)
    %dma_wait3A_47 = arith.constant 0 : i32
    %dma_wait3A_48 = arith.constant 0 : i32
    %dma_wait3A_49 = tpu.memref_slice %arg11[%dma_wait3A_47, %dma_wait3A_48] : memref<10240x128xf32, #tpu.memory_space<vmem_shared>> -> memref<128x128xf32, #tpu.memory_space<vmem_shared>>
    %dma_wait3A_50 = arith.constant 0 : i32
    %dma_wait3A_51 = arith.constant 0 : i32
    %dma_wait3A_52 = tpu.memref_slice %arg11[%dma_wait3A_50, %dma_wait3A_51] : memref<10240x128xf32, #tpu.memory_space<vmem_shared>> -> memref<128x128xf32, #tpu.memory_space<vmem_shared>>
    tpu.wait_dma2 semaphore(%arg12 : memref<!tpu.dma_semaphore, #tpu.memory_space<semaphore_mem>>) src(%arg9 : memref<128x128xf32, #tpu.memory_space<vmem>>) dst(%dma_wait3A_52 : memref<128x128xf32, #tpu.memory_space<vmem_shared>>)
    %dma_wait3A_53 = arith.constant 0 : i32
    %dma_wait3A_54 = arith.constant 0 : i32
    %dma_wait3A_55 = tpu.memref_slice %arg11[%dma_wait3A_53, %dma_wait3A_54] : memref<10240x128xf32, #tpu.memory_space<vmem_shared>> -> memref<128x128xf32, #tpu.memory_space<vmem_shared>>
    %dma_wait3A_56 = arith.constant 0 : i32
    %dma_wait3A_57 = arith.constant 0 : i32
    %dma_wait3A_58 = tpu.memref_slice %arg11[%dma_wait3A_56, %dma_wait3A_57] : memref<10240x128xf32, #tpu.memory_space<vmem_shared>> -> memref<128x128xf32, #tpu.memory_space<vmem_shared>>
    tpu.wait_dma2 semaphore(%arg12 : memref<!tpu.dma_semaphore, #tpu.memory_space<semaphore_mem>>) src(%arg9 : memref<128x128xf32, #tpu.memory_space<vmem>>) dst(%dma_wait3A_58 : memref<128x128xf32, #tpu.memory_space<vmem_shared>>)
    %dma_wait3A_59 = arith.constant 0 : i32
    %dma_wait3A_60 = arith.constant 0 : i32
    %dma_wait3A_61 = tpu.memref_slice %arg11[%dma_wait3A_59, %dma_wait3A_60] : memref<10240x128xf32, #tpu.memory_space<vmem_shared>> -> memref<128x128xf32, #tpu.memory_space<vmem_shared>>
    %dma_wait3A_62 = arith.constant 0 : i32
    %dma_wait3A_63 = arith.constant 0 : i32
    %dma_wait3A_64 = tpu.memref_slice %arg11[%dma_wait3A_62, %dma_wait3A_63] : memref<10240x128xf32, #tpu.memory_space<vmem_shared>> -> memref<128x128xf32, #tpu.memory_space<vmem_shared>>
    tpu.wait_dma2 semaphore(%arg12 : memref<!tpu.dma_semaphore, #tpu.memory_space<semaphore_mem>>) src(%arg9 : memref<128x128xf32, #tpu.memory_space<vmem>>) dst(%dma_wait3A_64 : memref<128x128xf32, #tpu.memory_space<vmem_shared>>)
    %dma_wait3A_65 = arith.constant 0 : i32
    %dma_wait3A_66 = arith.constant 0 : i32
    %dma_wait3A_67 = tpu.memref_slice %arg11[%dma_wait3A_65, %dma_wait3A_66] : memref<10240x128xf32, #tpu.memory_space<vmem_shared>> -> memref<128x128xf32, #tpu.memory_space<vmem_shared>>
    %dma_wait3A_68 = arith.constant 0 : i32
    %dma_wait3A_69 = arith.constant 0 : i32
    %dma_wait3A_70 = tpu.memref_slice %arg11[%dma_wait3A_68, %dma_wait3A_69] : memref<10240x128xf32, #tpu.memory_space<vmem_shared>> -> memref<128x128xf32, #tpu.memory_space<vmem_shared>>
    tpu.wait_dma2 semaphore(%arg12 : memref<!tpu.dma_semaphore, #tpu.memory_space<semaphore_mem>>) src(%arg9 : memref<128x128xf32, #tpu.memory_space<vmem>>) dst(%dma_wait3A_70 : memref<128x128xf32, #tpu.memory_space<vmem_shared>>)
    %barrier3A = arith.constant 0 : index
    tpu.barrier barrier_id(%barrier3A)
    %mul3A_71 = arith.constant 80 : i32
    %mul3A_72 = arith.muli %add3A, %mul3A_71 : i32
    %add3A_73 = arith.constant 0 : i32
    %add3A_74 = arith.addi %mul3A_72, %add3A_73 : i32
    "tpu.region"() ({
      %run_scoped3A = tpu.sem_alloc : memref<!tpu.dma_semaphore, #tpu.memory_space<semaphore_mem>>
      %dma_start3A_293 = arith.constant 0 : i32
      %dma_start3A_294 = tpu.memref_slice %arg3[%add3A_74, %dma_start3A_293] : memref<2560x128xi32, #tpu.memory_space<hbm>> -> memref<40x128xi32, #tpu.memory_space<hbm>>
      %dma_start3A_295 = arith.constant 0 : i32
      %dma_start3A_296 = tpu.memref_slice %arg3[%add3A_74, %dma_start3A_295] : memref<2560x128xi32, #tpu.memory_space<hbm>> -> memref<40x128xi32, #tpu.memory_space<hbm>>
      tpu.enqueue_dma source(%dma_start3A_296 : memref<40x128xi32, #tpu.memory_space<hbm>>) target(%arg7 : memref<40x128xi32, #tpu.memory_space<vmem>>) target_semaphore(%run_scoped3A : memref<!tpu.dma_semaphore, #tpu.memory_space<semaphore_mem>>)
      %dma_wait3A_297 = arith.constant 0 : i32
      %dma_wait3A_298 = tpu.memref_slice %arg3[%add3A_74, %dma_wait3A_297] : memref<2560x128xi32, #tpu.memory_space<hbm>> -> memref<40x128xi32, #tpu.memory_space<hbm>>
      %dma_wait3A_299 = arith.constant 0 : i32
      %dma_wait3A_300 = tpu.memref_slice %arg3[%add3A_74, %dma_wait3A_299] : memref<2560x128xi32, #tpu.memory_space<hbm>> -> memref<40x128xi32, #tpu.memory_space<hbm>>
      tpu.wait_dma2 semaphore(%run_scoped3A : memref<!tpu.dma_semaphore, #tpu.memory_space<semaphore_mem>>) src(%dma_wait3A_300 : memref<40x128xi32, #tpu.memory_space<hbm>>) dst(%arg7 : memref<40x128xi32, #tpu.memory_space<vmem>>)
      tpu.yield
    }) : () -> ()
    "tpu.region"() ({
      %run_scoped3A = tpu.sem_alloc : memref<!tpu.dma_semaphore, #tpu.memory_space<semaphore_mem>>
      %dma_start3A_293 = arith.constant 0 : i32
      %dma_start3A_294 = tpu.memref_slice %arg4[%add3A_74, %dma_start3A_293] : memref<2560x128xi32, #tpu.memory_space<hbm>> -> memref<40x128xi32, #tpu.memory_space<hbm>>
      %dma_start3A_295 = arith.constant 0 : i32
      %dma_start3A_296 = tpu.memref_slice %arg4[%add3A_74, %dma_start3A_295] : memref<2560x128xi32, #tpu.memory_space<hbm>> -> memref<40x128xi32, #tpu.memory_space<hbm>>
      tpu.enqueue_dma source(%dma_start3A_296 : memref<40x128xi32, #tpu.memory_space<hbm>>) target(%arg8 : memref<40x128xi32, #tpu.memory_space<vmem>>) target_semaphore(%run_scoped3A : memref<!tpu.dma_semaphore, #tpu.memory_space<semaphore_mem>>)
      %dma_wait3A_297 = arith.constant 0 : i32
      %dma_wait3A_298 = tpu.memref_slice %arg4[%add3A_74, %dma_wait3A_297] : memref<2560x128xi32, #tpu.memory_space<hbm>> -> memref<40x128xi32, #tpu.memory_space<hbm>>
      %dma_wait3A_299 = arith.constant 0 : i32
      %dma_wait3A_300 = tpu.memref_slice %arg4[%add3A_74, %dma_wait3A_299] : memref<2560x128xi32, #tpu.memory_space<hbm>> -> memref<40x128xi32, #tpu.memory_space<hbm>>
      tpu.wait_dma2 semaphore(%run_scoped3A : memref<!tpu.dma_semaphore, #tpu.memory_space<semaphore_mem>>) src(%dma_wait3A_300 : memref<40x128xi32, #tpu.memory_space<hbm>>) dst(%arg8 : memref<40x128xi32, #tpu.memory_space<vmem>>)
      tpu.yield
    }) : () -> ()
    %dma_start3A_75 = arith.constant 0 : i32
    %dma_start3A_76 = arith.constant 0 : i32
    %dma_start3A_77 = tpu.memref_slice %arg7[%dma_start3A_75, %dma_start3A_76] : memref<40x128xi32, #tpu.memory_space<vmem>> -> memref<1x128xi32, #tpu.memory_space<vmem>>
    %dma_start3A_78 = tpu.memref_squeeze %dma_start3A_77 : memref<1x128xi32, #tpu.memory_space<vmem>> -> memref<128xi32, #tpu.memory_space<vmem>>
    %dma_start3A_79 = arith.constant 0 : i32
    %dma_start3A_80 = arith.constant 0 : i32
    %dma_start3A_81 = tpu.memref_slice %arg2[%dma_start3A_79, %dma_start3A_80] : memref<10000x128xf32, #tpu.memory_space<hbm>> -> memref<10000x128xf32, #tpu.memory_space<hbm>>
    tpu.enqueue_indirect_dma source(%dma_start3A_81 : memref<10000x128xf32, #tpu.memory_space<hbm>>) target(%arg9 : memref<128x128xf32, #tpu.memory_space<vmem>>) offsets(%dma_start3A_78 : memref<128xi32, #tpu.memory_space<vmem>>) semaphore(%arg12 : memref<!tpu.dma_semaphore, #tpu.memory_space<semaphore_mem>>)
    %dma_start3A_82 = arith.constant 1 : i32
    %dma_start3A_83 = arith.constant 0 : i32
    %dma_start3A_84 = tpu.memref_slice %arg7[%dma_start3A_82, %dma_start3A_83] : memref<40x128xi32, #tpu.memory_space<vmem>> -> memref<1x128xi32, #tpu.memory_space<vmem>>
    %dma_start3A_85 = tpu.memref_squeeze %dma_start3A_84 : memref<1x128xi32, #tpu.memory_space<vmem>> -> memref<128xi32, #tpu.memory_space<vmem>>
    %dma_start3A_86 = arith.constant 0 : i32
    %dma_start3A_87 = arith.constant 0 : i32
    %dma_start3A_88 = tpu.memref_slice %arg2[%dma_start3A_86, %dma_start3A_87] : memref<10000x128xf32, #tpu.memory_space<hbm>> -> memref<10000x128xf32, #tpu.memory_space<hbm>>
    tpu.enqueue_indirect_dma source(%dma_start3A_88 : memref<10000x128xf32, #tpu.memory_space<hbm>>) target(%arg10 : memref<128x128xf32, #tpu.memory_space<vmem>>) offsets(%dma_start3A_85 : memref<128xi32, #tpu.memory_space<vmem>>) semaphore(%arg13 : memref<!tpu.dma_semaphore, #tpu.memory_space<semaphore_mem>>)
    %dma_wait3A_89 = arith.constant 0 : i32
    %dma_wait3A_90 = arith.constant 0 : i32
    %dma_wait3A_91 = tpu.memref_slice %arg7[%dma_wait3A_89, %dma_wait3A_90] : memref<40x128xi32, #tpu.memory_space<vmem>> -> memref<1x128xi32, #tpu.memory_space<vmem>>
    %dma_wait3A_92 = tpu.memref_squeeze %dma_wait3A_91 : memref<1x128xi32, #tpu.memory_space<vmem>> -> memref<128xi32, #tpu.memory_space<vmem>>
    %dma_wait3A_93 = arith.constant 0 : i32
    %dma_wait3A_94 = arith.constant 0 : i32
    %dma_wait3A_95 = tpu.memref_slice %arg2[%dma_wait3A_93, %dma_wait3A_94] : memref<10000x128xf32, #tpu.memory_space<hbm>> -> memref<10000x128xf32, #tpu.memory_space<hbm>>
    tpu.wait_indirect_dma semaphore(%arg12 : memref<!tpu.dma_semaphore, #tpu.memory_space<semaphore_mem>>) src(%dma_wait3A_95 : memref<10000x128xf32, #tpu.memory_space<hbm>>) dst(%arg9 : memref<128x128xf32, #tpu.memory_space<vmem>>)
    %dma_start3A_96 = arith.constant 0 : i32
    %dma_start3A_97 = arith.constant 0 : i32
    %dma_start3A_98 = tpu.memref_slice %arg8[%dma_start3A_96, %dma_start3A_97] : memref<40x128xi32, #tpu.memory_space<vmem>> -> memref<1x128xi32, #tpu.memory_space<vmem>>
    %dma_start3A_99 = tpu.memref_squeeze %dma_start3A_98 : memref<1x128xi32, #tpu.memory_space<vmem>> -> memref<128xi32, #tpu.memory_space<vmem>>
    %dma_start3A_100 = arith.constant 0 : i32
    %dma_start3A_101 = arith.constant 0 : i32
    %dma_start3A_102 = tpu.memref_slice %arg11[%dma_start3A_100, %dma_start3A_101] : memref<10240x128xf32, #tpu.memory_space<vmem_shared>> -> memref<10240x128xf32, #tpu.memory_space<vmem_shared>>
    tpu.enqueue_indirect_dma source(%arg9 : memref<128x128xf32, #tpu.memory_space<vmem>>) target(%dma_start3A_102 : memref<10240x128xf32, #tpu.memory_space<vmem_shared>>) offsets(%dma_start3A_99 : memref<128xi32, #tpu.memory_space<vmem>>) semaphore(%arg14 : memref<!tpu.dma_semaphore, #tpu.memory_space<semaphore_mem>>) {add = true}
    %scan3A = arith.constant 0 : i32
    %scan3A_103 = arith.constant 0 : i32
    %scan3A_104 = arith.constant 19 : i32
    %scan3A_105 = arith.addi %scan3A_103, %scan3A_104 : i32
    %scan3A_106 = arith.constant 1 : i32
    scf.for %scan3A_293 = %scan3A_103 to %scan3A_105 step %scan3A_106  : i32 {
      %mul3A_294 = arith.constant 2 : i32
      %mul3A_295 = arith.muli %mul3A_294, %scan3A_293 : i32
      %add3A_296 = arith.constant 1 : i32
      %add3A_297 = arith.addi %mul3A_295, %add3A_296 : i32
      %dma_wait3A_298 = arith.constant 0 : i32
      %dma_wait3A_299 = arith.constant 0 : i32
      %dma_wait3A_300 = tpu.memref_slice %arg8[%dma_wait3A_298, %dma_wait3A_299] : memref<40x128xi32, #tpu.memory_space<vmem>> -> memref<1x128xi32, #tpu.memory_space<vmem>>
      %dma_wait3A_301 = tpu.memref_squeeze %dma_wait3A_300 : memref<1x128xi32, #tpu.memory_space<vmem>> -> memref<128xi32, #tpu.memory_space<vmem>>
      %dma_wait3A_302 = arith.constant 0 : i32
      %dma_wait3A_303 = arith.constant 0 : i32
      %dma_wait3A_304 = tpu.memref_slice %arg11[%dma_wait3A_302, %dma_wait3A_303] : memref<10240x128xf32, #tpu.memory_space<vmem_shared>> -> memref<10240x128xf32, #tpu.memory_space<vmem_shared>>
      tpu.wait_indirect_dma semaphore(%arg14 : memref<!tpu.dma_semaphore, #tpu.memory_space<semaphore_mem>>) src(%arg9 : memref<128x128xf32, #tpu.memory_space<vmem>>) dst(%dma_wait3A_304 : memref<10240x128xf32, #tpu.memory_space<vmem_shared>>)
      %add3A_305 = arith.constant 1 : i32
      %add3A_306 = arith.addi %add3A_297, %add3A_305 : i32
      %dma_start3A_307 = arith.constant 0 : i32
      %dma_start3A_308 = tpu.memref_slice %arg7[%add3A_306, %dma_start3A_307] : memref<40x128xi32, #tpu.memory_space<vmem>> -> memref<1x128xi32, #tpu.memory_space<vmem>>
      %dma_start3A_309 = tpu.memref_squeeze %dma_start3A_308 : memref<1x128xi32, #tpu.memory_space<vmem>> -> memref<128xi32, #tpu.memory_space<vmem>>
      %dma_start3A_310 = arith.constant 0 : i32
      %dma_start3A_311 = arith.constant 0 : i32
      %dma_start3A_312 = tpu.memref_slice %arg2[%dma_start3A_310, %dma_start3A_311] : memref<10000x128xf32, #tpu.memory_space<hbm>> -> memref<10000x128xf32, #tpu.memory_space<hbm>>
      tpu.enqueue_indirect_dma source(%dma_start3A_312 : memref<10000x128xf32, #tpu.memory_space<hbm>>) target(%arg9 : memref<128x128xf32, #tpu.memory_space<vmem>>) offsets(%dma_start3A_309 : memref<128xi32, #tpu.memory_space<vmem>>) semaphore(%arg12 : memref<!tpu.dma_semaphore, #tpu.memory_space<semaphore_mem>>)
      %dma_wait3A_313 = arith.constant 0 : i32
      %dma_wait3A_314 = arith.constant 0 : i32
      %dma_wait3A_315 = tpu.memref_slice %arg7[%dma_wait3A_313, %dma_wait3A_314] : memref<40x128xi32, #tpu.memory_space<vmem>> -> memref<1x128xi32, #tpu.memory_space<vmem>>
      %dma_wait3A_316 = tpu.memref_squeeze %dma_wait3A_315 : memref<1x128xi32, #tpu.memory_space<vmem>> -> memref<128xi32, #tpu.memory_space<vmem>>
      %dma_wait3A_317 = arith.constant 0 : i32
      %dma_wait3A_318 = arith.constant 0 : i32
      %dma_wait3A_319 = tpu.memref_slice %arg2[%dma_wait3A_317, %dma_wait3A_318] : memref<10000x128xf32, #tpu.memory_space<hbm>> -> memref<10000x128xf32, #tpu.memory_space<hbm>>
      tpu.wait_indirect_dma semaphore(%arg13 : memref<!tpu.dma_semaphore, #tpu.memory_space<semaphore_mem>>) src(%dma_wait3A_319 : memref<10000x128xf32, #tpu.memory_space<hbm>>) dst(%arg10 : memref<128x128xf32, #tpu.memory_space<vmem>>)
      %dma_start3A_320 = arith.constant 0 : i32
      %dma_start3A_321 = tpu.memref_slice %arg8[%add3A_297, %dma_start3A_320] : memref<40x128xi32, #tpu.memory_space<vmem>> -> memref<1x128xi32, #tpu.memory_space<vmem>>
      %dma_start3A_322 = tpu.memref_squeeze %dma_start3A_321 : memref<1x128xi32, #tpu.memory_space<vmem>> -> memref<128xi32, #tpu.memory_space<vmem>>
      %dma_start3A_323 = arith.constant 0 : i32
      %dma_start3A_324 = arith.constant 0 : i32
      %dma_start3A_325 = tpu.memref_slice %arg11[%dma_start3A_323, %dma_start3A_324] : memref<10240x128xf32, #tpu.memory_space<vmem_shared>> -> memref<10240x128xf32, #tpu.memory_space<vmem_shared>>
      tpu.enqueue_indirect_dma source(%arg10 : memref<128x128xf32, #tpu.memory_space<vmem>>) target(%dma_start3A_325 : memref<10240x128xf32, #tpu.memory_space<vmem_shared>>) offsets(%dma_start3A_322 : memref<128xi32, #tpu.memory_space<vmem>>) semaphore(%arg15 : memref<!tpu.dma_semaphore, #tpu.memory_space<semaphore_mem>>) {add = true}
      %dma_wait3A_326 = arith.constant 0 : i32
      %dma_wait3A_327 = arith.constant 0 : i32
      %dma_wait3A_328 = tpu.memref_slice %arg8[%dma_wait3A_326, %dma_wait3A_327] : memref<40x128xi32, #tpu.memory_space<vmem>> -> memref<1x128xi32, #tpu.memory_space<vmem>>
      %dma_wait3A_329 = tpu.memref_squeeze %dma_wait3A_328 : memref<1x128xi32, #tpu.memory_space<vmem>> -> memref<128xi32, #tpu.memory_space<vmem>>
      %dma_wait3A_330 = arith.constant 0 : i32
      %dma_wait3A_331 = arith.constant 0 : i32
      %dma_wait3A_332 = tpu.memref_slice %arg11[%dma_wait3A_330, %dma_wait3A_331] : memref<10240x128xf32, #tpu.memory_space<vmem_shared>> -> memref<10240x128xf32, #tpu.memory_space<vmem_shared>>
      tpu.wait_indirect_dma semaphore(%arg15 : memref<!tpu.dma_semaphore, #tpu.memory_space<semaphore_mem>>) src(%arg10 : memref<128x128xf32, #tpu.memory_space<vmem>>) dst(%dma_wait3A_332 : memref<10240x128xf32, #tpu.memory_space<vmem_shared>>)
      %add3A_333 = arith.constant 2 : i32
      %add3A_334 = arith.addi %add3A_297, %add3A_333 : i32
      %dma_start3A_335 = arith.constant 0 : i32
      %dma_start3A_336 = tpu.memref_slice %arg7[%add3A_334, %dma_start3A_335] : memref<40x128xi32, #tpu.memory_space<vmem>> -> memref<1x128xi32, #tpu.memory_space<vmem>>
      %dma_start3A_337 = tpu.memref_squeeze %dma_start3A_336 : memref<1x128xi32, #tpu.memory_space<vmem>> -> memref<128xi32, #tpu.memory_space<vmem>>
      %dma_start3A_338 = arith.constant 0 : i32
      %dma_start3A_339 = arith.constant 0 : i32
      %dma_start3A_340 = tpu.memref_slice %arg2[%dma_start3A_338, %dma_start3A_339] : memref<10000x128xf32, #tpu.memory_space<hbm>> -> memref<10000x128xf32, #tpu.memory_space<hbm>>
      tpu.enqueue_indirect_dma source(%dma_start3A_340 : memref<10000x128xf32, #tpu.memory_space<hbm>>) target(%arg10 : memref<128x128xf32, #tpu.memory_space<vmem>>) offsets(%dma_start3A_337 : memref<128xi32, #tpu.memory_space<vmem>>) semaphore(%arg13 : memref<!tpu.dma_semaphore, #tpu.memory_space<semaphore_mem>>)
      %dma_wait3A_341 = arith.constant 0 : i32
      %dma_wait3A_342 = arith.constant 0 : i32
      %dma_wait3A_343 = tpu.memref_slice %arg7[%dma_wait3A_341, %dma_wait3A_342] : memref<40x128xi32, #tpu.memory_space<vmem>> -> memref<1x128xi32, #tpu.memory_space<vmem>>
      %dma_wait3A_344 = tpu.memref_squeeze %dma_wait3A_343 : memref<1x128xi32, #tpu.memory_space<vmem>> -> memref<128xi32, #tpu.memory_space<vmem>>
      %dma_wait3A_345 = arith.constant 0 : i32
      %dma_wait3A_346 = arith.constant 0 : i32
      %dma_wait3A_347 = tpu.memref_slice %arg2[%dma_wait3A_345, %dma_wait3A_346] : memref<10000x128xf32, #tpu.memory_space<hbm>> -> memref<10000x128xf32, #tpu.memory_space<hbm>>
      tpu.wait_indirect_dma semaphore(%arg12 : memref<!tpu.dma_semaphore, #tpu.memory_space<semaphore_mem>>) src(%dma_wait3A_347 : memref<10000x128xf32, #tpu.memory_space<hbm>>) dst(%arg9 : memref<128x128xf32, #tpu.memory_space<vmem>>)
      %add3A_348 = arith.constant 1 : i32
      %add3A_349 = arith.addi %add3A_297, %add3A_348 : i32
      %dma_start3A_350 = arith.constant 0 : i32
      %dma_start3A_351 = tpu.memref_slice %arg8[%add3A_349, %dma_start3A_350] : memref<40x128xi32, #tpu.memory_space<vmem>> -> memref<1x128xi32, #tpu.memory_space<vmem>>
      %dma_start3A_352 = tpu.memref_squeeze %dma_start3A_351 : memref<1x128xi32, #tpu.memory_space<vmem>> -> memref<128xi32, #tpu.memory_space<vmem>>
      %dma_start3A_353 = arith.constant 0 : i32
      %dma_start3A_354 = arith.constant 0 : i32
      %dma_start3A_355 = tpu.memref_slice %arg11[%dma_start3A_353, %dma_start3A_354] : memref<10240x128xf32, #tpu.memory_space<vmem_shared>> -> memref<10240x128xf32, #tpu.memory_space<vmem_shared>>
      tpu.enqueue_indirect_dma source(%arg9 : memref<128x128xf32, #tpu.memory_space<vmem>>) target(%dma_start3A_355 : memref<10240x128xf32, #tpu.memory_space<vmem_shared>>) offsets(%dma_start3A_352 : memref<128xi32, #tpu.memory_space<vmem>>) semaphore(%arg14 : memref<!tpu.dma_semaphore, #tpu.memory_space<semaphore_mem>>) {add = true}
    }
    %scan3A_107 = arith.constant 19 : i32
    %dma_wait3A_108 = arith.constant 0 : i32
    %dma_wait3A_109 = arith.constant 0 : i32
    %dma_wait3A_110 = tpu.memref_slice %arg7[%dma_wait3A_108, %dma_wait3A_109] : memref<40x128xi32, #tpu.memory_space<vmem>> -> memref<1x128xi32, #tpu.memory_space<vmem>>
    %dma_wait3A_111 = tpu.memref_squeeze %dma_wait3A_110 : memref<1x128xi32, #tpu.memory_space<vmem>> -> memref<128xi32, #tpu.memory_space<vmem>>
    %dma_wait3A_112 = arith.constant 0 : i32
    %dma_wait3A_113 = arith.constant 0 : i32
    %dma_wait3A_114 = tpu.memref_slice %arg2[%dma_wait3A_112, %dma_wait3A_113] : memref<10000x128xf32, #tpu.memory_space<hbm>> -> memref<10000x128xf32, #tpu.memory_space<hbm>>
    tpu.wait_indirect_dma semaphore(%arg13 : memref<!tpu.dma_semaphore, #tpu.memory_space<semaphore_mem>>) src(%dma_wait3A_114 : memref<10000x128xf32, #tpu.memory_space<hbm>>) dst(%arg10 : memref<128x128xf32, #tpu.memory_space<vmem>>)
    %dma_start3A_115 = arith.constant 39 : i32
    %dma_start3A_116 = arith.constant 0 : i32
    %dma_start3A_117 = tpu.memref_slice %arg8[%dma_start3A_115, %dma_start3A_116] : memref<40x128xi32, #tpu.memory_space<vmem>> -> memref<1x128xi32, #tpu.memory_space<vmem>>
    %dma_start3A_118 = tpu.memref_squeeze %dma_start3A_117 : memref<1x128xi32, #tpu.memory_space<vmem>> -> memref<128xi32, #tpu.memory_space<vmem>>
    %dma_start3A_119 = arith.constant 0 : i32
    %dma_start3A_120 = arith.constant 0 : i32
    %dma_start3A_121 = tpu.memref_slice %arg11[%dma_start3A_119, %dma_start3A_120] : memref<10240x128xf32, #tpu.memory_space<vmem_shared>> -> memref<10240x128xf32, #tpu.memory_space<vmem_shared>>
    tpu.enqueue_indirect_dma source(%arg10 : memref<128x128xf32, #tpu.memory_space<vmem>>) target(%dma_start3A_121 : memref<10240x128xf32, #tpu.memory_space<vmem_shared>>) offsets(%dma_start3A_118 : memref<128xi32, #tpu.memory_space<vmem>>) semaphore(%arg15 : memref<!tpu.dma_semaphore, #tpu.memory_space<semaphore_mem>>) {add = true}
    %dma_wait3A_122 = arith.constant 0 : i32
    %dma_wait3A_123 = arith.constant 0 : i32
    %dma_wait3A_124 = tpu.memref_slice %arg8[%dma_wait3A_122, %dma_wait3A_123] : memref<40x128xi32, #tpu.memory_space<vmem>> -> memref<1x128xi32, #tpu.memory_space<vmem>>
    %dma_wait3A_125 = tpu.memref_squeeze %dma_wait3A_124 : memref<1x128xi32, #tpu.memory_space<vmem>> -> memref<128xi32, #tpu.memory_space<vmem>>
    %dma_wait3A_126 = arith.constant 0 : i32
    %dma_wait3A_127 = arith.constant 0 : i32
    %dma_wait3A_128 = tpu.memref_slice %arg11[%dma_wait3A_126, %dma_wait3A_127] : memref<10240x128xf32, #tpu.memory_space<vmem_shared>> -> memref<10240x128xf32, #tpu.memory_space<vmem_shared>>
    tpu.wait_indirect_dma semaphore(%arg14 : memref<!tpu.dma_semaphore, #tpu.memory_space<semaphore_mem>>) src(%arg9 : memref<128x128xf32, #tpu.memory_space<vmem>>) dst(%dma_wait3A_128 : memref<10240x128xf32, #tpu.memory_space<vmem_shared>>)
    %dma_wait3A_129 = arith.constant 0 : i32
    %dma_wait3A_130 = arith.constant 0 : i32
    %dma_wait3A_131 = tpu.memref_slice %arg8[%dma_wait3A_129, %dma_wait3A_130] : memref<40x128xi32, #tpu.memory_space<vmem>> -> memref<1x128xi32, #tpu.memory_space<vmem>>
    %dma_wait3A_132 = tpu.memref_squeeze %dma_wait3A_131 : memref<1x128xi32, #tpu.memory_space<vmem>> -> memref<128xi32, #tpu.memory_space<vmem>>
    %dma_wait3A_133 = arith.constant 0 : i32
    %dma_wait3A_134 = arith.constant 0 : i32
    %dma_wait3A_135 = tpu.memref_slice %arg11[%dma_wait3A_133, %dma_wait3A_134] : memref<10240x128xf32, #tpu.memory_space<vmem_shared>> -> memref<10240x128xf32, #tpu.memory_space<vmem_shared>>
    tpu.wait_indirect_dma semaphore(%arg15 : memref<!tpu.dma_semaphore, #tpu.memory_space<semaphore_mem>>) src(%arg10 : memref<128x128xf32, #tpu.memory_space<vmem>>) dst(%dma_wait3A_135 : memref<10240x128xf32, #tpu.memory_space<vmem_shared>>)
    %mul3A_136 = arith.constant 80 : i32
    %mul3A_137 = arith.muli %add3A, %mul3A_136 : i32
    %add3A_138 = arith.constant 40 : i32
    %add3A_139 = arith.addi %mul3A_137, %add3A_138 : i32
    "tpu.region"() ({
      %run_scoped3A = tpu.sem_alloc : memref<!tpu.dma_semaphore, #tpu.memory_space<semaphore_mem>>
      %dma_start3A_293 = arith.constant 0 : i32
      %dma_start3A_294 = tpu.memref_slice %arg3[%add3A_139, %dma_start3A_293] : memref<2560x128xi32, #tpu.memory_space<hbm>> -> memref<40x128xi32, #tpu.memory_space<hbm>>
      %dma_start3A_295 = arith.constant 0 : i32
      %dma_start3A_296 = tpu.memref_slice %arg3[%add3A_139, %dma_start3A_295] : memref<2560x128xi32, #tpu.memory_space<hbm>> -> memref<40x128xi32, #tpu.memory_space<hbm>>
      tpu.enqueue_dma source(%dma_start3A_296 : memref<40x128xi32, #tpu.memory_space<hbm>>) target(%arg7 : memref<40x128xi32, #tpu.memory_space<vmem>>) target_semaphore(%run_scoped3A : memref<!tpu.dma_semaphore, #tpu.memory_space<semaphore_mem>>)
      %dma_wait3A_297 = arith.constant 0 : i32
      %dma_wait3A_298 = tpu.memref_slice %arg3[%add3A_139, %dma_wait3A_297] : memref<2560x128xi32, #tpu.memory_space<hbm>> -> memref<40x128xi32, #tpu.memory_space<hbm>>
      %dma_wait3A_299 = arith.constant 0 : i32
      %dma_wait3A_300 = tpu.memref_slice %arg3[%add3A_139, %dma_wait3A_299] : memref<2560x128xi32, #tpu.memory_space<hbm>> -> memref<40x128xi32, #tpu.memory_space<hbm>>
      tpu.wait_dma2 semaphore(%run_scoped3A : memref<!tpu.dma_semaphore, #tpu.memory_space<semaphore_mem>>) src(%dma_wait3A_300 : memref<40x128xi32, #tpu.memory_space<hbm>>) dst(%arg7 : memref<40x128xi32, #tpu.memory_space<vmem>>)
      tpu.yield
    }) : () -> ()
    "tpu.region"() ({
      %run_scoped3A = tpu.sem_alloc : memref<!tpu.dma_semaphore, #tpu.memory_space<semaphore_mem>>
      %dma_start3A_293 = arith.constant 0 : i32
      %dma_start3A_294 = tpu.memref_slice %arg4[%add3A_139, %dma_start3A_293] : memref<2560x128xi32, #tpu.memory_space<hbm>> -> memref<40x128xi32, #tpu.memory_space<hbm>>
      %dma_start3A_295 = arith.constant 0 : i32
      %dma_start3A_296 = tpu.memref_slice %arg4[%add3A_139, %dma_start3A_295] : memref<2560x128xi32, #tpu.memory_space<hbm>> -> memref<40x128xi32, #tpu.memory_space<hbm>>
      tpu.enqueue_dma source(%dma_start3A_296 : memref<40x128xi32, #tpu.memory_space<hbm>>) target(%arg8 : memref<40x128xi32, #tpu.memory_space<vmem>>) target_semaphore(%run_scoped3A : memref<!tpu.dma_semaphore, #tpu.memory_space<semaphore_mem>>)
      %dma_wait3A_297 = arith.constant 0 : i32
      %dma_wait3A_298 = tpu.memref_slice %arg4[%add3A_139, %dma_wait3A_297] : memref<2560x128xi32, #tpu.memory_space<hbm>> -> memref<40x128xi32, #tpu.memory_space<hbm>>
      %dma_wait3A_299 = arith.constant 0 : i32
      %dma_wait3A_300 = tpu.memref_slice %arg4[%add3A_139, %dma_wait3A_299] : memref<2560x128xi32, #tpu.memory_space<hbm>> -> memref<40x128xi32, #tpu.memory_space<hbm>>
      tpu.wait_dma2 semaphore(%run_scoped3A : memref<!tpu.dma_semaphore, #tpu.memory_space<semaphore_mem>>) src(%dma_wait3A_300 : memref<40x128xi32, #tpu.memory_space<hbm>>) dst(%arg8 : memref<40x128xi32, #tpu.memory_space<vmem>>)
      tpu.yield
    }) : () -> ()
    %dma_start3A_140 = arith.constant 0 : i32
    %dma_start3A_141 = arith.constant 0 : i32
    %dma_start3A_142 = tpu.memref_slice %arg7[%dma_start3A_140, %dma_start3A_141] : memref<40x128xi32, #tpu.memory_space<vmem>> -> memref<1x128xi32, #tpu.memory_space<vmem>>
    %dma_start3A_143 = tpu.memref_squeeze %dma_start3A_142 : memref<1x128xi32, #tpu.memory_space<vmem>> -> memref<128xi32, #tpu.memory_space<vmem>>
    %dma_start3A_144 = arith.constant 0 : i32
    %dma_start3A_145 = arith.constant 0 : i32
    %dma_start3A_146 = tpu.memref_slice %arg2[%dma_start3A_144, %dma_start3A_145] : memref<10000x128xf32, #tpu.memory_space<hbm>> -> memref<10000x128xf32, #tpu.memory_space<hbm>>
    tpu.enqueue_indirect_dma source(%dma_start3A_146 : memref<10000x128xf32, #tpu.memory_space<hbm>>) target(%arg9 : memref<128x128xf32, #tpu.memory_space<vmem>>) offsets(%dma_start3A_143 : memref<128xi32, #tpu.memory_space<vmem>>) semaphore(%arg12 : memref<!tpu.dma_semaphore, #tpu.memory_space<semaphore_mem>>)
    %dma_start3A_147 = arith.constant 1 : i32
    %dma_start3A_148 = arith.constant 0 : i32
    %dma_start3A_149 = tpu.memref_slice %arg7[%dma_start3A_147, %dma_start3A_148] : memref<40x128xi32, #tpu.memory_space<vmem>> -> memref<1x128xi32, #tpu.memory_space<vmem>>
    %dma_start3A_150 = tpu.memref_squeeze %dma_start3A_149 : memref<1x128xi32, #tpu.memory_space<vmem>> -> memref<128xi32, #tpu.memory_space<vmem>>
    %dma_start3A_151 = arith.constant 0 : i32
    %dma_start3A_152 = arith.constant 0 : i32
    %dma_start3A_153 = tpu.memref_slice %arg2[%dma_start3A_151, %dma_start3A_152] : memref<10000x128xf32, #tpu.memory_space<hbm>> -> memref<10000x128xf32, #tpu.memory_space<hbm>>
    tpu.enqueue_indirect_dma source(%dma_start3A_153 : memref<10000x128xf32, #tpu.memory_space<hbm>>) target(%arg10 : memref<128x128xf32, #tpu.memory_space<vmem>>) offsets(%dma_start3A_150 : memref<128xi32, #tpu.memory_space<vmem>>) semaphore(%arg13 : memref<!tpu.dma_semaphore, #tpu.memory_space<semaphore_mem>>)
    %dma_wait3A_154 = arith.constant 0 : i32
    %dma_wait3A_155 = arith.constant 0 : i32
    %dma_wait3A_156 = tpu.memref_slice %arg7[%dma_wait3A_154, %dma_wait3A_155] : memref<40x128xi32, #tpu.memory_space<vmem>> -> memref<1x128xi32, #tpu.memory_space<vmem>>
    %dma_wait3A_157 = tpu.memref_squeeze %dma_wait3A_156 : memref<1x128xi32, #tpu.memory_space<vmem>> -> memref<128xi32, #tpu.memory_space<vmem>>
    %dma_wait3A_158 = arith.constant 0 : i32
    %dma_wait3A_159 = arith.constant 0 : i32
    %dma_wait3A_160 = tpu.memref_slice %arg2[%dma_wait3A_158, %dma_wait3A_159] : memref<10000x128xf32, #tpu.memory_space<hbm>> -> memref<10000x128xf32, #tpu.memory_space<hbm>>
    tpu.wait_indirect_dma semaphore(%arg12 : memref<!tpu.dma_semaphore, #tpu.memory_space<semaphore_mem>>) src(%dma_wait3A_160 : memref<10000x128xf32, #tpu.memory_space<hbm>>) dst(%arg9 : memref<128x128xf32, #tpu.memory_space<vmem>>)
    %dma_start3A_161 = arith.constant 0 : i32
    %dma_start3A_162 = arith.constant 0 : i32
    %dma_start3A_163 = tpu.memref_slice %arg8[%dma_start3A_161, %dma_start3A_162] : memref<40x128xi32, #tpu.memory_space<vmem>> -> memref<1x128xi32, #tpu.memory_space<vmem>>
    %dma_start3A_164 = tpu.memref_squeeze %dma_start3A_163 : memref<1x128xi32, #tpu.memory_space<vmem>> -> memref<128xi32, #tpu.memory_space<vmem>>
    %dma_start3A_165 = arith.constant 0 : i32
    %dma_start3A_166 = arith.constant 0 : i32
    %dma_start3A_167 = tpu.memref_slice %arg11[%dma_start3A_165, %dma_start3A_166] : memref<10240x128xf32, #tpu.memory_space<vmem_shared>> -> memref<10240x128xf32, #tpu.memory_space<vmem_shared>>
    tpu.enqueue_indirect_dma source(%arg9 : memref<128x128xf32, #tpu.memory_space<vmem>>) target(%dma_start3A_167 : memref<10240x128xf32, #tpu.memory_space<vmem_shared>>) offsets(%dma_start3A_164 : memref<128xi32, #tpu.memory_space<vmem>>) semaphore(%arg14 : memref<!tpu.dma_semaphore, #tpu.memory_space<semaphore_mem>>) {add = true}
    %scan3A_168 = arith.constant 0 : i32
    %scan3A_169 = arith.constant 0 : i32
    %scan3A_170 = arith.constant 19 : i32
    %scan3A_171 = arith.addi %scan3A_169, %scan3A_170 : i32
    %scan3A_172 = arith.constant 1 : i32
    scf.for %scan3A_293 = %scan3A_169 to %scan3A_171 step %scan3A_172  : i32 {
      %mul3A_294 = arith.constant 2 : i32
      %mul3A_295 = arith.muli %mul3A_294, %scan3A_293 : i32
      %add3A_296 = arith.constant 1 : i32
      %add3A_297 = arith.addi %mul3A_295, %add3A_296 : i32
      %dma_wait3A_298 = arith.constant 0 : i32
      %dma_wait3A_299 = arith.constant 0 : i32
      %dma_wait3A_300 = tpu.memref_slice %arg8[%dma_wait3A_298, %dma_wait3A_299] : memref<40x128xi32, #tpu.memory_space<vmem>> -> memref<1x128xi32, #tpu.memory_space<vmem>>
      %dma_wait3A_301 = tpu.memref_squeeze %dma_wait3A_300 : memref<1x128xi32, #tpu.memory_space<vmem>> -> memref<128xi32, #tpu.memory_space<vmem>>
      %dma_wait3A_302 = arith.constant 0 : i32
      %dma_wait3A_303 = arith.constant 0 : i32
      %dma_wait3A_304 = tpu.memref_slice %arg11[%dma_wait3A_302, %dma_wait3A_303] : memref<10240x128xf32, #tpu.memory_space<vmem_shared>> -> memref<10240x128xf32, #tpu.memory_space<vmem_shared>>
      tpu.wait_indirect_dma semaphore(%arg14 : memref<!tpu.dma_semaphore, #tpu.memory_space<semaphore_mem>>) src(%arg9 : memref<128x128xf32, #tpu.memory_space<vmem>>) dst(%dma_wait3A_304 : memref<10240x128xf32, #tpu.memory_space<vmem_shared>>)
      %add3A_305 = arith.constant 1 : i32
      %add3A_306 = arith.addi %add3A_297, %add3A_305 : i32
      %dma_start3A_307 = arith.constant 0 : i32
      %dma_start3A_308 = tpu.memref_slice %arg7[%add3A_306, %dma_start3A_307] : memref<40x128xi32, #tpu.memory_space<vmem>> -> memref<1x128xi32, #tpu.memory_space<vmem>>
      %dma_start3A_309 = tpu.memref_squeeze %dma_start3A_308 : memref<1x128xi32, #tpu.memory_space<vmem>> -> memref<128xi32, #tpu.memory_space<vmem>>
      %dma_start3A_310 = arith.constant 0 : i32
      %dma_start3A_311 = arith.constant 0 : i32
      %dma_start3A_312 = tpu.memref_slice %arg2[%dma_start3A_310, %dma_start3A_311] : memref<10000x128xf32, #tpu.memory_space<hbm>> -> memref<10000x128xf32, #tpu.memory_space<hbm>>
      tpu.enqueue_indirect_dma source(%dma_start3A_312 : memref<10000x128xf32, #tpu.memory_space<hbm>>) target(%arg9 : memref<128x128xf32, #tpu.memory_space<vmem>>) offsets(%dma_start3A_309 : memref<128xi32, #tpu.memory_space<vmem>>) semaphore(%arg12 : memref<!tpu.dma_semaphore, #tpu.memory_space<semaphore_mem>>)
      %dma_wait3A_313 = arith.constant 0 : i32
      %dma_wait3A_314 = arith.constant 0 : i32
      %dma_wait3A_315 = tpu.memref_slice %arg7[%dma_wait3A_313, %dma_wait3A_314] : memref<40x128xi32, #tpu.memory_space<vmem>> -> memref<1x128xi32, #tpu.memory_space<vmem>>
      %dma_wait3A_316 = tpu.memref_squeeze %dma_wait3A_315 : memref<1x128xi32, #tpu.memory_space<vmem>> -> memref<128xi32, #tpu.memory_space<vmem>>
      %dma_wait3A_317 = arith.constant 0 : i32
      %dma_wait3A_318 = arith.constant 0 : i32
      %dma_wait3A_319 = tpu.memref_slice %arg2[%dma_wait3A_317, %dma_wait3A_318] : memref<10000x128xf32, #tpu.memory_space<hbm>> -> memref<10000x128xf32, #tpu.memory_space<hbm>>
      tpu.wait_indirect_dma semaphore(%arg13 : memref<!tpu.dma_semaphore, #tpu.memory_space<semaphore_mem>>) src(%dma_wait3A_319 : memref<10000x128xf32, #tpu.memory_space<hbm>>) dst(%arg10 : memref<128x128xf32, #tpu.memory_space<vmem>>)
      %dma_start3A_320 = arith.constant 0 : i32
      %dma_start3A_321 = tpu.memref_slice %arg8[%add3A_297, %dma_start3A_320] : memref<40x128xi32, #tpu.memory_space<vmem>> -> memref<1x128xi32, #tpu.memory_space<vmem>>
      %dma_start3A_322 = tpu.memref_squeeze %dma_start3A_321 : memref<1x128xi32, #tpu.memory_space<vmem>> -> memref<128xi32, #tpu.memory_space<vmem>>
      %dma_start3A_323 = arith.constant 0 : i32
      %dma_start3A_324 = arith.constant 0 : i32
      %dma_start3A_325 = tpu.memref_slice %arg11[%dma_start3A_323, %dma_start3A_324] : memref<10240x128xf32, #tpu.memory_space<vmem_shared>> -> memref<10240x128xf32, #tpu.memory_space<vmem_shared>>
      tpu.enqueue_indirect_dma source(%arg10 : memref<128x128xf32, #tpu.memory_space<vmem>>) target(%dma_start3A_325 : memref<10240x128xf32, #tpu.memory_space<vmem_shared>>) offsets(%dma_start3A_322 : memref<128xi32, #tpu.memory_space<vmem>>) semaphore(%arg15 : memref<!tpu.dma_semaphore, #tpu.memory_space<semaphore_mem>>) {add = true}
      %dma_wait3A_326 = arith.constant 0 : i32
      %dma_wait3A_327 = arith.constant 0 : i32
      %dma_wait3A_328 = tpu.memref_slice %arg8[%dma_wait3A_326, %dma_wait3A_327] : memref<40x128xi32, #tpu.memory_space<vmem>> -> memref<1x128xi32, #tpu.memory_space<vmem>>
      %dma_wait3A_329 = tpu.memref_squeeze %dma_wait3A_328 : memref<1x128xi32, #tpu.memory_space<vmem>> -> memref<128xi32, #tpu.memory_space<vmem>>
      %dma_wait3A_330 = arith.constant 0 : i32
      %dma_wait3A_331 = arith.constant 0 : i32
      %dma_wait3A_332 = tpu.memref_slice %arg11[%dma_wait3A_330, %dma_wait3A_331] : memref<10240x128xf32, #tpu.memory_space<vmem_shared>> -> memref<10240x128xf32, #tpu.memory_space<vmem_shared>>
      tpu.wait_indirect_dma semaphore(%arg15 : memref<!tpu.dma_semaphore, #tpu.memory_space<semaphore_mem>>) src(%arg10 : memref<128x128xf32, #tpu.memory_space<vmem>>) dst(%dma_wait3A_332 : memref<10240x128xf32, #tpu.memory_space<vmem_shared>>)
      %add3A_333 = arith.constant 2 : i32
      %add3A_334 = arith.addi %add3A_297, %add3A_333 : i32
      %dma_start3A_335 = arith.constant 0 : i32
      %dma_start3A_336 = tpu.memref_slice %arg7[%add3A_334, %dma_start3A_335] : memref<40x128xi32, #tpu.memory_space<vmem>> -> memref<1x128xi32, #tpu.memory_space<vmem>>
      %dma_start3A_337 = tpu.memref_squeeze %dma_start3A_336 : memref<1x128xi32, #tpu.memory_space<vmem>> -> memref<128xi32, #tpu.memory_space<vmem>>
      %dma_start3A_338 = arith.constant 0 : i32
      %dma_start3A_339 = arith.constant 0 : i32
      %dma_start3A_340 = tpu.memref_slice %arg2[%dma_start3A_338, %dma_start3A_339] : memref<10000x128xf32, #tpu.memory_space<hbm>> -> memref<10000x128xf32, #tpu.memory_space<hbm>>
      tpu.enqueue_indirect_dma source(%dma_start3A_340 : memref<10000x128xf32, #tpu.memory_space<hbm>>) target(%arg10 : memref<128x128xf32, #tpu.memory_space<vmem>>) offsets(%dma_start3A_337 : memref<128xi32, #tpu.memory_space<vmem>>) semaphore(%arg13 : memref<!tpu.dma_semaphore, #tpu.memory_space<semaphore_mem>>)
      %dma_wait3A_341 = arith.constant 0 : i32
      %dma_wait3A_342 = arith.constant 0 : i32
      %dma_wait3A_343 = tpu.memref_slice %arg7[%dma_wait3A_341, %dma_wait3A_342] : memref<40x128xi32, #tpu.memory_space<vmem>> -> memref<1x128xi32, #tpu.memory_space<vmem>>
      %dma_wait3A_344 = tpu.memref_squeeze %dma_wait3A_343 : memref<1x128xi32, #tpu.memory_space<vmem>> -> memref<128xi32, #tpu.memory_space<vmem>>
      %dma_wait3A_345 = arith.constant 0 : i32
      %dma_wait3A_346 = arith.constant 0 : i32
      %dma_wait3A_347 = tpu.memref_slice %arg2[%dma_wait3A_345, %dma_wait3A_346] : memref<10000x128xf32, #tpu.memory_space<hbm>> -> memref<10000x128xf32, #tpu.memory_space<hbm>>
      tpu.wait_indirect_dma semaphore(%arg12 : memref<!tpu.dma_semaphore, #tpu.memory_space<semaphore_mem>>) src(%dma_wait3A_347 : memref<10000x128xf32, #tpu.memory_space<hbm>>) dst(%arg9 : memref<128x128xf32, #tpu.memory_space<vmem>>)
      %add3A_348 = arith.constant 1 : i32
      %add3A_349 = arith.addi %add3A_297, %add3A_348 : i32
      %dma_start3A_350 = arith.constant 0 : i32
      %dma_start3A_351 = tpu.memref_slice %arg8[%add3A_349, %dma_start3A_350] : memref<40x128xi32, #tpu.memory_space<vmem>> -> memref<1x128xi32, #tpu.memory_space<vmem>>
      %dma_start3A_352 = tpu.memref_squeeze %dma_start3A_351 : memref<1x128xi32, #tpu.memory_space<vmem>> -> memref<128xi32, #tpu.memory_space<vmem>>
      %dma_start3A_353 = arith.constant 0 : i32
      %dma_start3A_354 = arith.constant 0 : i32
      %dma_start3A_355 = tpu.memref_slice %arg11[%dma_start3A_353, %dma_start3A_354] : memref<10240x128xf32, #tpu.memory_space<vmem_shared>> -> memref<10240x128xf32, #tpu.memory_space<vmem_shared>>
      tpu.enqueue_indirect_dma source(%arg9 : memref<128x128xf32, #tpu.memory_space<vmem>>) target(%dma_start3A_355 : memref<10240x128xf32, #tpu.memory_space<vmem_shared>>) offsets(%dma_start3A_352 : memref<128xi32, #tpu.memory_space<vmem>>) semaphore(%arg14 : memref<!tpu.dma_semaphore, #tpu.memory_space<semaphore_mem>>) {add = true}
    }
    %scan3A_173 = arith.constant 19 : i32
    %dma_wait3A_174 = arith.constant 0 : i32
    %dma_wait3A_175 = arith.constant 0 : i32
    %dma_wait3A_176 = tpu.memref_slice %arg7[%dma_wait3A_174, %dma_wait3A_175] : memref<40x128xi32, #tpu.memory_space<vmem>> -> memref<1x128xi32, #tpu.memory_space<vmem>>
    %dma_wait3A_177 = tpu.memref_squeeze %dma_wait3A_176 : memref<1x128xi32, #tpu.memory_space<vmem>> -> memref<128xi32, #tpu.memory_space<vmem>>
    %dma_wait3A_178 = arith.constant 0 : i32
    %dma_wait3A_179 = arith.constant 0 : i32
    %dma_wait3A_180 = tpu.memref_slice %arg2[%dma_wait3A_178, %dma_wait3A_179] : memref<10000x128xf32, #tpu.memory_space<hbm>> -> memref<10000x128xf32, #tpu.memory_space<hbm>>
    tpu.wait_indirect_dma semaphore(%arg13 : memref<!tpu.dma_semaphore, #tpu.memory_space<semaphore_mem>>) src(%dma_wait3A_180 : memref<10000x128xf32, #tpu.memory_space<hbm>>) dst(%arg10 : memref<128x128xf32, #tpu.memory_space<vmem>>)
    %dma_start3A_181 = arith.constant 39 : i32
    %dma_start3A_182 = arith.constant 0 : i32
    %dma_start3A_183 = tpu.memref_slice %arg8[%dma_start3A_181, %dma_start3A_182] : memref<40x128xi32, #tpu.memory_space<vmem>> -> memref<1x128xi32, #tpu.memory_space<vmem>>
    %dma_start3A_184 = tpu.memref_squeeze %dma_start3A_183 : memref<1x128xi32, #tpu.memory_space<vmem>> -> memref<128xi32, #tpu.memory_space<vmem>>
    %dma_start3A_185 = arith.constant 0 : i32
    %dma_start3A_186 = arith.constant 0 : i32
    %dma_start3A_187 = tpu.memref_slice %arg11[%dma_start3A_185, %dma_start3A_186] : memref<10240x128xf32, #tpu.memory_space<vmem_shared>> -> memref<10240x128xf32, #tpu.memory_space<vmem_shared>>
    tpu.enqueue_indirect_dma source(%arg10 : memref<128x128xf32, #tpu.memory_space<vmem>>) target(%dma_start3A_187 : memref<10240x128xf32, #tpu.memory_space<vmem_shared>>) offsets(%dma_start3A_184 : memref<128xi32, #tpu.memory_space<vmem>>) semaphore(%arg15 : memref<!tpu.dma_semaphore, #tpu.memory_space<semaphore_mem>>) {add = true}
    %dma_wait3A_188 = arith.constant 0 : i32
    %dma_wait3A_189 = arith.constant 0 : i32
    %dma_wait3A_190 = tpu.memref_slice %arg8[%dma_wait3A_188, %dma_wait3A_189] : memref<40x128xi32, #tpu.memory_space<vmem>> -> memref<1x128xi32, #tpu.memory_space<vmem>>
    %dma_wait3A_191 = tpu.memref_squeeze %dma_wait3A_190 : memref<1x128xi32, #tpu.memory_space<vmem>> -> memref<128xi32, #tpu.memory_space<vmem>>
    %dma_wait3A_192 = arith.constant 0 : i32
    %dma_wait3A_193 = arith.constant 0 : i32
    %dma_wait3A_194 = tpu.memref_slice %arg11[%dma_wait3A_192, %dma_wait3A_193] : memref<10240x128xf32, #tpu.memory_space<vmem_shared>> -> memref<10240x128xf32, #tpu.memory_space<vmem_shared>>
    tpu.wait_indirect_dma semaphore(%arg14 : memref<!tpu.dma_semaphore, #tpu.memory_space<semaphore_mem>>) src(%arg9 : memref<128x128xf32, #tpu.memory_space<vmem>>) dst(%dma_wait3A_194 : memref<10240x128xf32, #tpu.memory_space<vmem_shared>>)
    %dma_wait3A_195 = arith.constant 0 : i32
    %dma_wait3A_196 = arith.constant 0 : i32
    %dma_wait3A_197 = tpu.memref_slice %arg8[%dma_wait3A_195, %dma_wait3A_196] : memref<40x128xi32, #tpu.memory_space<vmem>> -> memref<1x128xi32, #tpu.memory_space<vmem>>
    %dma_wait3A_198 = tpu.memref_squeeze %dma_wait3A_197 : memref<1x128xi32, #tpu.memory_space<vmem>> -> memref<128xi32, #tpu.memory_space<vmem>>
    %dma_wait3A_199 = arith.constant 0 : i32
    %dma_wait3A_200 = arith.constant 0 : i32
    %dma_wait3A_201 = tpu.memref_slice %arg11[%dma_wait3A_199, %dma_wait3A_200] : memref<10240x128xf32, #tpu.memory_space<vmem_shared>> -> memref<10240x128xf32, #tpu.memory_space<vmem_shared>>
    tpu.wait_indirect_dma semaphore(%arg15 : memref<!tpu.dma_semaphore, #tpu.memory_space<semaphore_mem>>) src(%arg10 : memref<128x128xf32, #tpu.memory_space<vmem>>) dst(%dma_wait3A_201 : memref<10240x128xf32, #tpu.memory_space<vmem_shared>>)
    %barrier3A_202 = arith.constant 0 : index
    tpu.barrier barrier_id(%barrier3A_202)
    %mul3A_203 = arith.constant 640 : i32
    %mul3A_204 = arith.muli %arg1, %mul3A_203 : i32
    %add3A_205 = arith.constant 0 : i32
    %add3A_206 = arith.addi %mul3A_204, %add3A_205 : i32
    "tpu.region"() ({
      %run_scoped3A = tpu.sem_alloc : memref<!tpu.dma_semaphore, #tpu.memory_space<semaphore_mem>>
      %dma_start3A_293 = arith.constant 0 : i32
      %dma_start3A_294 = tpu.memref_slice %arg11[%add3A_206, %dma_start3A_293] : memref<10240x128xf32, #tpu.memory_space<vmem_shared>> -> memref<128x128xf32, #tpu.memory_space<vmem_shared>>
      %dma_start3A_295 = arith.constant 0 : i32
      %dma_start3A_296 = tpu.memref_slice %arg11[%add3A_206, %dma_start3A_295] : memref<10240x128xf32, #tpu.memory_space<vmem_shared>> -> memref<128x128xf32, #tpu.memory_space<vmem_shared>>
      tpu.enqueue_dma source(%dma_start3A_296 : memref<128x128xf32, #tpu.memory_space<vmem_shared>>) target(%arg9 : memref<128x128xf32, #tpu.memory_space<vmem>>) target_semaphore(%run_scoped3A : memref<!tpu.dma_semaphore, #tpu.memory_space<semaphore_mem>>)
      %dma_wait3A_297 = arith.constant 0 : i32
      %dma_wait3A_298 = tpu.memref_slice %arg11[%add3A_206, %dma_wait3A_297] : memref<10240x128xf32, #tpu.memory_space<vmem_shared>> -> memref<128x128xf32, #tpu.memory_space<vmem_shared>>
      %dma_wait3A_299 = arith.constant 0 : i32
      %dma_wait3A_300 = tpu.memref_slice %arg11[%add3A_206, %dma_wait3A_299] : memref<10240x128xf32, #tpu.memory_space<vmem_shared>> -> memref<128x128xf32, #tpu.memory_space<vmem_shared>>
      tpu.wait_dma2 semaphore(%run_scoped3A : memref<!tpu.dma_semaphore, #tpu.memory_space<semaphore_mem>>) src(%dma_wait3A_300 : memref<128x128xf32, #tpu.memory_space<vmem_shared>>) dst(%arg9 : memref<128x128xf32, #tpu.memory_space<vmem>>)
      tpu.yield
    }) : () -> ()
    %dma_start3A_207 = arith.constant 0 : i32
    %dma_start3A_208 = tpu.memref_slice %arg6[%arg0, %add3A_206, %dma_start3A_207] : memref<2x10240x128xf32, #tpu.memory_space<hbm>> -> memref<1x128x128xf32, #tpu.memory_space<hbm>>
    %dma_start3A_209 = tpu.memref_squeeze %dma_start3A_208 : memref<1x128x128xf32, #tpu.memory_space<hbm>> -> memref<128x128xf32, #tpu.memory_space<hbm>>
    %dma_start3A_210 = arith.constant 0 : i32
    %dma_start3A_211 = tpu.memref_slice %arg6[%arg0, %add3A_206, %dma_start3A_210] : memref<2x10240x128xf32, #tpu.memory_space<hbm>> -> memref<1x128x128xf32, #tpu.memory_space<hbm>>
    %dma_start3A_212 = tpu.memref_squeeze %dma_start3A_211 : memref<1x128x128xf32, #tpu.memory_space<hbm>> -> memref<128x128xf32, #tpu.memory_space<hbm>>
    tpu.enqueue_dma source(%arg9 : memref<128x128xf32, #tpu.memory_space<vmem>>) target(%dma_start3A_212 : memref<128x128xf32, #tpu.memory_space<hbm>>) target_semaphore(%arg12 : memref<!tpu.dma_semaphore, #tpu.memory_space<semaphore_mem>>)
    %mul3A_213 = arith.constant 640 : i32
    %mul3A_214 = arith.muli %arg1, %mul3A_213 : i32
    %add3A_215 = arith.constant 128 : i32
    %add3A_216 = arith.addi %mul3A_214, %add3A_215 : i32
    "tpu.region"() ({
      %run_scoped3A = tpu.sem_alloc : memref<!tpu.dma_semaphore, #tpu.memory_space<semaphore_mem>>
      %dma_start3A_293 = arith.constant 0 : i32
      %dma_start3A_294 = tpu.memref_slice %arg11[%add3A_216, %dma_start3A_293] : memref<10240x128xf32, #tpu.memory_space<vmem_shared>> -> memref<128x128xf32, #tpu.memory_space<vmem_shared>>
      %dma_start3A_295 = arith.constant 0 : i32
      %dma_start3A_296 = tpu.memref_slice %arg11[%add3A_216, %dma_start3A_295] : memref<10240x128xf32, #tpu.memory_space<vmem_shared>> -> memref<128x128xf32, #tpu.memory_space<vmem_shared>>
      tpu.enqueue_dma source(%dma_start3A_296 : memref<128x128xf32, #tpu.memory_space<vmem_shared>>) target(%arg10 : memref<128x128xf32, #tpu.memory_space<vmem>>) target_semaphore(%run_scoped3A : memref<!tpu.dma_semaphore, #tpu.memory_space<semaphore_mem>>)
      %dma_wait3A_297 = arith.constant 0 : i32
      %dma_wait3A_298 = tpu.memref_slice %arg11[%add3A_216, %dma_wait3A_297] : memref<10240x128xf32, #tpu.memory_space<vmem_shared>> -> memref<128x128xf32, #tpu.memory_space<vmem_shared>>
      %dma_wait3A_299 = arith.constant 0 : i32
      %dma_wait3A_300 = tpu.memref_slice %arg11[%add3A_216, %dma_wait3A_299] : memref<10240x128xf32, #tpu.memory_space<vmem_shared>> -> memref<128x128xf32, #tpu.memory_space<vmem_shared>>
      tpu.wait_dma2 semaphore(%run_scoped3A : memref<!tpu.dma_semaphore, #tpu.memory_space<semaphore_mem>>) src(%dma_wait3A_300 : memref<128x128xf32, #tpu.memory_space<vmem_shared>>) dst(%arg10 : memref<128x128xf32, #tpu.memory_space<vmem>>)
      tpu.yield
    }) : () -> ()
    %dma_start3A_217 = arith.constant 0 : i32
    %dma_start3A_218 = tpu.memref_slice %arg6[%arg0, %add3A_216, %dma_start3A_217] : memref<2x10240x128xf32, #tpu.memory_space<hbm>> -> memref<1x128x128xf32, #tpu.memory_space<hbm>>
    %dma_start3A_219 = tpu.memref_squeeze %dma_start3A_218 : memref<1x128x128xf32, #tpu.memory_space<hbm>> -> memref<128x128xf32, #tpu.memory_space<hbm>>
    %dma_start3A_220 = arith.constant 0 : i32
    %dma_start3A_221 = tpu.memref_slice %arg6[%arg0, %add3A_216, %dma_start3A_220] : memref<2x10240x128xf32, #tpu.memory_space<hbm>> -> memref<1x128x128xf32, #tpu.memory_space<hbm>>
    %dma_start3A_222 = tpu.memref_squeeze %dma_start3A_221 : memref<1x128x128xf32, #tpu.memory_space<hbm>> -> memref<128x128xf32, #tpu.memory_space<hbm>>
    tpu.enqueue_dma source(%arg10 : memref<128x128xf32, #tpu.memory_space<vmem>>) target(%dma_start3A_222 : memref<128x128xf32, #tpu.memory_space<hbm>>) target_semaphore(%arg13 : memref<!tpu.dma_semaphore, #tpu.memory_space<semaphore_mem>>)
    %dma_wait3A_223 = arith.constant 0 : i32
    %dma_wait3A_224 = arith.constant 0 : i32
    %dma_wait3A_225 = tpu.memref_slice %arg6[%arg0, %dma_wait3A_223, %dma_wait3A_224] : memref<2x10240x128xf32, #tpu.memory_space<hbm>> -> memref<1x128x128xf32, #tpu.memory_space<hbm>>
    %dma_wait3A_226 = tpu.memref_squeeze %dma_wait3A_225 : memref<1x128x128xf32, #tpu.memory_space<hbm>> -> memref<128x128xf32, #tpu.memory_space<hbm>>
    %dma_wait3A_227 = arith.constant 0 : i32
    %dma_wait3A_228 = arith.constant 0 : i32
    %dma_wait3A_229 = tpu.memref_slice %arg6[%arg0, %dma_wait3A_227, %dma_wait3A_228] : memref<2x10240x128xf32, #tpu.memory_space<hbm>> -> memref<1x128x128xf32, #tpu.memory_space<hbm>>
    %dma_wait3A_230 = tpu.memref_squeeze %dma_wait3A_229 : memref<1x128x128xf32, #tpu.memory_space<hbm>> -> memref<128x128xf32, #tpu.memory_space<hbm>>
    tpu.wait_dma2 semaphore(%arg12 : memref<!tpu.dma_semaphore, #tpu.memory_space<semaphore_mem>>) src(%arg9 : memref<128x128xf32, #tpu.memory_space<vmem>>) dst(%dma_wait3A_230 : memref<128x128xf32, #tpu.memory_space<hbm>>)
    %mul3A_231 = arith.constant 640 : i32
    %mul3A_232 = arith.muli %arg1, %mul3A_231 : i32
    %add3A_233 = arith.constant 256 : i32
    %add3A_234 = arith.addi %mul3A_232, %add3A_233 : i32
    "tpu.region"() ({
      %run_scoped3A = tpu.sem_alloc : memref<!tpu.dma_semaphore, #tpu.memory_space<semaphore_mem>>
      %dma_start3A_293 = arith.constant 0 : i32
      %dma_start3A_294 = tpu.memref_slice %arg11[%add3A_234, %dma_start3A_293] : memref<10240x128xf32, #tpu.memory_space<vmem_shared>> -> memref<128x128xf32, #tpu.memory_space<vmem_shared>>
      %dma_start3A_295 = arith.constant 0 : i32
      %dma_start3A_296 = tpu.memref_slice %arg11[%add3A_234, %dma_start3A_295] : memref<10240x128xf32, #tpu.memory_space<vmem_shared>> -> memref<128x128xf32, #tpu.memory_space<vmem_shared>>
      tpu.enqueue_dma source(%dma_start3A_296 : memref<128x128xf32, #tpu.memory_space<vmem_shared>>) target(%arg9 : memref<128x128xf32, #tpu.memory_space<vmem>>) target_semaphore(%run_scoped3A : memref<!tpu.dma_semaphore, #tpu.memory_space<semaphore_mem>>)
      %dma_wait3A_297 = arith.constant 0 : i32
      %dma_wait3A_298 = tpu.memref_slice %arg11[%add3A_234, %dma_wait3A_297] : memref<10240x128xf32, #tpu.memory_space<vmem_shared>> -> memref<128x128xf32, #tpu.memory_space<vmem_shared>>
      %dma_wait3A_299 = arith.constant 0 : i32
      %dma_wait3A_300 = tpu.memref_slice %arg11[%add3A_234, %dma_wait3A_299] : memref<10240x128xf32, #tpu.memory_space<vmem_shared>> -> memref<128x128xf32, #tpu.memory_space<vmem_shared>>
      tpu.wait_dma2 semaphore(%run_scoped3A : memref<!tpu.dma_semaphore, #tpu.memory_space<semaphore_mem>>) src(%dma_wait3A_300 : memref<128x128xf32, #tpu.memory_space<vmem_shared>>) dst(%arg9 : memref<128x128xf32, #tpu.memory_space<vmem>>)
      tpu.yield
    }) : () -> ()
    %dma_start3A_235 = arith.constant 0 : i32
    %dma_start3A_236 = tpu.memref_slice %arg6[%arg0, %add3A_234, %dma_start3A_235] : memref<2x10240x128xf32, #tpu.memory_space<hbm>> -> memref<1x128x128xf32, #tpu.memory_space<hbm>>
    %dma_start3A_237 = tpu.memref_squeeze %dma_start3A_236 : memref<1x128x128xf32, #tpu.memory_space<hbm>> -> memref<128x128xf32, #tpu.memory_space<hbm>>
    %dma_start3A_238 = arith.constant 0 : i32
    %dma_start3A_239 = tpu.memref_slice %arg6[%arg0, %add3A_234, %dma_start3A_238] : memref<2x10240x128xf32, #tpu.memory_space<hbm>> -> memref<1x128x128xf32, #tpu.memory_space<hbm>>
    %dma_start3A_240 = tpu.memref_squeeze %dma_start3A_239 : memref<1x128x128xf32, #tpu.memory_space<hbm>> -> memref<128x128xf32, #tpu.memory_space<hbm>>
    tpu.enqueue_dma source(%arg9 : memref<128x128xf32, #tpu.memory_space<vmem>>) target(%dma_start3A_240 : memref<128x128xf32, #tpu.memory_space<hbm>>) target_semaphore(%arg12 : memref<!tpu.dma_semaphore, #tpu.memory_space<semaphore_mem>>)
    %dma_wait3A_241 = arith.constant 0 : i32
    %dma_wait3A_242 = arith.constant 0 : i32
    %dma_wait3A_243 = tpu.memref_slice %arg6[%arg0, %dma_wait3A_241, %dma_wait3A_242] : memref<2x10240x128xf32, #tpu.memory_space<hbm>> -> memref<1x128x128xf32, #tpu.memory_space<hbm>>
    %dma_wait3A_244 = tpu.memref_squeeze %dma_wait3A_243 : memref<1x128x128xf32, #tpu.memory_space<hbm>> -> memref<128x128xf32, #tpu.memory_space<hbm>>
    %dma_wait3A_245 = arith.constant 0 : i32
    %dma_wait3A_246 = arith.constant 0 : i32
    %dma_wait3A_247 = tpu.memref_slice %arg6[%arg0, %dma_wait3A_245, %dma_wait3A_246] : memref<2x10240x128xf32, #tpu.memory_space<hbm>> -> memref<1x128x128xf32, #tpu.memory_space<hbm>>
    %dma_wait3A_248 = tpu.memref_squeeze %dma_wait3A_247 : memref<1x128x128xf32, #tpu.memory_space<hbm>> -> memref<128x128xf32, #tpu.memory_space<hbm>>
    tpu.wait_dma2 semaphore(%arg13 : memref<!tpu.dma_semaphore, #tpu.memory_space<semaphore_mem>>) src(%arg10 : memref<128x128xf32, #tpu.memory_space<vmem>>) dst(%dma_wait3A_248 : memref<128x128xf32, #tpu.memory_space<hbm>>)
    %mul3A_249 = arith.constant 640 : i32
    %mul3A_250 = arith.muli %arg1, %mul3A_249 : i32
    %add3A_251 = arith.constant 384 : i32
    %add3A_252 = arith.addi %mul3A_250, %add3A_251 : i32
    "tpu.region"() ({
      %run_scoped3A = tpu.sem_alloc : memref<!tpu.dma_semaphore, #tpu.memory_space<semaphore_mem>>
      %dma_start3A_293 = arith.constant 0 : i32
      %dma_start3A_294 = tpu.memref_slice %arg11[%add3A_252, %dma_start3A_293] : memref<10240x128xf32, #tpu.memory_space<vmem_shared>> -> memref<128x128xf32, #tpu.memory_space<vmem_shared>>
      %dma_start3A_295 = arith.constant 0 : i32
      %dma_start3A_296 = tpu.memref_slice %arg11[%add3A_252, %dma_start3A_295] : memref<10240x128xf32, #tpu.memory_space<vmem_shared>> -> memref<128x128xf32, #tpu.memory_space<vmem_shared>>
      tpu.enqueue_dma source(%dma_start3A_296 : memref<128x128xf32, #tpu.memory_space<vmem_shared>>) target(%arg10 : memref<128x128xf32, #tpu.memory_space<vmem>>) target_semaphore(%run_scoped3A : memref<!tpu.dma_semaphore, #tpu.memory_space<semaphore_mem>>)
      %dma_wait3A_297 = arith.constant 0 : i32
      %dma_wait3A_298 = tpu.memref_slice %arg11[%add3A_252, %dma_wait3A_297] : memref<10240x128xf32, #tpu.memory_space<vmem_shared>> -> memref<128x128xf32, #tpu.memory_space<vmem_shared>>
      %dma_wait3A_299 = arith.constant 0 : i32
      %dma_wait3A_300 = tpu.memref_slice %arg11[%add3A_252, %dma_wait3A_299] : memref<10240x128xf32, #tpu.memory_space<vmem_shared>> -> memref<128x128xf32, #tpu.memory_space<vmem_shared>>
      tpu.wait_dma2 semaphore(%run_scoped3A : memref<!tpu.dma_semaphore, #tpu.memory_space<semaphore_mem>>) src(%dma_wait3A_300 : memref<128x128xf32, #tpu.memory_space<vmem_shared>>) dst(%arg10 : memref<128x128xf32, #tpu.memory_space<vmem>>)
      tpu.yield
    }) : () -> ()
    %dma_start3A_253 = arith.constant 0 : i32
    %dma_start3A_254 = tpu.memref_slice %arg6[%arg0, %add3A_252, %dma_start3A_253] : memref<2x10240x128xf32, #tpu.memory_space<hbm>> -> memref<1x128x128xf32, #tpu.memory_space<hbm>>
    %dma_start3A_255 = tpu.memref_squeeze %dma_start3A_254 : memref<1x128x128xf32, #tpu.memory_space<hbm>> -> memref<128x128xf32, #tpu.memory_space<hbm>>
    %dma_start3A_256 = arith.constant 0 : i32
    %dma_start3A_257 = tpu.memref_slice %arg6[%arg0, %add3A_252, %dma_start3A_256] : memref<2x10240x128xf32, #tpu.memory_space<hbm>> -> memref<1x128x128xf32, #tpu.memory_space<hbm>>
    %dma_start3A_258 = tpu.memref_squeeze %dma_start3A_257 : memref<1x128x128xf32, #tpu.memory_space<hbm>> -> memref<128x128xf32, #tpu.memory_space<hbm>>
    tpu.enqueue_dma source(%arg10 : memref<128x128xf32, #tpu.memory_space<vmem>>) target(%dma_start3A_258 : memref<128x128xf32, #tpu.memory_space<hbm>>) target_semaphore(%arg13 : memref<!tpu.dma_semaphore, #tpu.memory_space<semaphore_mem>>)
    %dma_wait3A_259 = arith.constant 0 : i32
    %dma_wait3A_260 = arith.constant 0 : i32
    %dma_wait3A_261 = tpu.memref_slice %arg6[%arg0, %dma_wait3A_259, %dma_wait3A_260] : memref<2x10240x128xf32, #tpu.memory_space<hbm>> -> memref<1x128x128xf32, #tpu.memory_space<hbm>>
    %dma_wait3A_262 = tpu.memref_squeeze %dma_wait3A_261 : memref<1x128x128xf32, #tpu.memory_space<hbm>> -> memref<128x128xf32, #tpu.memory_space<hbm>>
    %dma_wait3A_263 = arith.constant 0 : i32
    %dma_wait3A_264 = arith.constant 0 : i32
    %dma_wait3A_265 = tpu.memref_slice %arg6[%arg0, %dma_wait3A_263, %dma_wait3A_264] : memref<2x10240x128xf32, #tpu.memory_space<hbm>> -> memref<1x128x128xf32, #tpu.memory_space<hbm>>
    %dma_wait3A_266 = tpu.memref_squeeze %dma_wait3A_265 : memref<1x128x128xf32, #tpu.memory_space<hbm>> -> memref<128x128xf32, #tpu.memory_space<hbm>>
    tpu.wait_dma2 semaphore(%arg12 : memref<!tpu.dma_semaphore, #tpu.memory_space<semaphore_mem>>) src(%arg9 : memref<128x128xf32, #tpu.memory_space<vmem>>) dst(%dma_wait3A_266 : memref<128x128xf32, #tpu.memory_space<hbm>>)
    %mul3A_267 = arith.constant 640 : i32
    %mul3A_268 = arith.muli %arg1, %mul3A_267 : i32
    %add3A_269 = arith.constant 512 : i32
    %add3A_270 = arith.addi %mul3A_268, %add3A_269 : i32
    "tpu.region"() ({
      %run_scoped3A = tpu.sem_alloc : memref<!tpu.dma_semaphore, #tpu.memory_space<semaphore_mem>>
      %dma_start3A_293 = arith.constant 0 : i32
      %dma_start3A_294 = tpu.memref_slice %arg11[%add3A_270, %dma_start3A_293] : memref<10240x128xf32, #tpu.memory_space<vmem_shared>> -> memref<128x128xf32, #tpu.memory_space<vmem_shared>>
      %dma_start3A_295 = arith.constant 0 : i32
      %dma_start3A_296 = tpu.memref_slice %arg11[%add3A_270, %dma_start3A_295] : memref<10240x128xf32, #tpu.memory_space<vmem_shared>> -> memref<128x128xf32, #tpu.memory_space<vmem_shared>>
      tpu.enqueue_dma source(%dma_start3A_296 : memref<128x128xf32, #tpu.memory_space<vmem_shared>>) target(%arg9 : memref<128x128xf32, #tpu.memory_space<vmem>>) target_semaphore(%run_scoped3A : memref<!tpu.dma_semaphore, #tpu.memory_space<semaphore_mem>>)
      %dma_wait3A_297 = arith.constant 0 : i32
      %dma_wait3A_298 = tpu.memref_slice %arg11[%add3A_270, %dma_wait3A_297] : memref<10240x128xf32, #tpu.memory_space<vmem_shared>> -> memref<128x128xf32, #tpu.memory_space<vmem_shared>>
      %dma_wait3A_299 = arith.constant 0 : i32
      %dma_wait3A_300 = tpu.memref_slice %arg11[%add3A_270, %dma_wait3A_299] : memref<10240x128xf32, #tpu.memory_space<vmem_shared>> -> memref<128x128xf32, #tpu.memory_space<vmem_shared>>
      tpu.wait_dma2 semaphore(%run_scoped3A : memref<!tpu.dma_semaphore, #tpu.memory_space<semaphore_mem>>) src(%dma_wait3A_300 : memref<128x128xf32, #tpu.memory_space<vmem_shared>>) dst(%arg9 : memref<128x128xf32, #tpu.memory_space<vmem>>)
      tpu.yield
    }) : () -> ()
    %dma_start3A_271 = arith.constant 0 : i32
    %dma_start3A_272 = tpu.memref_slice %arg6[%arg0, %add3A_270, %dma_start3A_271] : memref<2x10240x128xf32, #tpu.memory_space<hbm>> -> memref<1x128x128xf32, #tpu.memory_space<hbm>>
    %dma_start3A_273 = tpu.memref_squeeze %dma_start3A_272 : memref<1x128x128xf32, #tpu.memory_space<hbm>> -> memref<128x128xf32, #tpu.memory_space<hbm>>
    %dma_start3A_274 = arith.constant 0 : i32
    %dma_start3A_275 = tpu.memref_slice %arg6[%arg0, %add3A_270, %dma_start3A_274] : memref<2x10240x128xf32, #tpu.memory_space<hbm>> -> memref<1x128x128xf32, #tpu.memory_space<hbm>>
    %dma_start3A_276 = tpu.memref_squeeze %dma_start3A_275 : memref<1x128x128xf32, #tpu.memory_space<hbm>> -> memref<128x128xf32, #tpu.memory_space<hbm>>
    tpu.enqueue_dma source(%arg9 : memref<128x128xf32, #tpu.memory_space<vmem>>) target(%dma_start3A_276 : memref<128x128xf32, #tpu.memory_space<hbm>>) target_semaphore(%arg12 : memref<!tpu.dma_semaphore, #tpu.memory_space<semaphore_mem>>)
    %dma_wait3A_277 = arith.constant 0 : i32
    %dma_wait3A_278 = arith.constant 0 : i32
    %dma_wait3A_279 = tpu.memref_slice %arg6[%arg0, %dma_wait3A_277, %dma_wait3A_278] : memref<2x10240x128xf32, #tpu.memory_space<hbm>> -> memref<1x128x128xf32, #tpu.memory_space<hbm>>
    %dma_wait3A_280 = tpu.memref_squeeze %dma_wait3A_279 : memref<1x128x128xf32, #tpu.memory_space<hbm>> -> memref<128x128xf32, #tpu.memory_space<hbm>>
    %dma_wait3A_281 = arith.constant 0 : i32
    %dma_wait3A_282 = arith.constant 0 : i32
    %dma_wait3A_283 = tpu.memref_slice %arg6[%arg0, %dma_wait3A_281, %dma_wait3A_282] : memref<2x10240x128xf32, #tpu.memory_space<hbm>> -> memref<1x128x128xf32, #tpu.memory_space<hbm>>
    %dma_wait3A_284 = tpu.memref_squeeze %dma_wait3A_283 : memref<1x128x128xf32, #tpu.memory_space<hbm>> -> memref<128x128xf32, #tpu.memory_space<hbm>>
    tpu.wait_dma2 semaphore(%arg13 : memref<!tpu.dma_semaphore, #tpu.memory_space<semaphore_mem>>) src(%arg10 : memref<128x128xf32, #tpu.memory_space<vmem>>) dst(%dma_wait3A_284 : memref<128x128xf32, #tpu.memory_space<hbm>>)
    %dma_wait3A_285 = arith.constant 0 : i32
    %dma_wait3A_286 = arith.constant 0 : i32
    %dma_wait3A_287 = tpu.memref_slice %arg6[%arg0, %dma_wait3A_285, %dma_wait3A_286] : memref<2x10240x128xf32, #tpu.memory_space<hbm>> -> memref<1x128x128xf32, #tpu.memory_space<hbm>>
    %dma_wait3A_288 = tpu.memref_squeeze %dma_wait3A_287 : memref<1x128x128xf32, #tpu.memory_space<hbm>> -> memref<128x128xf32, #tpu.memory_space<hbm>>
    %dma_wait3A_289 = arith.constant 0 : i32
    %dma_wait3A_290 = arith.constant 0 : i32
    %dma_wait3A_291 = tpu.memref_slice %arg6[%arg0, %dma_wait3A_289, %dma_wait3A_290] : memref<2x10240x128xf32, #tpu.memory_space<hbm>> -> memref<1x128x128xf32, #tpu.memory_space<hbm>>
    %dma_wait3A_292 = tpu.memref_squeeze %dma_wait3A_291 : memref<1x128x128xf32, #tpu.memory_space<hbm>> -> memref<128x128xf32, #tpu.memory_space<hbm>>
    tpu.wait_dma2 semaphore(%arg12 : memref<!tpu.dma_semaphore, #tpu.memory_space<semaphore_mem>>) src(%arg9 : memref<128x128xf32, #tpu.memory_space<vmem>>) dst(%dma_wait3A_292 : memref<128x128xf32, #tpu.memory_space<hbm>>)
    return
  }
}

module attributes {stable_mosaic.version = 14 : i64} {
  func.func @_tc1_body(%arg0: memref<10000x2xf32, #tpu.memory_space<vmem>>, %arg1: memref<10000x128xf32, #tpu.memory_space<vmem>>, %arg2: memref<128x128xf32, #tpu.memory_space<vmem>>, %arg3: memref<10000x128xf32, #tpu.memory_space<vmem>>, %arg4: memref<10000x1xf32, #tpu.memory_space<vmem>>) attributes {dimension_semantics = [], scalar_prefetch = 0 : i64, scratch_operands = 0 : i64, tpu.core_type = #tpu.core_type<tc>} {
    %get3A = arith.constant 0 : index
    %get3A_0 = arith.constant 0 : index
    %get3A_1 = vector.load %arg0[%get3A, %get3A_0] : memref<10000x2xf32, #tpu.memory_space<vmem>>, vector<10000x1xf32>
    %add3A = arith.constant 1.000000e+00 : f32
    %add3A_2 = vector.broadcast %add3A : f32 to vector<10000x1xf32>
    %add3A_3 = arith.addf %add3A_2, %get3A_1 : vector<10000x1xf32>
    %get3A_4 = arith.constant 0 : index
    %get3A_5 = arith.constant 1 : index
    %get3A_6 = vector.load %arg0[%get3A_4, %get3A_5] : memref<10000x2xf32, #tpu.memory_space<vmem>>, vector<10000x1xf32>
    %add3A_7 = arith.addf %add3A_3, %get3A_6 : vector<10000x1xf32>
    %rsqrt3A = math.rsqrt %add3A_7 : vector<10000x1xf32>
    %get3A_8 = arith.constant 0 : index
    %get3A_9 = arith.constant 0 : index
    %get3A_10 = vector.load %arg1[%get3A_8, %get3A_9] : memref<10000x128xf32, #tpu.memory_space<vmem>>, vector<10000x128xf32>
    %get3A_11 = arith.constant 0 : index
    %get3A_12 = arith.constant 0 : index
    %get3A_13 = vector.load %arg2[%get3A_11, %get3A_12] : memref<128x128xf32, #tpu.memory_space<vmem>>, vector<128x128xf32>
    %dot_general3A = arith.constant dense<0.000000e+00> : vector<10000x128xf32>
    %dot_general3A_14 = tpu.matmul %get3A_10, %get3A_13, %dot_general3A {dimension_numbers = #tpu.dot_dimension_numbers<[1], [0], [0], [1], [0, 0, 1, 1], [], []>, transpose_lhs_hint = false} : vector<10000x128xf32>, vector<128x128xf32>, vector<10000x128xf32> -> vector<10000x128xf32>
    %mul3A = vector.broadcast %rsqrt3A : vector<10000x1xf32> to vector<10000x128xf32>
    %mul3A_15 = arith.mulf %dot_general3A_14, %mul3A : vector<10000x128xf32>
    %swap3A = arith.constant 0 : index
    %swap3A_16 = arith.constant 0 : index
    %swap3A_17 = vector.load %arg3[%swap3A, %swap3A_16] : memref<10000x128xf32, #tpu.memory_space<vmem>>, vector<10000x128xf32>
    tpu.vector_store %arg3[%swap3A, %swap3A_16], %mul3A_15 {strides = array<i32>} : memref<10000x128xf32, #tpu.memory_space<vmem>>, vector<10000x128xf32>,
    %swap3A_18 = arith.constant 0 : index
    %swap3A_19 = arith.constant 0 : index
    %swap3A_20 = vector.load %arg4[%swap3A_18, %swap3A_19] : memref<10000x1xf32, #tpu.memory_space<vmem>>, vector<10000x1xf32>
    tpu.vector_store %arg4[%swap3A_18, %swap3A_19], %rsqrt3A {strides = array<i32>} : memref<10000x1xf32, #tpu.memory_space<vmem>>, vector<10000x1xf32>,
    return
  }
}

module attributes {stable_mosaic.version = 14 : i64} {
  func.func @_tc2_body(%arg0: memref<10000x1xf32, #tpu.memory_space<vmem>>, %arg1: memref<2x10240x128xf32, #tpu.memory_space<vmem>>, %arg2: memref<10000x128xf32, #tpu.memory_space<vmem>>, %arg3: memref<1x128xf32, #tpu.memory_space<vmem>>, %arg4: memref<128x128xf32, #tpu.memory_space<vmem>>, %arg5: memref<10000x128xf32, #tpu.memory_space<vmem>>) attributes {dimension_semantics = [], scalar_prefetch = 0 : i64, scratch_operands = 0 : i64, tpu.core_type = #tpu.core_type<tc>} {
    %get3A = arith.constant 0 : index
    %get3A_0 = arith.constant 0 : index
    %get3A_1 = vector.load %arg0[%get3A, %get3A_0] : memref<10000x1xf32, #tpu.memory_space<vmem>>, vector<10000x1xf32>
    %get3A_2 = arith.constant 0 : index
    %get3A_3 = arith.constant 0 : index
    %get3A_4 = arith.constant 0 : index
    %get3A_5 = vector.load %arg1[%get3A_2, %get3A_3, %get3A_4] : memref<2x10240x128xf32, #tpu.memory_space<vmem>>, vector<1x10000x128xf32>
    %get3A_6 = vector.shape_cast %get3A_5 : vector<1x10000x128xf32> to vector<10000x128xf32>
    %get3A_7 = arith.constant 1 : index
    %get3A_8 = arith.constant 0 : index
    %get3A_9 = arith.constant 0 : index
    %get3A_10 = vector.load %arg1[%get3A_7, %get3A_8, %get3A_9] : memref<2x10240x128xf32, #tpu.memory_space<vmem>>, vector<1x10000x128xf32>
    %get3A_11 = vector.shape_cast %get3A_10 : vector<1x10000x128xf32> to vector<10000x128xf32>
    %add3A = arith.addf %get3A_6, %get3A_11 : vector<10000x128xf32>
    %get3A_12 = arith.constant 0 : index
    %get3A_13 = arith.constant 0 : index
    %get3A_14 = vector.load %arg2[%get3A_12, %get3A_13] : memref<10000x128xf32, #tpu.memory_space<vmem>>, vector<10000x128xf32>
    %add3A_15 = arith.addf %add3A, %get3A_14 : vector<10000x128xf32>
    %mul3A = vector.broadcast %get3A_1 : vector<10000x1xf32> to vector<10000x128xf32>
    %mul3A_16 = arith.mulf %mul3A, %add3A_15 : vector<10000x128xf32>
    %get3A_17 = arith.constant 0 : index
    %get3A_18 = arith.constant 0 : index
    %get3A_19 = vector.load %arg3[%get3A_17, %get3A_18] : memref<1x128xf32, #tpu.memory_space<vmem>>, vector<1x128xf32>
    %add3A_20 = vector.broadcast %get3A_19 : vector<1x128xf32> to vector<10000x128xf32>
    %add3A_21 = arith.addf %mul3A_16, %add3A_20 : vector<10000x128xf32>
    %gt3A = arith.constant 0.000000e+00 : f32
    %gt3A_22 = vector.broadcast %gt3A : f32 to vector<10000x128xf32>
    %gt3A_23 = arith.cmpf ogt, %add3A_21, %gt3A_22 : vector<10000x128xf32>
    %exp3A = math.exp %add3A_21 : vector<10000x128xf32>
    %sub3A = arith.constant 1.000000e+00 : f32
    %sub3A_24 = vector.broadcast %sub3A : f32 to vector<10000x128xf32>
    %sub3A_25 = arith.subf %exp3A, %sub3A_24 : vector<10000x128xf32>
    %select_n3A = arith.select %gt3A_23, %add3A_21, %sub3A_25 : vector<10000x128xi1>, vector<10000x128xf32>
    %get3A_26 = arith.constant 0 : index
    %get3A_27 = arith.constant 0 : index
    %get3A_28 = vector.load %arg4[%get3A_26, %get3A_27] : memref<128x128xf32, #tpu.memory_space<vmem>>, vector<128x128xf32>
    %dot_general3A = arith.constant dense<0.000000e+00> : vector<10000x128xf32>
    %dot_general3A_29 = tpu.matmul %select_n3A, %get3A_28, %dot_general3A {dimension_numbers = #tpu.dot_dimension_numbers<[1], [0], [0], [1], [0, 0, 1, 1], [], []>, transpose_lhs_hint = false} : vector<10000x128xf32>, vector<128x128xf32>, vector<10000x128xf32> -> vector<10000x128xf32>
    %mul3A_30 = vector.broadcast %get3A_1 : vector<10000x1xf32> to vector<10000x128xf32>
    %mul3A_31 = arith.mulf %dot_general3A_29, %mul3A_30 : vector<10000x128xf32>
    %swap3A = arith.constant 0 : index
    %swap3A_32 = arith.constant 0 : index
    %swap3A_33 = vector.load %arg5[%swap3A, %swap3A_32] : memref<10000x128xf32, #tpu.memory_space<vmem>>, vector<10000x128xf32>
    tpu.vector_store %arg5[%swap3A, %swap3A_32], %mul3A_31 {strides = array<i32>} : memref<10000x128xf32, #tpu.memory_space<vmem>>, vector<10000x128xf32>,
    return
  }
}

module attributes {stable_mosaic.version = 14 : i64} {
  func.func @_tc3_body(%arg0: memref<10000x1xf32, #tpu.memory_space<vmem>>, %arg1: memref<2x10240x128xf32, #tpu.memory_space<vmem>>, %arg2: memref<10000x128xf32, #tpu.memory_space<vmem>>, %arg3: memref<1x128xf32, #tpu.memory_space<vmem>>, %arg4: memref<10000x128xf32, #tpu.memory_space<vmem>>) attributes {dimension_semantics = [], scalar_prefetch = 0 : i64, scratch_operands = 0 : i64, tpu.core_type = #tpu.core_type<tc>} {
    %get3A = arith.constant 0 : index
    %get3A_0 = arith.constant 0 : index
    %get3A_1 = vector.load %arg0[%get3A, %get3A_0] : memref<10000x1xf32, #tpu.memory_space<vmem>>, vector<10000x1xf32>
    %get3A_2 = arith.constant 0 : index
    %get3A_3 = arith.constant 0 : index
    %get3A_4 = arith.constant 0 : index
    %get3A_5 = vector.load %arg1[%get3A_2, %get3A_3, %get3A_4] : memref<2x10240x128xf32, #tpu.memory_space<vmem>>, vector<1x10000x128xf32>
    %get3A_6 = vector.shape_cast %get3A_5 : vector<1x10000x128xf32> to vector<10000x128xf32>
    %get3A_7 = arith.constant 1 : index
    %get3A_8 = arith.constant 0 : index
    %get3A_9 = arith.constant 0 : index
    %get3A_10 = vector.load %arg1[%get3A_7, %get3A_8, %get3A_9] : memref<2x10240x128xf32, #tpu.memory_space<vmem>>, vector<1x10000x128xf32>
    %get3A_11 = vector.shape_cast %get3A_10 : vector<1x10000x128xf32> to vector<10000x128xf32>
    %add3A = arith.addf %get3A_6, %get3A_11 : vector<10000x128xf32>
    %get3A_12 = arith.constant 0 : index
    %get3A_13 = arith.constant 0 : index
    %get3A_14 = vector.load %arg2[%get3A_12, %get3A_13] : memref<10000x128xf32, #tpu.memory_space<vmem>>, vector<10000x128xf32>
    %add3A_15 = arith.addf %add3A, %get3A_14 : vector<10000x128xf32>
    %mul3A = vector.broadcast %get3A_1 : vector<10000x1xf32> to vector<10000x128xf32>
    %mul3A_16 = arith.mulf %mul3A, %add3A_15 : vector<10000x128xf32>
    %get3A_17 = arith.constant 0 : index
    %get3A_18 = arith.constant 0 : index
    %get3A_19 = vector.load %arg3[%get3A_17, %get3A_18] : memref<1x128xf32, #tpu.memory_space<vmem>>, vector<1x128xf32>
    %add3A_20 = vector.broadcast %get3A_19 : vector<1x128xf32> to vector<10000x128xf32>
    %add3A_21 = arith.addf %mul3A_16, %add3A_20 : vector<10000x128xf32>
    %swap3A = arith.constant 0 : index
    %swap3A_22 = arith.constant 0 : index
    %swap3A_23 = vector.load %arg4[%swap3A, %swap3A_22] : memref<10000x128xf32, #tpu.memory_space<vmem>>, vector<10000x128xf32>
    tpu.vector_store %arg4[%swap3A, %swap3A_22], %add3A_21 {strides = array<i32>} : memref<10000x128xf32, #tpu.memory_space<vmem>>, vector<10000x128xf32>,
    return
  }
}

</mosaic_0001>

<sc_bundles>
// kernel: kernel.11.cloned.1.call-start
scs
__scs_entry_jumppad:
0x0: {  	(pc) =	sbr.rel $0x88, $3  }
0x1: {  	(tag) =	ssettag $0x0;
	lr =	simm.s32 $0x1  }
0x2: {  	[smem:$0x3F9B] =	sst lr;
	_ =	strace $0xD0000000  }
0x3: {  	_ = 	snop  }
0x4: {  	_ = 	snop  }
0x5: {  	_ = 	snop  }
0x6: {  	_ = 	snop  }
0x7: {  	_ = 	snop  }
__scs_overlays_trampoline_lowered:
0x8: {  	[smem:$0x3FAA] =	sst s0  }
0x9: {  	[smem:$0x3FAB] =	sst s1  }
0xa: {  	[smem:$0x3FAC] =	sst s2  }
0xb: {  	[smem:$0x3FAD] =	sst s3  }
0xc: {  	[smem:$0x3FAE] =	sst s4  }
0xd: {  	[smem:$0x3FAF] =	sst s5  }
0xe: {  	[smem:$0x3FB0] =	sst s6  }
0xf: {  	[smem:$0x3FB1] =	sst s7  }
0x10: {  	[smem:$0x3FB2] =	sst s8  }
0x11: {  	[smem:$0x3FB3] =	sst s9;
	s0 =	simm.s32 @!p0 $0x0  }
0x12: {  	s1 =	sld [smem:$0x3F99];
	s0 =	simm.s32 @p0 $0x1  }
0x13: {  	[smem:$0x3FB4] =	sst s0;
	s0 =	simm.s32 @!p1 $0x0  }
0x14: {  	s2 =	sld [smem:$0x3F98];
	s0 =	simm.s32 @p1 $0x1  }
0x15: {  	[smem:$0x3FB5] =	sst s0;
	s0 =	simm.s32 @!p2 $0x0  }
0x16: {  	s3 =	sld [smem:$0x3FDB];
	s0 =	simm.s32 @p2 $0x1  }
0x17: {  	s4 =	simm.s32 $0x1BF5;
	[smem:$0x3FB7] =	sst s0  }
0x18: {  	s0 =	sld [smem:$0x3F9A];
	_ =	swait.ge [sflag:s4], $0x0  }
0x19: {  	s7 =	sld [smem:$0x3F9B]  }
0x1a: {  	s8 =	sadd.s32 $0xFFFFE003, lr  }
0x1b: {  	s9 =	sadd.s32 $0xFFFFFEF7, lr;
	s5 =	simm.s32 $0xFFFFFFFF;
	p2 =	slt.u32 s8, $0xFFFFF086  }
0x1c: {  	p1 =	slt.u32 s9, $0xF7A;
	s5 =	simm.s32 @!p2 $0x0  }
0x1d: {  	s5 =	simm.s32 @p1 $0x1;
	p0 =	seq.s32 s7, s2  }
0x1e: {  	s7 =	smul.u32 @!p0 $0xF7A, s2;
	p2 =	seq.s32 @!p0 s5, $0x0  }
0x1f: {  	s9 =	smul.u32 $0xF7A, s1;
	s8 =	simm.s32 @!p0 $0x1BF5;
	p2 =	por !p2, p0  }
0x20: {  	[sflag:s8] =	ssyncset.s32 @!p0 $0xFFFFF086;
	s6 =	sadd.s32 @!p0 s3, s7;
	s7 =	simm.s32 @!p0 $0x108  }
0x21: {  	s3 =	sadd.s32 s3, s9;
	s6 =	sadd.s32 @!p0 $0x88, s6;
	s7 =	simm.s32 @p2 $0x1082  }
0x22: {  	[simem:s7], [sflag:s8] =	dma.local @!p0 [hbm:s6], $0xF7A  }
0x23: {  	s9 =	sor.u32 $0xD0000000, s2;
	s6 =	simm.s32 $0x108;
	_ =	swait.ge @!p0 [sflag:s8], $0x0  }
0x24: {  	s3 =	sadd.s32 $0x88, s3;
	s6 =	simm.s32 @!p1 $0x1082;
	[sflag:s4] =	ssyncset.s32 $0xFFFFF086  }
0x25: {  	[simem:s6], [sflag:s4] =	dma.local [hbm:s3], $0xF7A  }
0x26: {  	[smem:$0x3F9B] =	sst s1;
	(tag) =	ssettag s2;
	_ =	strace s9  }
0x27: {  	s1 =	sld [smem:$0x3FAB]  }
0x28: {  	s2 =	sld [smem:$0x3FAC]  }
0x29: {  	s4 =	sld [smem:$0x3FAE]  }
0x2a: {  	p0 =	seq.s32 s5, $0x0;
	s5 =	sld [smem:$0x3FAF]  }
0x2b: {  	s6 =	sld [smem:$0x3FB0]  }
0x2c: {  	s7 =	sld [smem:$0x3FB1]  }
0x2d: {  	s3 =	simm.s32 $0x108;
	s8 =	sld [smem:$0x3FB2]  }
0x2e: {  	s3 =	simm.s32 @!p0 $0x1082;
	s9 =	sld [smem:$0x3FB3]  }
0x2f: {  	lr =	sadd.s32 s0, s3;
	s0 =	sld [smem:$0x3FAA]  }
0x30: {  	s3 =	sld [smem:$0x3FAD]  }
0x31: {  	[smem:$0x3FB6] =	sst s10  }
0x32: {  	s10 =	sld [smem:$0x3FB4];
	_ =	sdelay $0x3  }
0x33: {  	p0 =	seq.s32 s10, $0x1;
	s10 =	sld [smem:$0x3FB6];
	_ =	sdelay $0x3  }
0x34: {  	[smem:$0x3FB6] =	sst s10  }
0x35: {  	s10 =	sld [smem:$0x3FB5];
	_ =	sdelay $0x3  }
0x36: {  	p1 =	seq.s32 s10, $0x1;
	s10 =	sld [smem:$0x3FB6];
	_ =	sdelay $0x3  }
0x37: {  	[smem:$0x3FB6] =	sst s10  }
0x38: {  	s10 =	sld [smem:$0x3FB7]  }
0x39: {  	_ = 	snop;
	(pc) =	sbr.ind lr, $3  }
0x3a: {  	_ = 	snop  }
0x3b: {  	_ = 	snop  }
0x3c: {  	p2 =	seq.s32 s10, $0x1;
	s10 =	sld [smem:$0x3FB6]  }
0x3d: {  	_ =	shalt  }
0x3e: {  	_ =	shalt  }
0x3f: {  	_ =	shalt  }
0x40: {  	_ =	shalt  }
0x41: {  	_ =	shalt  }
0x42: {  	_ =	shalt  }
0x43: {  	_ =	shalt  }
0x44: {  	_ =	shalt  }
0x45: {  	_ =	shalt  }
0x46: {  	_ =	shalt  }
0x47: {  	_ =	shalt  }
0x48: {  	_ =	shalt  }
0x49: {  	_ =	shalt  }
0x4a: {  	_ =	shalt  }
0x4b: {  	_ =	shalt  }
0x4c: {  	_ =	shalt  }
0x4d: {  	_ =	shalt  }
0x4e: {  	_ =	shalt  }
0x4f: {  	_ =	shalt  }
0x50: {  	_ =	shalt  }
0x51: {  	_ =	shalt  }
0x52: {  	_ =	shalt  }
0x53: {  	_ =	shalt  }
0x54: {  	_ =	shalt  }
0x55: {  	_ =	shalt  }
0x56: {  	_ =	shalt  }
0x57: {  	_ =	shalt  }
0x58: {  	_ =	shalt  }
0x59: {  	_ =	shalt  }
0x5a: {  	_ =	shalt  }
0x5b: {  	_ =	shalt  }
0x5c: {  	_ =	shalt  }
0x5d: {  	_ =	shalt  }
0x5e: {  	_ =	shalt  }
0x5f: {  	_ =	shalt  }
0x60: {  	_ =	shalt  }
0x61: {  	_ =	shalt  }
0x62: {  	_ =	shalt  }
0x63: {  	_ =	shalt  }
0x64: {  	_ =	shalt  }
0x65: {  	_ =	shalt  }
0x66: {  	_ =	shalt  }
0x67: {  	_ =	shalt  }
0x68: {  	_ =	shalt  }
0x69: {  	_ =	shalt  }
0x6a: {  	_ =	shalt  }
0x6b: {  	_ =	shalt  }
0x6c: {  	_ =	shalt  }
0x6d: {  	_ =	shalt  }
0x6e: {  	_ =	shalt  }
0x6f: {  	_ =	shalt  }
0x70: {  	_ =	shalt  }
0x71: {  	_ =	shalt  }
0x72: {  	_ =	shalt  }
0x73: {  	_ =	shalt  }
0x74: {  	_ =	shalt  }
0x75: {  	_ =	shalt  }
0x76: {  	_ =	shalt  }
0x77: {  	_ =	shalt  }
0x78: {  	_ =	shalt  }
0x79: {  	_ =	shalt  }
0x7a: {  	_ =	shalt  }
0x7b: {  	_ =	shalt  }
0x7c: {  	_ =	shalt  }
0x7d: {  	_ =	shalt  }
0x7e: {  	_ =	shalt  }
0x7f: {  	_ =	shalt  }
0x80: {  	_ =	shalt  }
0x81: {  	_ =	shalt  }
0x82: {  	_ =	shalt  }
0x83: {  	_ =	shalt  }
0x84: {  	_ =	shalt  }
0x85: {  	_ =	shalt  }
0x86: {  	_ =	shalt  }
0x87: {  	_ =	shalt  }
.Lfunc_end0:
.L_simem_size_0:
called_computation.1_lowered:
.L_overlay_start_0:
0x88: {  	s2 =	sld [smem:$0x3FD9]  }
0x89: {  	s3 =	sld [smem:$0x3FFE];
	_ =	sdelay $0x1  }
0x8a: {  	s1 =	srdreg.scid  }
0x8b: {  	s0 =	sand.u32 $0x1, s1  }
0x8c: {  	s17 =	sshll.u32 s0, $0xA;
	s2 =	sadd.s32 s3, s2  }
0x8d: {  	s2 =	sadd.s32 s2, s17  }
0x8e: {  	[smem:$0x3FC2] =	sst s2  }
0x8f: {  	_ = 	snop  }
0x90: {  	s2 =	sld [smem:$0x3FD0];
	(tm) =	ssettm $0x1  }
0x91: {  	s18 =	sld [smem:$0x3FFB];
	_ =	sdelay $0x3  }
0x92: {  	_ =	strace s18  }
0x93: {  	s3 =	sld [smem:$0x3FFC];
	_ =	sdelay $0x3  }
0x94: {  	_ =	strace s3  }
0x95: {  	s3 =	sld [smem:$0x3FFD];
	_ =	sdelay $0x3  }
0x96: {  	_ =	strace s3  }
0x97: {  	_ =	strace $0x8FFFFFFF  }
0x98: {  	s19 =	sld [smem:$0x3FDB];
	_ =	sdelay $0x1  }
0x99: {  	s4 =	simm.s32 $_scs_section_size  }
0x9a: {  	s5 =	simm.s32 $_size__tile_overlayer_lowered;
	s6 =	simm.s32 $_tile_overlayer_lowered  }
0x9b: {  	s22 =	simm.s32 $0x1BFF;
	s21 =	sshll.u32 s6, $0x1;
	s3 =	sadd.s32 s4, s19  }
0x9c: {  	s7 =	simm.s32 $0x0;
	s20 =	sshll.u32 s5, $0x1;
	s5 =	sadd.s32 s21, s3  }
0x9d: {  	[timem:s7], [sflag:s22] =	dma.local [hbm:s5], s20  }
0x9e: {  	_ =	swait.ge [sflag:s22], s20  }
0x9f: {  	s4 =	ssub.s32 $0x0, s20;
	[sflag:s22] =	ssyncset.done $0x0  }
0xa0: {  	[sflag:s22] =	ssyncadd.s32 s4;
	_ =	sdelay $0x1  }
0xa1: {  	s23 =	simm.s32 $0x1B8B  }
0xa2: {  	_ =	swait.ge [sflag:s23], $0x1  }
0xa3: {  	[sflag:s23] =	ssyncset.done $0x0  }
0xa4: {  	s25 =	simm.s32 $0x1B8E;
	s24 =	sld [smem:$0x3FFE];
	[sflag:s23] =	ssyncadd.s32 $0xFFFFFFFF  }
0xa5: {  	s26 =	simm.s32 $execute0_lowered;
	[smem:$0x3FD2] =	sst s25  }
0xa6: {  	s5 =	sshll.u32 s26, $0x1;
	_ =	strace $0x80000049;
	[dreg:$0x1] =	wrdreg $0xFFFFFFFF  }
0xa7: {  	s28 =	simm.s32 $_size_execute0_lowered;
	s3 =	sadd.s32 s3, s5;
	[dreg:$0x0] =	wrdreg $0x0  }
0xa8: {  	s5 =	sshll.u32 s28, $0x1;
	[dreg:$0x2] =	wrdreg s3  }
0xa9: {  	[dreg:$0x3] =	wrdreg s5  }
0xaa: {  	[dreg:$0x4] =	wrdreg $0xC0  }
0xab: {  	_ =	task [dreg:s7], $0x5FFFF  }
0xac: {  	[dreg:$0x1] =	wrdreg $0xFFFFFFFF  }
0xad: {  	[dreg:$0x0] =	wrdreg $0x60  }
0xae: {  	[dreg:$0x2] =	wrdreg s2  }
0xaf: {  	[dreg:$0x3] =	wrdreg s24  }
0xb0: {  	[dreg:$0x4] =	wrdreg $0xA8000  }
0xb1: {  	[dreg:$0x5] =	wrdreg $0x9  }
0xb2: {  	_ =	task.clear_ibuf [dreg:s7], $0x6FFFF;
	_ =	strace $0x90000049  }
0xb3: {  	s29 =	simm.s32 $0x9;
	_ =	strace $0x8000004B  }
0xb4: {  	_ =	swait.ge [sflag:s29], $0x1  }
0xb5: {  	[sflag:s29] =	ssyncadd.s32 $0xFFFFFFFF  }
0xb6: {  	_ =	strace $0x9000004B  }
0xb7: {  	_ =	sfence  }
0xb8: {  	s30 =	sld [smem:$0x0];
	_ =	sdelay $0x2  }
0xb9: {  	s31 =	sshll.u32 s1, $0xD;
	s1 =	sshrl.u32 s1, $0x2  }
0xba: {  	s3 =	sand.u32 $0x4000, s31;
	s1 =	sadd.s32 s1, s30  }
0xbb: {  	s0 =	sor.u32 s3, s0;
	s1 =	sshll.u32 s1, $0x11  }
0xbc: {  	s0 =	sor.u32 s1, s0  }
0xbd: {  	s0 =	sadd.s32 $0x8F2B, s0  }
0xbe: {  	[sflag:s0] =	ssyncadd.remote.s32 $0x1  }
0xbf: {  	_ =	sfence.sel $0xFFFF  }
0xc0: {  	[dreg:$0x0] =	wrdreg $0xFFFFFFFF;
	(pc) =	sbr.abs _section_cstart, $3  }
0xc1: {  	[dreg:$0x1] =	wrdreg $0xFFFFFFFF  }
0xc2: {  	_ =	task.clear_ibuf [dreg:s7], $0x2FFFF;
	_ =	strace $0x9FFFFFFF  }
0xc3: {  	(tm) =	ssettm $0x7FFFFFFF  }
tec
execute0_lowered:
.L_overlay_start_1:
0x0: {  	(tag) =	ssettag $0x1  }
0x1: {  	s1 =	rddreg [dreg:$0x0]  }
0x2: {  	s0 =	rddreg [dreg:$0x1]  }
0x3: {  	s3 =	rddreg [dreg:$0x2];
	s4 =	simm.s32 $0x0  }
0x4: {  	s10 =	stileid.u32;
	s5 =	srdreg.scid;
	s22 =	simm.s32 $0x5  }
0x5: {  	s28 =	simm.s32 $0x3;
	s29 =	simm.s32 $0x2;
	s30 =	simm.s32 $0x4  }
0x6: {  	s31 =	simm.s32 $0x2780;
	[smem:$0x7FF] =	sst s4;
	s2 =	smul.u32 $0x14000, s10  }
0x7: {  	s13 =	sadd.s32 $0xC200, s0;
	s5 =	sand.u32 $0x1, s5;
	s14 =	sadd.s32 $0x2200, s0  }
0x8: {  	s9 =	smul.u32 $0x50000, s10;
	_ =	strace $0x8000004A;
	s7 =	ssub.s32 $0x2, s5  }
0x9: {  	s23 =	sshll.u32 s5, $0x4;
	s5 =	smul.u32 $0x140000, s5;
	s6 =	sshrl.u32 s2, $0x3  }
0xa: {  	s8 =	sshrl.u32 s7, $0x1;
	s10 =	sor.u32 s10, s23;
	s24 =	sshrl.u32 s9, $0x2  }
0xb: {  	s15 =	sadd.s32 $0x4000, s2;
	s17 =	sadd.s32 $0x8000, s2;
	s18 =	sadd.s32 $0xC000, s2  }
0xc: {  	s19 =	sadd.s32 $0x10000, s2;
	s23 =	simm.s32 $0x1;
	s6 =	sadd.s32 s6, s0  }
0xd: {  	s0 =	sadd.s32 $0x3E200, s0;
	s20 =	ssub.s32 s7, s8;
	s12 =	smul.u32 $0x500, s10  }
0xe: {  	s7 =	sadd.s32 s15, s3;
	s8 =	sadd.s32 s17, s3;
	s16 =	smul.u32 $0x2800, s10  }
0xf: {  	s9 =	sadd.s32 s18, s3;
	s10 =	sadd.s32 s19, s3;
	s2 =	sadd.s32 s2, s5  }
0x10: {  	s15 =	sadd.s32 s5, s15;
	s25 =	sadd.s32 s5, s17;
	s26 =	sadd.s32 s5, s18  }
0x11: {  	s5 =	sadd.s32 s5, s19;
	s6 =	sadd.s32 $0x16200, s6;
	s2 =	sshrl.u32 s2, $0x3  }
0x12: {  	s21 =	sshrl.u32 s15, $0x3;
	s18 =	sshrl.u32 s26, $0x3;
	s5 =	sshrl.u32 s5, $0x3  }
0x13: {  	s20 =	smax.u32 s20, $0x1;
	s26 =	simm.s32 $0x6800;
	[dreg:$0x4] =	wrdreg s6  }
0x14: {  	s6 =	sadd.s32 s24, s3;
	s11 =	sadd.s32 s13, s12;
	s12 =	sadd.s32 s14, s12  }
0x15: {  	s16 =	sshrl.u32 s16, $0x3;
	s15 =	sadd.s32 s0, s2;
	s2 =	sshrl.u32 s25, $0x3  }
0x16: {  	s18 =	sadd.s32 s0, s18;
	s19 =	sadd.s32 s0, s5;
	s24 =	simm.s32 $0x1400  }
0x17: {  	s25 =	simm.s32 $0x80;
	[dreg:$0x5] =	wrdreg s11;
	s16 =	sadd.s32 $0x280, s16  }
0x18: {  	s17 =	sadd.s32 s0, s2;
	s13 =	sadd.s32 s13, s16;
	s14 =	sadd.s32 s14, s16  }
0x19: {  	s16 =	sadd.s32 s0, s21;
	s21 =	simm.s32 $0x2800;
	s0 =	simm.s32 $0x0  }
.LBB2_1:
0x1a: {  	s2 =	rddreg [dreg:$0x4]  }
0x1b: {  	[tilespmem:s21], [sflag:$0x5] =	stream.linear.gather [hbm4b:s2+s4], $0x4000, $0x38;
	[tilespmem:$0x1E800] =	vst v63  }
0x1c: {  	_ =	swait.ge [sflag:s22], $0x4000  }
0x1d: {  	[sflag:s22] =	ssyncset.done $0x0  }
0x1e: {  	[sflag:s22] =	ssyncadd.s32 $0xFFFFC000  }
0x1f: {  	[spmem:s6] =	stream.linear.scatter [tilespmem:s21], [sflag:$0x1], $0x4000, $0x38;
	[tilespmem:$0x1E800] =	vst v63  }
0x20: {  	_ = 	snop  }
0x21: {  	[spmem:s7] =	stream.linear.scatter [tilespmem:s21], [sflag:$0x1], $0x4000, $0x38;
	[tilespmem:$0x1E800] =	vst v63  }
0x22: {  	_ = 	snop  }
0x23: {  	[spmem:s8] =	stream.linear.scatter [tilespmem:s21], [sflag:$0x1], $0x4000, $0x38;
	[tilespmem:$0x1E800] =	vst v63  }
0x24: {  	_ = 	snop  }
0x25: {  	[spmem:s9] =	stream.linear.scatter [tilespmem:s21], [sflag:$0x1], $0x4000, $0x38;
	[tilespmem:$0x1E800] =	vst v63  }
0x26: {  	_ = 	snop  }
0x27: {  	[spmem:s10] =	stream.linear.scatter [tilespmem:s21], [sflag:$0x1], $0x4000, $0x38;
	[tilespmem:$0x1E800] =	vst v63  }
0x28: {  	_ =	swait.ge [sflag:s23], $0x4000  }
0x29: {  	[sflag:s23] =	ssyncset.done $0x0  }
0x2a: {  	[sflag:s23] =	ssyncadd.s32 $0xFFFFC000  }
0x2b: {  	_ =	swait.ge [sflag:s23], $0x4000  }
0x2c: {  	[sflag:s23] =	ssyncset.done $0x0  }
0x2d: {  	[sflag:s23] =	ssyncadd.s32 $0xFFFFC000  }
0x2e: {  	_ =	swait.ge [sflag:s23], $0x4000  }
0x2f: {  	[sflag:s23] =	ssyncset.done $0x0  }
0x30: {  	[sflag:s23] =	ssyncadd.s32 $0xFFFFC000  }
0x31: {  	_ =	swait.ge [sflag:s23], $0x4000  }
0x32: {  	[sflag:s23] =	ssyncset.done $0x0  }
0x33: {  	[sflag:s23] =	ssyncadd.s32 $0xFFFFC000  }
0x34: {  	_ =	swait.ge [sflag:s23], $0x4000  }
0x35: {  	[sflag:s23] =	ssyncset.done $0x0  }
0x36: {  	[sflag:s23] =	ssyncadd.s32 $0xFFFFC000  }
0x37: {  	[bflag:$0x0] =	sbarrier.arrive $0xFFFF  }
0x38: {  	s5 =	rddreg [dreg:$0x5]  }
0x39: {  	[tilespmem:s4], [sflag:$0x5] =	stream.linear.gather [hbm4b:s5+s4], $0x1400, $0x38;
	[tilespmem:$0x1E800] =	vst v63  }
0x3a: {  	_ =	swait.ge [sflag:s22], $0x1400  }
0x3b: {  	[sflag:s22] =	ssyncset.done $0x0  }
0x3c: {  	[sflag:s22] =	ssyncadd.s32 $0xFFFFEC00  }
0x3d: {  	[tilespmem:s24], [sflag:$0x5] =	stream.linear.gather [hbm4b:s12+s4], $0x1400, $0x38;
	[tilespmem:$0x1E800] =	vst v63  }
0x3e: {  	_ =	swait.ge [sflag:s22], $0x1400  }
0x3f: {  	[sflag:s22] =	ssyncset.done $0x0  }
0x40: {  	[sflag:s22] =	ssyncadd.s32 $0xFFFFEC00  }
0x41: {  	[tilespmem:s21], [sflag:$0x1] =	stream.indirect.gather [hbm4b:s1+s25], $0x80, s4, s25, $0xb8;
	[tilespmem:$0x1E800] =	vst v63  }
0x42: {  	_ = 	snop  }
0x43: {  	[tilespmem:s26], [sflag:$0x2] =	stream.indirect.gather [hbm4b:s1+s25], $0x80, s25, s25, $0xb8;
	[tilespmem:$0x1E800] =	vst v63  }
0x44: {  	_ =	swait.ge [sflag:s23], $0x4000  }
0x45: {  	[sflag:s23] =	ssyncset.done $0x0  }
0x46: {  	[sflag:s23] =	ssyncadd.s32 $0xFFFFC000  }
0x47: {  	[spmem:s3] =	stream.indirect.scatter.add.f32 [tilespmem:s21], [sflag:$0x3], $0x80, s24, s25, $0xb8;
	[tilespmem:$0x1E800] =	vst v63  }
0x48: {  	_ =	swait.ge [sflag:s28], $0x4000  }
0x49: {  	[sflag:s28] =	ssyncset.done $0x0  }
0x4a: {  	s11 =	simm.s32 $0x100;
	[sflag:s28] =	ssyncadd.s32 $0xFFFFC000  }
0x4b: {  	[tilespmem:s21], [sflag:$0x1] =	stream.indirect.gather [hbm4b:s1+s25], $0x80, s11, s25, $0xb8;
	[tilespmem:$0x1E800] =	vst v63  }
0x4c: {  	_ =	swait.ge [sflag:s29], $0x4000  }
0x4d: {  	[sflag:s29] =	ssyncset.done $0x0  }
0x4e: {  	s5 =	simm.s32 $0x1480;
	[sflag:s29] =	ssyncadd.s32 $0xFFFFC000  }
0x4f: {  	[spmem:s3] =	stream.indirect.scatter.add.f32 [tilespmem:s26], [sflag:$0x4], $0x80, s5, s25, $0xb8;
	[tilespmem:$0x1E800] =	vst v63  }
0x50: {  	_ =	swait.ge [sflag:s30], $0x4000  }
0x51: {  	[sflag:s30] =	ssyncset.done $0x0  }
0x52: {  	s11 =	simm.s32 $0x180;
	[sflag:s30] =	ssyncadd.s32 $0xFFFFC000  }
0x53: {  	[tilespmem:s26], [sflag:$0x2] =	stream.indirect.gather [hbm4b:s1+s25], $0x80, s11, s25, $0xb8;
	[tilespmem:$0x1E800] =	vst v63  }
0x54: {  	_ =	swait.ge [sflag:s23], $0x4000  }
0x55: {  	[sflag:s23] =	ssyncset.done $0x0  }
0x56: {  	s2 =	simm.s32 $0xFFFFB800;
	s5 =	simm.s32 $0x1500;
	[sflag:s23] =	ssyncadd.s32 $0xFFFFC000  }
.LBB2_2:
0x57: {  	[spmem:s3] =	stream.indirect.scatter.add.f32 [tilespmem:s21], [sflag:$0x3], $0x80, s5, s25, $0xb8;
	[tilespmem:$0x1E800] =	vst v63  }
0x58: {  	s5 =	smov.u32 s2  }
0x59: {  	p0 =	sne.s32 s2, $0xFFFFFC00;
	s2 =	sadd.s32 $0x400, s2;
	_ =	swait.ge [sflag:s28], $0x4000  }
0x5a: {  	s5 =	sshra.s32 s5, $0x2;
	[sflag:s28] =	ssyncset.done $0x0  }
0x5b: {  	s11 =	sadd.s32 $0x1400, s5;
	[sflag:s28] =	ssyncadd.s32 $0xFFFFC000  }
0x5c: {  	[tilespmem:s21], [sflag:$0x1] =	stream.indirect.gather [hbm4b:s1+s25], $0x80, s11, s25, $0xb8;
	[tilespmem:$0x1E800] =	vst v63  }
0x5d: {  	_ =	swait.ge [sflag:s29], $0x4000  }
0x5e: {  	[sflag:s29] =	ssyncset.done $0x0  }
0x5f: {  	s11 =	sadd.s32 $0x2780, s5;
	[sflag:s29] =	ssyncadd.s32 $0xFFFFC000  }
0x60: {  	[spmem:s3] =	stream.indirect.scatter.add.f32 [tilespmem:s26], [sflag:$0x4], $0x80, s11, s25, $0xb8;
	[tilespmem:$0x1E800] =	vst v63  }
0x61: {  	_ =	swait.ge [sflag:s30], $0x4000  }
0x62: {  	[sflag:s30] =	ssyncset.done $0x0  }
.Ltmp0:
0x63: {  	s11 =	sadd.s32 $0x1480, s5;
	[sflag:s30] =	ssyncadd.s32 $0xFFFFC000;
	(pc) =	sbr.rel @p0 .LBB2_2-.Ltmp0, $4  }
0x64: {  	[tilespmem:s26], [sflag:$0x2] =	stream.indirect.gather [hbm4b:s1+s25], $0x80, s11, s25, $0xb8;
	[tilespmem:$0x1E800] =	vst v63  }
0x65: {  	_ =	swait.ge [sflag:s23], $0x4000  }
0x66: {  	[sflag:s23] =	ssyncset.done $0x0  }
0x67: {  	s5 =	sadd.s32 $0x2800, s5;
	[sflag:s23] =	ssyncadd.s32 $0xFFFFC000  }
0x68: {  	[spmem:s3] =	stream.indirect.scatter.add.f32 [tilespmem:s21], [sflag:$0x3], $0x80, s5, s25, $0xb8;
	[tilespmem:$0x1E800] =	vst v63  }
0x69: {  	_ =	swait.ge [sflag:s29], $0x4000  }
0x6a: {  	[sflag:s29] =	ssyncset.done $0x0  }
0x6b: {  	[sflag:s29] =	ssyncadd.s32 $0xFFFFC000  }
0x6c: {  	[spmem:s3] =	stream.indirect.scatter.add.f32 [tilespmem:s26], [sflag:$0x4], $0x80, s31, s25, $0xb8;
	[tilespmem:$0x1E800] =	vst v63  }
0x6d: {  	_ =	swait.ge [sflag:s28], $0x4000  }
0x6e: {  	[sflag:s28] =	ssyncset.done $0x0  }
0x6f: {  	[sflag:s28] =	ssyncadd.s32 $0xFFFFC000  }
0x70: {  	_ =	swait.ge [sflag:s30], $0x4000  }
0x71: {  	[sflag:s30] =	ssyncset.done $0x0  }
0x72: {  	[sflag:s30] =	ssyncadd.s32 $0xFFFFC000  }
0x73: {  	[tilespmem:s4], [sflag:$0x5] =	stream.linear.gather [hbm4b:s13+s4], $0x1400, $0x38;
	[tilespmem:$0x1E800] =	vst v63  }
0x74: {  	_ =	swait.ge [sflag:s22], $0x1400  }
0x75: {  	[sflag:s22] =	ssyncset.done $0x0  }
0x76: {  	[sflag:s22] =	ssyncadd.s32 $0xFFFFEC00  }
0x77: {  	[tilespmem:s24], [sflag:$0x5] =	stream.linear.gather [hbm4b:s14+s4], $0x1400, $0x38;
	[tilespmem:$0x1E800] =	vst v63  }
0x78: {  	_ =	swait.ge [sflag:s22], $0x1400  }
0x79: {  	[sflag:s22] =	ssyncset.done $0x0  }
0x7a: {  	[sflag:s22] =	ssyncadd.s32 $0xFFFFEC00  }
0x7b: {  	[tilespmem:s21], [sflag:$0x1] =	stream.indirect.gather [hbm4b:s1+s25], $0x80, s4, s25, $0xb8;
	[tilespmem:$0x1E800] =	vst v63  }
0x7c: {  	_ = 	snop  }
0x7d: {  	[tilespmem:s26], [sflag:$0x2] =	stream.indirect.gather [hbm4b:s1+s25], $0x80, s25, s25, $0xb8;
	[tilespmem:$0x1E800] =	vst v63  }
0x7e: {  	_ =	swait.ge [sflag:s23], $0x4000  }
0x7f: {  	[sflag:s23] =	ssyncset.done $0x0  }
0x80: {  	[sflag:s23] =	ssyncadd.s32 $0xFFFFC000  }
0x81: {  	[spmem:s3] =	stream.indirect.scatter.add.f32 [tilespmem:s21], [sflag:$0x3], $0x80, s24, s25, $0xb8;
	[tilespmem:$0x1E800] =	vst v63  }
0x82: {  	_ =	swait.ge [sflag:s28], $0x4000  }
0x83: {  	[sflag:s28] =	ssyncset.done $0x0  }
0x84: {  	s2 =	simm.s32 $0x100;
	[sflag:s28] =	ssyncadd.s32 $0xFFFFC000  }
0x85: {  	[tilespmem:s21], [sflag:$0x1] =	stream.indirect.gather [hbm4b:s1+s25], $0x80, s2, s25, $0xb8;
	[tilespmem:$0x1E800] =	vst v63  }
0x86: {  	_ =	swait.ge [sflag:s29], $0x4000  }
0x87: {  	[sflag:s29] =	ssyncset.done $0x0  }
0x88: {  	s5 =	simm.s32 $0x1480;
	[sflag:s29] =	ssyncadd.s32 $0xFFFFC000  }
0x89: {  	[spmem:s3] =	stream.indirect.scatter.add.f32 [tilespmem:s26], [sflag:$0x4], $0x80, s5, s25, $0xb8;
	[tilespmem:$0x1E800] =	vst v63  }
0x8a: {  	_ =	swait.ge [sflag:s30], $0x4000  }
0x8b: {  	[sflag:s30] =	ssyncset.done $0x0  }
0x8c: {  	s11 =	simm.s32 $0x180;
	[sflag:s30] =	ssyncadd.s32 $0xFFFFC000  }
0x8d: {  	[tilespmem:s26], [sflag:$0x2] =	stream.indirect.gather [hbm4b:s1+s25], $0x80, s11, s25, $0xb8;
	[tilespmem:$0x1E800] =	vst v63  }
0x8e: {  	_ =	swait.ge [sflag:s23], $0x4000  }
0x8f: {  	[sflag:s23] =	ssyncset.done $0x0  }
0x90: {  	s2 =	simm.s32 $0xFFFFB800;
	s5 =	simm.s32 $0x1500;
	[sflag:s23] =	ssyncadd.s32 $0xFFFFC000  }
.LBB2_4:
0x91: {  	[spmem:s3] =	stream.indirect.scatter.add.f32 [tilespmem:s21], [sflag:$0x3], $0x80, s5, s25, $0xb8;
	[tilespmem:$0x1E800] =	vst v63  }
0x92: {  	s5 =	smov.u32 s2  }
0x93: {  	p0 =	sne.s32 s2, $0xFFFFFC00;
	s2 =	sadd.s32 $0x400, s2;
	_ =	swait.ge [sflag:s28], $0x4000  }
0x94: {  	s5 =	sshra.s32 s5, $0x2;
	[sflag:s28] =	ssyncset.done $0x0  }
0x95: {  	s11 =	sadd.s32 $0x1400, s5;
	[sflag:s28] =	ssyncadd.s32 $0xFFFFC000  }
0x96: {  	[tilespmem:s21], [sflag:$0x1] =	stream.indirect.gather [hbm4b:s1+s25], $0x80, s11, s25, $0xb8;
	[tilespmem:$0x1E800] =	vst v63  }
0x97: {  	_ =	swait.ge [sflag:s29], $0x4000  }
0x98: {  	[sflag:s29] =	ssyncset.done $0x0  }
0x99: {  	s11 =	sadd.s32 $0x2780, s5;
	[sflag:s29] =	ssyncadd.s32 $0xFFFFC000  }
0x9a: {  	[spmem:s3] =	stream.indirect.scatter.add.f32 [tilespmem:s26], [sflag:$0x4], $0x80, s11, s25, $0xb8;
	[tilespmem:$0x1E800] =	vst v63  }
0x9b: {  	_ =	swait.ge [sflag:s30], $0x4000  }
0x9c: {  	[sflag:s30] =	ssyncset.done $0x0  }
.Ltmp1:
0x9d: {  	s11 =	sadd.s32 $0x1480, s5;
	[sflag:s30] =	ssyncadd.s32 $0xFFFFC000;
	(pc) =	sbr.rel @p0 .LBB2_4-.Ltmp1, $4  }
0x9e: {  	[tilespmem:s26], [sflag:$0x2] =	stream.indirect.gather [hbm4b:s1+s25], $0x80, s11, s25, $0xb8;
	[tilespmem:$0x1E800] =	vst v63  }
0x9f: {  	_ =	swait.ge [sflag:s23], $0x4000  }
0xa0: {  	[sflag:s23] =	ssyncset.done $0x0  }
0xa1: {  	s5 =	sadd.s32 $0x2800, s5;
	[sflag:s23] =	ssyncadd.s32 $0xFFFFC000  }
0xa2: {  	[spmem:s3] =	stream.indirect.scatter.add.f32 [tilespmem:s21], [sflag:$0x3], $0x80, s5, s25, $0xb8;
	[tilespmem:$0x1E800] =	vst v63  }
0xa3: {  	_ =	swait.ge [sflag:s29], $0x4000  }
0xa4: {  	[sflag:s29] =	ssyncset.done $0x0  }
0xa5: {  	[sflag:s29] =	ssyncadd.s32 $0xFFFFC000  }
0xa6: {  	[spmem:s3] =	stream.indirect.scatter.add.f32 [tilespmem:s26], [sflag:$0x4], $0x80, s31, s25, $0xb8;
	[tilespmem:$0x1E800] =	vst v63  }
0xa7: {  	_ =	swait.ge [sflag:s28], $0x4000  }
0xa8: {  	[sflag:s28] =	ssyncset.done $0x0  }
0xa9: {  	[sflag:s28] =	ssyncadd.s32 $0xFFFFC000  }
0xaa: {  	_ =	swait.ge [sflag:s30], $0x4000  }
0xab: {  	[sflag:s30] =	ssyncset.done $0x0  }
0xac: {  	[sflag:s30] =	ssyncadd.s32 $0xFFFFC000  }
0xad: {  	[bflag:$0x0] =	sbarrier.arrive $0xFFFF  }
0xae: {  	[tilespmem:s21], [sflag:$0x5] =	stream.linear.gather [spmem:s6], $0x4000, $0x38;
	[tilespmem:$0x1E800] =	vst v63  }
0xaf: {  	_ =	swait.ge [sflag:s22], $0x4000  }
0xb0: {  	[sflag:s22] =	ssyncset.done $0x0  }
0xb1: {  	[sflag:s22] =	ssyncadd.s32 $0xFFFFC000  }
0xb2: {  	[hbm4b:s15+s4] =	stream.linear.scatter [tilespmem:s21], [sflag:$0x1], $0x4000, $0x38;
	[tilespmem:$0x1E800] =	vst v63  }
0xb3: {  	_ = 	snop  }
0xb4: {  	[tilespmem:s26], [sflag:$0x5] =	stream.linear.gather [spmem:s7], $0x4000, $0x38;
	[tilespmem:$0x1E800] =	vst v63  }
0xb5: {  	_ =	swait.ge [sflag:s22], $0x4000  }
0xb6: {  	[sflag:s22] =	ssyncset.done $0x0  }
0xb7: {  	[sflag:s22] =	ssyncadd.s32 $0xFFFFC000  }
0xb8: {  	[hbm4b:s16+s4] =	stream.linear.scatter [tilespmem:s26], [sflag:$0x2], $0x4000, $0x38;
	[tilespmem:$0x1E800] =	vst v63  }
0xb9: {  	_ =	swait.ge [sflag:s23], $0x4000  }
0xba: {  	[sflag:s23] =	ssyncset.done $0x0  }
0xbb: {  	[sflag:s23] =	ssyncadd.s32 $0xFFFFC000  }
0xbc: {  	[tilespmem:s21], [sflag:$0x5] =	stream.linear.gather [spmem:s8], $0x4000, $0x38;
	[tilespmem:$0x1E800] =	vst v63  }
0xbd: {  	_ =	swait.ge [sflag:s22], $0x4000  }
0xbe: {  	[sflag:s22] =	ssyncset.done $0x0  }
0xbf: {  	[sflag:s22] =	ssyncadd.s32 $0xFFFFC000  }
0xc0: {  	[hbm4b:s17+s4] =	stream.linear.scatter [tilespmem:s21], [sflag:$0x1], $0x4000, $0x38;
	[tilespmem:$0x1E800] =	vst v63  }
0xc1: {  	_ =	swait.ge [sflag:s29], $0x4000  }
0xc2: {  	[sflag:s29] =	ssyncset.done $0x0  }
0xc3: {  	[sflag:s29] =	ssyncadd.s32 $0xFFFFC000  }
0xc4: {  	[tilespmem:s26], [sflag:$0x5] =	stream.linear.gather [spmem:s9], $0x4000, $0x38;
	[tilespmem:$0x1E800] =	vst v63  }
0xc5: {  	_ =	swait.ge [sflag:s22], $0x4000  }
0xc6: {  	[sflag:s22] =	ssyncset.done $0x0  }
0xc7: {  	[sflag:s22] =	ssyncadd.s32 $0xFFFFC000  }
0xc8: {  	[hbm4b:s18+s4] =	stream.linear.scatter [tilespmem:s26], [sflag:$0x2], $0x4000, $0x38;
	[tilespmem:$0x1E800] =	vst v63  }
0xc9: {  	_ =	swait.ge [sflag:s23], $0x4000  }
0xca: {  	[sflag:s23] =	ssyncset.done $0x0  }
0xcb: {  	[sflag:s23] =	ssyncadd.s32 $0xFFFFC000  }
0xcc: {  	[tilespmem:s21], [sflag:$0x5] =	stream.linear.gather [spmem:s10], $0x4000, $0x38;
	[tilespmem:$0x1E800] =	vst v63  }
0xcd: {  	_ =	swait.ge [sflag:s22], $0x4000  }
0xce: {  	[sflag:s22] =	ssyncset.done $0x0  }
0xcf: {  	s0 =	sadd.s32 $0x1, s0;
	[sflag:s22] =	ssyncadd.s32 $0xFFFFC000  }
0xd0: {  	[hbm4b:s19+s4] =	stream.linear.scatter [tilespmem:s21], [sflag:$0x1], $0x4000, $0x38;
	[tilespmem:$0x1E800] =	vst v63  }
0xd1: {  	p0 =	sne.s32 s0, s20;
	_ =	swait.ge [sflag:s29], $0x4000  }
.Ltmp2:
0xd2: {  	[sflag:s29] =	ssyncset.done $0x0;
	(pc) =	sbr.rel @p0 .LBB2_1-.Ltmp2, $4  }
0xd3: {  	[sflag:s29] =	ssyncadd.s32 $0xFFFFC000  }
0xd4: {  	_ =	swait.ge [sflag:s23], $0x4000  }
0xd5: {  	[sflag:s23] =	ssyncset.done $0x0  }
0xd6: {  	[sflag:s23] =	ssyncadd.s32 $0xFFFFC000  }
0xd7: {  	_ =	sfence.sel $0x180000  }
0xd8: {  	[bflag:$0x0] =	sbarrier.arrive $0xFFFF  }
0xd9: {  	_ =	strace $0x9000004A  }
0xda: {  	s0 =	stileid.u32;
	[bflag:$0x2] =	sbarrier.arrive $0xFFFF  }
0xdb: {  	p0 =	sne.s32 s0, $0x0;
	s0 =	rddreg [dreg:$0x3]  }
0xdc: {  	s0 =	sadd.s32 @!p0 $0x100000, s0  }
0xdd: {  	[sflag:s0] =	ssyncadd.tile.s32 @!p0 $0x1;
	_ =	shalt  }
.Lfunc_end2:
_tile_overlayer_lowered:
.L_overlay_start_2:
0xde: {  	(tag) =	ssettag $0x2  }
0xdf: {  	s0 =	rddreg [dreg:$0x0];
	s2 =	stileid.u32  }
0xe0: {  	s1 =	rddreg [dreg:$0x1];
	p0 =	sne.s32 s2, $0x0  }
0xe1: {  	s3 =	rddreg [dreg:$0x2];
	[bflag:$0x3] =	sbarrier.arrive $0xFFFF;
	s2 =	simm.s32 @!p0 $0x1C05  }
0xe2: {  	[timem:s3], [sflag:s2] =	dma.local @!p0 [hbm:s0], s1  }
0xe3: {  	s0 =	simm.s32 @!p0 $0x5  }
0xe4: {  	_ =	swait.ge @!p0 [sflag:s0], s1  }
0xe5: {  	s1 =	ssub.s32 @!p0 $0x0, s1;
	[sflag:s0] =	ssyncset.done @!p0 $0x0  }
0xe6: {  	[sflag:s0] =	ssyncadd.s32 @!p0 s1  }
0xe7: {  	[bflag:$0x3] =	sbarrier.arrive $0xFFFF  }
0xe8: {  	_ =	shalt  }

// kernel: kernel.14.cloned.1.call-start
scs
__scs_entry_jumppad:
0x0: {  	(pc) =	sbr.rel $0x88, $3  }
0x1: {  	(tag) =	ssettag $0x0;
	lr =	simm.s32 $0x1  }
0x2: {  	[smem:$0x3F9B] =	sst lr;
	_ =	strace $0xD0000000  }
0x3: {  	_ = 	snop  }
0x4: {  	_ = 	snop  }
0x5: {  	_ = 	snop  }
0x6: {  	_ = 	snop  }
0x7: {  	_ = 	snop  }
__scs_overlays_trampoline_lowered:
0x8: {  	[smem:$0x3FAA] =	sst s0  }
0x9: {  	[smem:$0x3FAB] =	sst s1  }
0xa: {  	[smem:$0x3FAC] =	sst s2  }
0xb: {  	[smem:$0x3FAD] =	sst s3  }
0xc: {  	[smem:$0x3FAE] =	sst s4  }
0xd: {  	[smem:$0x3FAF] =	sst s5  }
0xe: {  	[smem:$0x3FB0] =	sst s6  }
0xf: {  	[smem:$0x3FB1] =	sst s7  }
0x10: {  	[smem:$0x3FB2] =	sst s8  }
0x11: {  	[smem:$0x3FB3] =	sst s9;
	s0 =	simm.s32 @!p0 $0x0  }
0x12: {  	s1 =	sld [smem:$0x3F99];
	s0 =	simm.s32 @p0 $0x1  }
0x13: {  	[smem:$0x3FB4] =	sst s0;
	s0 =	simm.s32 @!p1 $0x0  }
0x14: {  	s2 =	sld [smem:$0x3F98];
	s0 =	simm.s32 @p1 $0x1  }
0x15: {  	[smem:$0x3FB5] =	sst s0;
	s0 =	simm.s32 @!p2 $0x0  }
0x16: {  	s3 =	sld [smem:$0x3FDB];
	s0 =	simm.s32 @p2 $0x1  }
0x17: {  	s4 =	simm.s32 $0x1BF5;
	[smem:$0x3FB7] =	sst s0  }
0x18: {  	s0 =	sld [smem:$0x3F9A];
	_ =	swait.ge [sflag:s4], $0x0  }
0x19: {  	s7 =	sld [smem:$0x3F9B]  }
0x1a: {  	s8 =	sadd.s32 $0xFFFFE003, lr  }
0x1b: {  	s9 =	sadd.s32 $0xFFFFFEF7, lr;
	s5 =	simm.s32 $0xFFFFFFFF;
	p2 =	slt.u32 s8, $0xFFFFF086  }
0x1c: {  	p1 =	slt.u32 s9, $0xF7A;
	s5 =	simm.s32 @!p2 $0x0  }
0x1d: {  	s5 =	simm.s32 @p1 $0x1;
	p0 =	seq.s32 s7, s2  }
0x1e: {  	s7 =	smul.u32 @!p0 $0xF7A, s2;
	p2 =	seq.s32 @!p0 s5, $0x0  }
0x1f: {  	s9 =	smul.u32 $0xF7A, s1;
	s8 =	simm.s32 @!p0 $0x1BF5;
	p2 =	por !p2, p0  }
0x20: {  	[sflag:s8] =	ssyncset.s32 @!p0 $0xFFFFF086;
	s6 =	sadd.s32 @!p0 s3, s7;
	s7 =	simm.s32 @!p0 $0x108  }
0x21: {  	s3 =	sadd.s32 s3, s9;
	s6 =	sadd.s32 @!p0 $0x88, s6;
	s7 =	simm.s32 @p2 $0x1082  }
0x22: {  	[simem:s7], [sflag:s8] =	dma.local @!p0 [hbm:s6], $0xF7A  }
0x23: {  	s9 =	sor.u32 $0xD0000000, s2;
	s6 =	simm.s32 $0x108;
	_ =	swait.ge @!p0 [sflag:s8], $0x0  }
0x24: {  	s3 =	sadd.s32 $0x88, s3;
	s6 =	simm.s32 @!p1 $0x1082;
	[sflag:s4] =	ssyncset.s32 $0xFFFFF086  }
0x25: {  	[simem:s6], [sflag:s4] =	dma.local [hbm:s3], $0xF7A  }
0x26: {  	[smem:$0x3F9B] =	sst s1;
	(tag) =	ssettag s2;
	_ =	strace s9  }
0x27: {  	s1 =	sld [smem:$0x3FAB]  }
0x28: {  	s2 =	sld [smem:$0x3FAC]  }
0x29: {  	s4 =	sld [smem:$0x3FAE]  }
0x2a: {  	p0 =	seq.s32 s5, $0x0;
	s5 =	sld [smem:$0x3FAF]  }
0x2b: {  	s6 =	sld [smem:$0x3FB0]  }
0x2c: {  	s7 =	sld [smem:$0x3FB1]  }
0x2d: {  	s3 =	simm.s32 $0x108;
	s8 =	sld [smem:$0x3FB2]  }
0x2e: {  	s3 =	simm.s32 @!p0 $0x1082;
	s9 =	sld [smem:$0x3FB3]  }
0x2f: {  	lr =	sadd.s32 s0, s3;
	s0 =	sld [smem:$0x3FAA]  }
0x30: {  	s3 =	sld [smem:$0x3FAD]  }
0x31: {  	[smem:$0x3FB6] =	sst s10  }
0x32: {  	s10 =	sld [smem:$0x3FB4];
	_ =	sdelay $0x3  }
0x33: {  	p0 =	seq.s32 s10, $0x1;
	s10 =	sld [smem:$0x3FB6];
	_ =	sdelay $0x3  }
0x34: {  	[smem:$0x3FB6] =	sst s10  }
0x35: {  	s10 =	sld [smem:$0x3FB5];
	_ =	sdelay $0x3  }
0x36: {  	p1 =	seq.s32 s10, $0x1;
	s10 =	sld [smem:$0x3FB6];
	_ =	sdelay $0x3  }
0x37: {  	[smem:$0x3FB6] =	sst s10  }
0x38: {  	s10 =	sld [smem:$0x3FB7]  }
0x39: {  	_ = 	snop;
	(pc) =	sbr.ind lr, $3  }
0x3a: {  	_ = 	snop  }
0x3b: {  	_ = 	snop  }
0x3c: {  	p2 =	seq.s32 s10, $0x1;
	s10 =	sld [smem:$0x3FB6]  }
0x3d: {  	_ =	shalt  }
0x3e: {  	_ =	shalt  }
0x3f: {  	_ =	shalt  }
0x40: {  	_ =	shalt  }
0x41: {  	_ =	shalt  }
0x42: {  	_ =	shalt  }
0x43: {  	_ =	shalt  }
0x44: {  	_ =	shalt  }
0x45: {  	_ =	shalt  }
0x46: {  	_ =	shalt  }
0x47: {  	_ =	shalt  }
0x48: {  	_ =	shalt  }
0x49: {  	_ =	shalt  }
0x4a: {  	_ =	shalt  }
0x4b: {  	_ =	shalt  }
0x4c: {  	_ =	shalt  }
0x4d: {  	_ =	shalt  }
0x4e: {  	_ =	shalt  }
0x4f: {  	_ =	shalt  }
0x50: {  	_ =	shalt  }
0x51: {  	_ =	shalt  }
0x52: {  	_ =	shalt  }
0x53: {  	_ =	shalt  }
0x54: {  	_ =	shalt  }
0x55: {  	_ =	shalt  }
0x56: {  	_ =	shalt  }
0x57: {  	_ =	shalt  }
0x58: {  	_ =	shalt  }
0x59: {  	_ =	shalt  }
0x5a: {  	_ =	shalt  }
0x5b: {  	_ =	shalt  }
0x5c: {  	_ =	shalt  }
0x5d: {  	_ =	shalt  }
0x5e: {  	_ =	shalt  }
0x5f: {  	_ =	shalt  }
0x60: {  	_ =	shalt  }
0x61: {  	_ =	shalt  }
0x62: {  	_ =	shalt  }
0x63: {  	_ =	shalt  }
0x64: {  	_ =	shalt  }
0x65: {  	_ =	shalt  }
0x66: {  	_ =	shalt  }
0x67: {  	_ =	shalt  }
0x68: {  	_ =	shalt  }
0x69: {  	_ =	shalt  }
0x6a: {  	_ =	shalt  }
0x6b: {  	_ =	shalt  }
0x6c: {  	_ =	shalt  }
0x6d: {  	_ =	shalt  }
0x6e: {  	_ =	shalt  }
0x6f: {  	_ =	shalt  }
0x70: {  	_ =	shalt  }
0x71: {  	_ =	shalt  }
0x72: {  	_ =	shalt  }
0x73: {  	_ =	shalt  }
0x74: {  	_ =	shalt  }
0x75: {  	_ =	shalt  }
0x76: {  	_ =	shalt  }
0x77: {  	_ =	shalt  }
0x78: {  	_ =	shalt  }
0x79: {  	_ =	shalt  }
0x7a: {  	_ =	shalt  }
0x7b: {  	_ =	shalt  }
0x7c: {  	_ =	shalt  }
0x7d: {  	_ =	shalt  }
0x7e: {  	_ =	shalt  }
0x7f: {  	_ =	shalt  }
0x80: {  	_ =	shalt  }
0x81: {  	_ =	shalt  }
0x82: {  	_ =	shalt  }
0x83: {  	_ =	shalt  }
0x84: {  	_ =	shalt  }
0x85: {  	_ =	shalt  }
0x86: {  	_ =	shalt  }
0x87: {  	_ =	shalt  }
.Lfunc_end0:
.L_simem_size_0:
called_computation.2_lowered:
.L_overlay_start_0:
0x88: {  	s2 =	sld [smem:$0x3FD9]  }
0x89: {  	s3 =	sld [smem:$0x3FFE];
	_ =	sdelay $0x1  }
0x8a: {  	s1 =	srdreg.scid  }
0x8b: {  	s0 =	sand.u32 $0x1, s1  }
0x8c: {  	s17 =	sshll.u32 s0, $0xA;
	s2 =	sadd.s32 s3, s2  }
0x8d: {  	s2 =	sadd.s32 s2, s17  }
0x8e: {  	[smem:$0x3FC2] =	sst s2  }
0x8f: {  	_ = 	snop  }
0x90: {  	s2 =	sld [smem:$0x3FD0];
	(tm) =	ssettm $0x1  }
0x91: {  	s18 =	sld [smem:$0x3FFB];
	_ =	sdelay $0x3  }
0x92: {  	_ =	strace s18  }
0x93: {  	s3 =	sld [smem:$0x3FFC];
	_ =	sdelay $0x3  }
0x94: {  	_ =	strace s3  }
0x95: {  	s3 =	sld [smem:$0x3FFD];
	_ =	sdelay $0x3  }
0x96: {  	_ =	strace s3  }
0x97: {  	_ =	strace $0x8FFFFFFF  }
0x98: {  	s19 =	sld [smem:$0x3FDB];
	_ =	sdelay $0x1  }
0x99: {  	s4 =	simm.s32 $_scs_section_size  }
0x9a: {  	s5 =	simm.s32 $_size__tile_overlayer_lowered;
	s6 =	simm.s32 $_tile_overlayer_lowered  }
0x9b: {  	s22 =	simm.s32 $0x1BFF;
	s21 =	sshll.u32 s6, $0x1;
	s3 =	sadd.s32 s4, s19  }
0x9c: {  	s7 =	simm.s32 $0x0;
	s20 =	sshll.u32 s5, $0x1;
	s5 =	sadd.s32 s21, s3  }
0x9d: {  	[timem:s7], [sflag:s22] =	dma.local [hbm:s5], s20  }
0x9e: {  	_ =	swait.ge [sflag:s22], s20  }
0x9f: {  	s4 =	ssub.s32 $0x0, s20;
	[sflag:s22] =	ssyncset.done $0x0  }
0xa0: {  	[sflag:s22] =	ssyncadd.s32 s4;
	_ =	sdelay $0x1  }
0xa1: {  	s23 =	simm.s32 $0x1B8B  }
0xa2: {  	_ =	swait.ge [sflag:s23], $0x1  }
0xa3: {  	[sflag:s23] =	ssyncset.done $0x0  }
0xa4: {  	s25 =	simm.s32 $0x1B8E;
	s24 =	sld [smem:$0x3FFE];
	[sflag:s23] =	ssyncadd.s32 $0xFFFFFFFF  }
0xa5: {  	s26 =	simm.s32 $execute0_lowered;
	[smem:$0x3FD2] =	sst s25  }
0xa6: {  	s5 =	sshll.u32 s26, $0x1;
	_ =	strace $0x8000004C;
	[dreg:$0x1] =	wrdreg $0xFFFFFFFF  }
0xa7: {  	s28 =	simm.s32 $_size_execute0_lowered;
	s3 =	sadd.s32 s3, s5;
	[dreg:$0x0] =	wrdreg $0x0  }
0xa8: {  	s5 =	sshll.u32 s28, $0x1;
	[dreg:$0x2] =	wrdreg s3  }
0xa9: {  	[dreg:$0x3] =	wrdreg s5  }
0xaa: {  	[dreg:$0x4] =	wrdreg $0xC0  }
0xab: {  	_ =	task [dreg:s7], $0x5FFFF  }
0xac: {  	[dreg:$0x1] =	wrdreg $0xFFFFFFFF  }
0xad: {  	[dreg:$0x0] =	wrdreg $0x60  }
0xae: {  	[dreg:$0x2] =	wrdreg s2  }
0xaf: {  	[dreg:$0x3] =	wrdreg s24  }
0xb0: {  	[dreg:$0x4] =	wrdreg $0xA8000  }
0xb1: {  	[dreg:$0x5] =	wrdreg $0x9  }
0xb2: {  	_ =	task.clear_ibuf [dreg:s7], $0x6FFFF;
	_ =	strace $0x9000004C  }
0xb3: {  	s29 =	simm.s32 $0x9;
	_ =	strace $0x8000004E  }
0xb4: {  	_ =	swait.ge [sflag:s29], $0x1  }
0xb5: {  	[sflag:s29] =	ssyncadd.s32 $0xFFFFFFFF  }
0xb6: {  	_ =	strace $0x9000004E  }
0xb7: {  	_ =	sfence  }
0xb8: {  	s30 =	sld [smem:$0x0];
	_ =	sdelay $0x2  }
0xb9: {  	s31 =	sshll.u32 s1, $0xD;
	s1 =	sshrl.u32 s1, $0x2  }
0xba: {  	s3 =	sand.u32 $0x4000, s31;
	s1 =	sadd.s32 s1, s30  }
0xbb: {  	s0 =	sor.u32 s3, s0;
	s1 =	sshll.u32 s1, $0x11  }
0xbc: {  	s0 =	sor.u32 s1, s0  }
0xbd: {  	s0 =	sadd.s32 $0x8F2B, s0  }
0xbe: {  	[sflag:s0] =	ssyncadd.remote.s32 $0x1  }
0xbf: {  	_ =	sfence.sel $0xFFFF  }
0xc0: {  	[dreg:$0x0] =	wrdreg $0xFFFFFFFF;
	(pc) =	sbr.abs _section_cstart, $3  }
0xc1: {  	[dreg:$0x1] =	wrdreg $0xFFFFFFFF  }
0xc2: {  	_ =	task.clear_ibuf [dreg:s7], $0x2FFFF;
	_ =	strace $0x9FFFFFFF  }
0xc3: {  	(tm) =	ssettm $0x7FFFFFFF  }
tec
execute0_lowered:
.L_overlay_start_1:
0x0: {  	(tag) =	ssettag $0x1  }
0x1: {  	s1 =	rddreg [dreg:$0x0]  }
0x2: {  	s0 =	rddreg [dreg:$0x1]  }
0x3: {  	s3 =	rddreg [dreg:$0x2];
	s4 =	simm.s32 $0x0  }
0x4: {  	s10 =	stileid.u32;
	s5 =	srdreg.scid;
	s22 =	simm.s32 $0x5  }
0x5: {  	s28 =	simm.s32 $0x3;
	s29 =	simm.s32 $0x2;
	s30 =	simm.s32 $0x4  }
0x6: {  	s31 =	simm.s32 $0x2780;
	[smem:$0x7FF] =	sst s4;
	s2 =	smul.u32 $0x14000, s10  }
0x7: {  	s13 =	sadd.s32 $0xC200, s0;
	s5 =	sand.u32 $0x1, s5;
	s14 =	sadd.s32 $0x2200, s0  }
0x8: {  	s9 =	smul.u32 $0x50000, s10;
	_ =	strace $0x8000004D;
	s7 =	ssub.s32 $0x2, s5  }
0x9: {  	s23 =	sshll.u32 s5, $0x4;
	s5 =	smul.u32 $0x140000, s5;
	s6 =	sshrl.u32 s2, $0x3  }
0xa: {  	s8 =	sshrl.u32 s7, $0x1;
	s10 =	sor.u32 s10, s23;
	s24 =	sshrl.u32 s9, $0x2  }
0xb: {  	s15 =	sadd.s32 $0x4000, s2;
	s17 =	sadd.s32 $0x8000, s2;
	s18 =	sadd.s32 $0xC000, s2  }
0xc: {  	s19 =	sadd.s32 $0x10000, s2;
	s23 =	simm.s32 $0x1;
	s6 =	sadd.s32 s6, s0  }
0xd: {  	s0 =	sadd.s32 $0x3E200, s0;
	s20 =	ssub.s32 s7, s8;
	s12 =	smul.u32 $0x500, s10  }
0xe: {  	s7 =	sadd.s32 s15, s3;
	s8 =	sadd.s32 s17, s3;
	s16 =	smul.u32 $0x2800, s10  }
0xf: {  	s9 =	sadd.s32 s18, s3;
	s10 =	sadd.s32 s19, s3;
	s2 =	sadd.s32 s2, s5  }
0x10: {  	s15 =	sadd.s32 s5, s15;
	s25 =	sadd.s32 s5, s17;
	s26 =	sadd.s32 s5, s18  }
0x11: {  	s5 =	sadd.s32 s5, s19;
	s6 =	sadd.s32 $0x16200, s6;
	s2 =	sshrl.u32 s2, $0x3  }
0x12: {  	s21 =	sshrl.u32 s15, $0x3;
	s18 =	sshrl.u32 s26, $0x3;
	s5 =	sshrl.u32 s5, $0x3  }
0x13: {  	s20 =	smax.u32 s20, $0x1;
	s26 =	simm.s32 $0x6800;
	[dreg:$0x4] =	wrdreg s6  }
0x14: {  	s6 =	sadd.s32 s24, s3;
	s11 =	sadd.s32 s13, s12;
	s12 =	sadd.s32 s14, s12  }
0x15: {  	s16 =	sshrl.u32 s16, $0x3;
	s15 =	sadd.s32 s0, s2;
	s2 =	sshrl.u32 s25, $0x3  }
0x16: {  	s18 =	sadd.s32 s0, s18;
	s19 =	sadd.s32 s0, s5;
	s24 =	simm.s32 $0x1400  }
0x17: {  	s25 =	simm.s32 $0x80;
	[dreg:$0x5] =	wrdreg s11;
	s16 =	sadd.s32 $0x280, s16  }
0x18: {  	s17 =	sadd.s32 s0, s2;
	s13 =	sadd.s32 s13, s16;
	s14 =	sadd.s32 s14, s16  }
0x19: {  	s16 =	sadd.s32 s0, s21;
	s21 =	simm.s32 $0x2800;
	s0 =	simm.s32 $0x0  }
.LBB2_1:
0x1a: {  	s2 =	rddreg [dreg:$0x4]  }
0x1b: {  	[tilespmem:s21], [sflag:$0x5] =	stream.linear.gather [hbm4b:s2+s4], $0x4000, $0x38;
	[tilespmem:$0x1E800] =	vst v63  }
0x1c: {  	_ =	swait.ge [sflag:s22], $0x4000  }
0x1d: {  	[sflag:s22] =	ssyncset.done $0x0  }
0x1e: {  	[sflag:s22] =	ssyncadd.s32 $0xFFFFC000  }
0x1f: {  	[spmem:s6] =	stream.linear.scatter [tilespmem:s21], [sflag:$0x1], $0x4000, $0x38;
	[tilespmem:$0x1E800] =	vst v63  }
0x20: {  	_ = 	snop  }
0x21: {  	[spmem:s7] =	stream.linear.scatter [tilespmem:s21], [sflag:$0x1], $0x4000, $0x38;
	[tilespmem:$0x1E800] =	vst v63  }
0x22: {  	_ = 	snop  }
0x23: {  	[spmem:s8] =	stream.linear.scatter [tilespmem:s21], [sflag:$0x1], $0x4000, $0x38;
	[tilespmem:$0x1E800] =	vst v63  }
0x24: {  	_ = 	snop  }
0x25: {  	[spmem:s9] =	stream.linear.scatter [tilespmem:s21], [sflag:$0x1], $0x4000, $0x38;
	[tilespmem:$0x1E800] =	vst v63  }
0x26: {  	_ = 	snop  }
0x27: {  	[spmem:s10] =	stream.linear.scatter [tilespmem:s21], [sflag:$0x1], $0x4000, $0x38;
	[tilespmem:$0x1E800] =	vst v63  }
0x28: {  	_ =	swait.ge [sflag:s23], $0x4000  }
0x29: {  	[sflag:s23] =	ssyncset.done $0x0  }
0x2a: {  	[sflag:s23] =	ssyncadd.s32 $0xFFFFC000  }
0x2b: {  	_ =	swait.ge [sflag:s23], $0x4000  }
0x2c: {  	[sflag:s23] =	ssyncset.done $0x0  }
0x2d: {  	[sflag:s23] =	ssyncadd.s32 $0xFFFFC000  }
0x2e: {  	_ =	swait.ge [sflag:s23], $0x4000  }
0x2f: {  	[sflag:s23] =	ssyncset.done $0x0  }
0x30: {  	[sflag:s23] =	ssyncadd.s32 $0xFFFFC000  }
0x31: {  	_ =	swait.ge [sflag:s23], $0x4000  }
0x32: {  	[sflag:s23] =	ssyncset.done $0x0  }
0x33: {  	[sflag:s23] =	ssyncadd.s32 $0xFFFFC000  }
0x34: {  	_ =	swait.ge [sflag:s23], $0x4000  }
0x35: {  	[sflag:s23] =	ssyncset.done $0x0  }
0x36: {  	[sflag:s23] =	ssyncadd.s32 $0xFFFFC000  }
0x37: {  	[bflag:$0x0] =	sbarrier.arrive $0xFFFF  }
0x38: {  	s5 =	rddreg [dreg:$0x5]  }
0x39: {  	[tilespmem:s4], [sflag:$0x5] =	stream.linear.gather [hbm4b:s5+s4], $0x1400, $0x38;
	[tilespmem:$0x1E800] =	vst v63  }
0x3a: {  	_ =	swait.ge [sflag:s22], $0x1400  }
0x3b: {  	[sflag:s22] =	ssyncset.done $0x0  }
0x3c: {  	[sflag:s22] =	ssyncadd.s32 $0xFFFFEC00  }
0x3d: {  	[tilespmem:s24], [sflag:$0x5] =	stream.linear.gather [hbm4b:s12+s4], $0x1400, $0x38;
	[tilespmem:$0x1E800] =	vst v63  }
0x3e: {  	_ =	swait.ge [sflag:s22], $0x1400  }
0x3f: {  	[sflag:s22] =	ssyncset.done $0x0  }
0x40: {  	[sflag:s22] =	ssyncadd.s32 $0xFFFFEC00  }
0x41: {  	[tilespmem:s21], [sflag:$0x1] =	stream.indirect.gather [hbm4b:s1+s25], $0x80, s4, s25, $0xb8;
	[tilespmem:$0x1E800] =	vst v63  }
0x42: {  	_ = 	snop  }
0x43: {  	[tilespmem:s26], [sflag:$0x2] =	stream.indirect.gather [hbm4b:s1+s25], $0x80, s25, s25, $0xb8;
	[tilespmem:$0x1E800] =	vst v63  }
0x44: {  	_ =	swait.ge [sflag:s23], $0x4000  }
0x45: {  	[sflag:s23] =	ssyncset.done $0x0  }
0x46: {  	[sflag:s23] =	ssyncadd.s32 $0xFFFFC000  }
0x47: {  	[spmem:s3] =	stream.indirect.scatter.add.f32 [tilespmem:s21], [sflag:$0x3], $0x80, s24, s25, $0xb8;
	[tilespmem:$0x1E800] =	vst v63  }
0x48: {  	_ =	swait.ge [sflag:s28], $0x4000  }
0x49: {  	[sflag:s28] =	ssyncset.done $0x0  }
0x4a: {  	s11 =	simm.s32 $0x100;
	[sflag:s28] =	ssyncadd.s32 $0xFFFFC000  }
0x4b: {  	[tilespmem:s21], [sflag:$0x1] =	stream.indirect.gather [hbm4b:s1+s25], $0x80, s11, s25, $0xb8;
	[tilespmem:$0x1E800] =	vst v63  }
0x4c: {  	_ =	swait.ge [sflag:s29], $0x4000  }
0x4d: {  	[sflag:s29] =	ssyncset.done $0x0  }
0x4e: {  	s5 =	simm.s32 $0x1480;
	[sflag:s29] =	ssyncadd.s32 $0xFFFFC000  }
0x4f: {  	[spmem:s3] =	stream.indirect.scatter.add.f32 [tilespmem:s26], [sflag:$0x4], $0x80, s5, s25, $0xb8;
	[tilespmem:$0x1E800] =	vst v63  }
0x50: {  	_ =	swait.ge [sflag:s30], $0x4000  }
0x51: {  	[sflag:s30] =	ssyncset.done $0x0  }
0x52: {  	s11 =	simm.s32 $0x180;
	[sflag:s30] =	ssyncadd.s32 $0xFFFFC000  }
0x53: {  	[tilespmem:s26], [sflag:$0x2] =	stream.indirect.gather [hbm4b:s1+s25], $0x80, s11, s25, $0xb8;
	[tilespmem:$0x1E800] =	vst v63  }
0x54: {  	_ =	swait.ge [sflag:s23], $0x4000  }
0x55: {  	[sflag:s23] =	ssyncset.done $0x0  }
0x56: {  	s2 =	simm.s32 $0xFFFFB800;
	s5 =	simm.s32 $0x1500;
	[sflag:s23] =	ssyncadd.s32 $0xFFFFC000  }
.LBB2_2:
0x57: {  	[spmem:s3] =	stream.indirect.scatter.add.f32 [tilespmem:s21], [sflag:$0x3], $0x80, s5, s25, $0xb8;
	[tilespmem:$0x1E800] =	vst v63  }
0x58: {  	s5 =	smov.u32 s2  }
0x59: {  	p0 =	sne.s32 s2, $0xFFFFFC00;
	s2 =	sadd.s32 $0x400, s2;
	_ =	swait.ge [sflag:s28], $0x4000  }
0x5a: {  	s5 =	sshra.s32 s5, $0x2;
	[sflag:s28] =	ssyncset.done $0x0  }
0x5b: {  	s11 =	sadd.s32 $0x1400, s5;
	[sflag:s28] =	ssyncadd.s32 $0xFFFFC000  }
0x5c: {  	[tilespmem:s21], [sflag:$0x1] =	stream.indirect.gather [hbm4b:s1+s25], $0x80, s11, s25, $0xb8;
	[tilespmem:$0x1E800] =	vst v63  }
0x5d: {  	_ =	swait.ge [sflag:s29], $0x4000  }
0x5e: {  	[sflag:s29] =	ssyncset.done $0x0  }
0x5f: {  	s11 =	sadd.s32 $0x2780, s5;
	[sflag:s29] =	ssyncadd.s32 $0xFFFFC000  }
0x60: {  	[spmem:s3] =	stream.indirect.scatter.add.f32 [tilespmem:s26], [sflag:$0x4], $0x80, s11, s25, $0xb8;
	[tilespmem:$0x1E800] =	vst v63  }
0x61: {  	_ =	swait.ge [sflag:s30], $0x4000  }
0x62: {  	[sflag:s30] =	ssyncset.done $0x0  }
.Ltmp0:
0x63: {  	s11 =	sadd.s32 $0x1480, s5;
	[sflag:s30] =	ssyncadd.s32 $0xFFFFC000;
	(pc) =	sbr.rel @p0 .LBB2_2-.Ltmp0, $4  }
0x64: {  	[tilespmem:s26], [sflag:$0x2] =	stream.indirect.gather [hbm4b:s1+s25], $0x80, s11, s25, $0xb8;
	[tilespmem:$0x1E800] =	vst v63  }
0x65: {  	_ =	swait.ge [sflag:s23], $0x4000  }
0x66: {  	[sflag:s23] =	ssyncset.done $0x0  }
0x67: {  	s5 =	sadd.s32 $0x2800, s5;
	[sflag:s23] =	ssyncadd.s32 $0xFFFFC000  }
0x68: {  	[spmem:s3] =	stream.indirect.scatter.add.f32 [tilespmem:s21], [sflag:$0x3], $0x80, s5, s25, $0xb8;
	[tilespmem:$0x1E800] =	vst v63  }
0x69: {  	_ =	swait.ge [sflag:s29], $0x4000  }
0x6a: {  	[sflag:s29] =	ssyncset.done $0x0  }
0x6b: {  	[sflag:s29] =	ssyncadd.s32 $0xFFFFC000  }
0x6c: {  	[spmem:s3] =	stream.indirect.scatter.add.f32 [tilespmem:s26], [sflag:$0x4], $0x80, s31, s25, $0xb8;
	[tilespmem:$0x1E800] =	vst v63  }
0x6d: {  	_ =	swait.ge [sflag:s28], $0x4000  }
0x6e: {  	[sflag:s28] =	ssyncset.done $0x0  }
0x6f: {  	[sflag:s28] =	ssyncadd.s32 $0xFFFFC000  }
0x70: {  	_ =	swait.ge [sflag:s30], $0x4000  }
0x71: {  	[sflag:s30] =	ssyncset.done $0x0  }
0x72: {  	[sflag:s30] =	ssyncadd.s32 $0xFFFFC000  }
0x73: {  	[tilespmem:s4], [sflag:$0x5] =	stream.linear.gather [hbm4b:s13+s4], $0x1400, $0x38;
	[tilespmem:$0x1E800] =	vst v63  }
0x74: {  	_ =	swait.ge [sflag:s22], $0x1400  }
0x75: {  	[sflag:s22] =	ssyncset.done $0x0  }
0x76: {  	[sflag:s22] =	ssyncadd.s32 $0xFFFFEC00  }
0x77: {  	[tilespmem:s24], [sflag:$0x5] =	stream.linear.gather [hbm4b:s14+s4], $0x1400, $0x38;
	[tilespmem:$0x1E800] =	vst v63  }
0x78: {  	_ =	swait.ge [sflag:s22], $0x1400  }
0x79: {  	[sflag:s22] =	ssyncset.done $0x0  }
0x7a: {  	[sflag:s22] =	ssyncadd.s32 $0xFFFFEC00  }
0x7b: {  	[tilespmem:s21], [sflag:$0x1] =	stream.indirect.gather [hbm4b:s1+s25], $0x80, s4, s25, $0xb8;
	[tilespmem:$0x1E800] =	vst v63  }
0x7c: {  	_ = 	snop  }
0x7d: {  	[tilespmem:s26], [sflag:$0x2] =	stream.indirect.gather [hbm4b:s1+s25], $0x80, s25, s25, $0xb8;
	[tilespmem:$0x1E800] =	vst v63  }
0x7e: {  	_ =	swait.ge [sflag:s23], $0x4000  }
0x7f: {  	[sflag:s23] =	ssyncset.done $0x0  }
0x80: {  	[sflag:s23] =	ssyncadd.s32 $0xFFFFC000  }
0x81: {  	[spmem:s3] =	stream.indirect.scatter.add.f32 [tilespmem:s21], [sflag:$0x3], $0x80, s24, s25, $0xb8;
	[tilespmem:$0x1E800] =	vst v63  }
0x82: {  	_ =	swait.ge [sflag:s28], $0x4000  }
0x83: {  	[sflag:s28] =	ssyncset.done $0x0  }
0x84: {  	s2 =	simm.s32 $0x100;
	[sflag:s28] =	ssyncadd.s32 $0xFFFFC000  }
0x85: {  	[tilespmem:s21], [sflag:$0x1] =	stream.indirect.gather [hbm4b:s1+s25], $0x80, s2, s25, $0xb8;
	[tilespmem:$0x1E800] =	vst v63  }
0x86: {  	_ =	swait.ge [sflag:s29], $0x4000  }
0x87: {  	[sflag:s29] =	ssyncset.done $0x0  }
0x88: {  	s5 =	simm.s32 $0x1480;
	[sflag:s29] =	ssyncadd.s32 $0xFFFFC000  }
0x89: {  	[spmem:s3] =	stream.indirect.scatter.add.f32 [tilespmem:s26], [sflag:$0x4], $0x80, s5, s25, $0xb8;
	[tilespmem:$0x1E800] =	vst v63  }
0x8a: {  	_ =	swait.ge [sflag:s30], $0x4000  }
0x8b: {  	[sflag:s30] =	ssyncset.done $0x0  }
0x8c: {  	s11 =	simm.s32 $0x180;
	[sflag:s30] =	ssyncadd.s32 $0xFFFFC000  }
0x8d: {  	[tilespmem:s26], [sflag:$0x2] =	stream.indirect.gather [hbm4b:s1+s25], $0x80, s11, s25, $0xb8;
	[tilespmem:$0x1E800] =	vst v63  }
0x8e: {  	_ =	swait.ge [sflag:s23], $0x4000  }
0x8f: {  	[sflag:s23] =	ssyncset.done $0x0  }
0x90: {  	s2 =	simm.s32 $0xFFFFB800;
	s5 =	simm.s32 $0x1500;
	[sflag:s23] =	ssyncadd.s32 $0xFFFFC000  }
.LBB2_4:
0x91: {  	[spmem:s3] =	stream.indirect.scatter.add.f32 [tilespmem:s21], [sflag:$0x3], $0x80, s5, s25, $0xb8;
	[tilespmem:$0x1E800] =	vst v63  }
0x92: {  	s5 =	smov.u32 s2  }
0x93: {  	p0 =	sne.s32 s2, $0xFFFFFC00;
	s2 =	sadd.s32 $0x400, s2;
	_ =	swait.ge [sflag:s28], $0x4000  }
0x94: {  	s5 =	sshra.s32 s5, $0x2;
	[sflag:s28] =	ssyncset.done $0x0  }
0x95: {  	s11 =	sadd.s32 $0x1400, s5;
	[sflag:s28] =	ssyncadd.s32 $0xFFFFC000  }
0x96: {  	[tilespmem:s21], [sflag:$0x1] =	stream.indirect.gather [hbm4b:s1+s25], $0x80, s11, s25, $0xb8;
	[tilespmem:$0x1E800] =	vst v63  }
0x97: {  	_ =	swait.ge [sflag:s29], $0x4000  }
0x98: {  	[sflag:s29] =	ssyncset.done $0x0  }
0x99: {  	s11 =	sadd.s32 $0x2780, s5;
	[sflag:s29] =	ssyncadd.s32 $0xFFFFC000  }
0x9a: {  	[spmem:s3] =	stream.indirect.scatter.add.f32 [tilespmem:s26], [sflag:$0x4], $0x80, s11, s25, $0xb8;
	[tilespmem:$0x1E800] =	vst v63  }
0x9b: {  	_ =	swait.ge [sflag:s30], $0x4000  }
0x9c: {  	[sflag:s30] =	ssyncset.done $0x0  }
.Ltmp1:
0x9d: {  	s11 =	sadd.s32 $0x1480, s5;
	[sflag:s30] =	ssyncadd.s32 $0xFFFFC000;
	(pc) =	sbr.rel @p0 .LBB2_4-.Ltmp1, $4  }
0x9e: {  	[tilespmem:s26], [sflag:$0x2] =	stream.indirect.gather [hbm4b:s1+s25], $0x80, s11, s25, $0xb8;
	[tilespmem:$0x1E800] =	vst v63  }
0x9f: {  	_ =	swait.ge [sflag:s23], $0x4000  }
0xa0: {  	[sflag:s23] =	ssyncset.done $0x0  }
0xa1: {  	s5 =	sadd.s32 $0x2800, s5;
	[sflag:s23] =	ssyncadd.s32 $0xFFFFC000  }
0xa2: {  	[spmem:s3] =	stream.indirect.scatter.add.f32 [tilespmem:s21], [sflag:$0x3], $0x80, s5, s25, $0xb8;
	[tilespmem:$0x1E800] =	vst v63  }
0xa3: {  	_ =	swait.ge [sflag:s29], $0x4000  }
0xa4: {  	[sflag:s29] =	ssyncset.done $0x0  }
0xa5: {  	[sflag:s29] =	ssyncadd.s32 $0xFFFFC000  }
0xa6: {  	[spmem:s3] =	stream.indirect.scatter.add.f32 [tilespmem:s26], [sflag:$0x4], $0x80, s31, s25, $0xb8;
	[tilespmem:$0x1E800] =	vst v63  }
0xa7: {  	_ =	swait.ge [sflag:s28], $0x4000  }
0xa8: {  	[sflag:s28] =	ssyncset.done $0x0  }
0xa9: {  	[sflag:s28] =	ssyncadd.s32 $0xFFFFC000  }
0xaa: {  	_ =	swait.ge [sflag:s30], $0x4000  }
0xab: {  	[sflag:s30] =	ssyncset.done $0x0  }
0xac: {  	[sflag:s30] =	ssyncadd.s32 $0xFFFFC000  }
0xad: {  	[bflag:$0x0] =	sbarrier.arrive $0xFFFF  }
0xae: {  	[tilespmem:s21], [sflag:$0x5] =	stream.linear.gather [spmem:s6], $0x4000, $0x38;
	[tilespmem:$0x1E800] =	vst v63  }
0xaf: {  	_ =	swait.ge [sflag:s22], $0x4000  }
0xb0: {  	[sflag:s22] =	ssyncset.done $0x0  }
0xb1: {  	[sflag:s22] =	ssyncadd.s32 $0xFFFFC000  }
0xb2: {  	[hbm4b:s15+s4] =	stream.linear.scatter [tilespmem:s21], [sflag:$0x1], $0x4000, $0x38;
	[tilespmem:$0x1E800] =	vst v63  }
0xb3: {  	_ = 	snop  }
0xb4: {  	[tilespmem:s26], [sflag:$0x5] =	stream.linear.gather [spmem:s7], $0x4000, $0x38;
	[tilespmem:$0x1E800] =	vst v63  }
0xb5: {  	_ =	swait.ge [sflag:s22], $0x4000  }
0xb6: {  	[sflag:s22] =	ssyncset.done $0x0  }
0xb7: {  	[sflag:s22] =	ssyncadd.s32 $0xFFFFC000  }
0xb8: {  	[hbm4b:s16+s4] =	stream.linear.scatter [tilespmem:s26], [sflag:$0x2], $0x4000, $0x38;
	[tilespmem:$0x1E800] =	vst v63  }
0xb9: {  	_ =	swait.ge [sflag:s23], $0x4000  }
0xba: {  	[sflag:s23] =	ssyncset.done $0x0  }
0xbb: {  	[sflag:s23] =	ssyncadd.s32 $0xFFFFC000  }
0xbc: {  	[tilespmem:s21], [sflag:$0x5] =	stream.linear.gather [spmem:s8], $0x4000, $0x38;
	[tilespmem:$0x1E800] =	vst v63  }
0xbd: {  	_ =	swait.ge [sflag:s22], $0x4000  }
0xbe: {  	[sflag:s22] =	ssyncset.done $0x0  }
0xbf: {  	[sflag:s22] =	ssyncadd.s32 $0xFFFFC000  }
0xc0: {  	[hbm4b:s17+s4] =	stream.linear.scatter [tilespmem:s21], [sflag:$0x1], $0x4000, $0x38;
	[tilespmem:$0x1E800] =	vst v63  }
0xc1: {  	_ =	swait.ge [sflag:s29], $0x4000  }
0xc2: {  	[sflag:s29] =	ssyncset.done $0x0  }
0xc3: {  	[sflag:s29] =	ssyncadd.s32 $0xFFFFC000  }
0xc4: {  	[tilespmem:s26], [sflag:$0x5] =	stream.linear.gather [spmem:s9], $0x4000, $0x38;
	[tilespmem:$0x1E800] =	vst v63  }
0xc5: {  	_ =	swait.ge [sflag:s22], $0x4000  }
0xc6: {  	[sflag:s22] =	ssyncset.done $0x0  }
0xc7: {  	[sflag:s22] =	ssyncadd.s32 $0xFFFFC000  }
0xc8: {  	[hbm4b:s18+s4] =	stream.linear.scatter [tilespmem:s26], [sflag:$0x2], $0x4000, $0x38;
	[tilespmem:$0x1E800] =	vst v63  }
0xc9: {  	_ =	swait.ge [sflag:s23], $0x4000  }
0xca: {  	[sflag:s23] =	ssyncset.done $0x0  }
0xcb: {  	[sflag:s23] =	ssyncadd.s32 $0xFFFFC000  }
0xcc: {  	[tilespmem:s21], [sflag:$0x5] =	stream.linear.gather [spmem:s10], $0x4000, $0x38;
	[tilespmem:$0x1E800] =	vst v63  }
0xcd: {  	_ =	swait.ge [sflag:s22], $0x4000  }
0xce: {  	[sflag:s22] =	ssyncset.done $0x0  }
0xcf: {  	s0 =	sadd.s32 $0x1, s0;
	[sflag:s22] =	ssyncadd.s32 $0xFFFFC000  }
0xd0: {  	[hbm4b:s19+s4] =	stream.linear.scatter [tilespmem:s21], [sflag:$0x1], $0x4000, $0x38;
	[tilespmem:$0x1E800] =	vst v63  }
0xd1: {  	p0 =	sne.s32 s0, s20;
	_ =	swait.ge [sflag:s29], $0x4000  }
.Ltmp2:
0xd2: {  	[sflag:s29] =	ssyncset.done $0x0;
	(pc) =	sbr.rel @p0 .LBB2_1-.Ltmp2, $4  }
0xd3: {  	[sflag:s29] =	ssyncadd.s32 $0xFFFFC000  }
0xd4: {  	_ =	swait.ge [sflag:s23], $0x4000  }
0xd5: {  	[sflag:s23] =	ssyncset.done $0x0  }
0xd6: {  	[sflag:s23] =	ssyncadd.s32 $0xFFFFC000  }
0xd7: {  	_ =	sfence.sel $0x180000  }
0xd8: {  	[bflag:$0x0] =	sbarrier.arrive $0xFFFF  }
0xd9: {  	_ =	strace $0x9000004D  }
0xda: {  	s0 =	stileid.u32;
	[bflag:$0x2] =	sbarrier.arrive $0xFFFF  }
0xdb: {  	p0 =	sne.s32 s0, $0x0;
	s0 =	rddreg [dreg:$0x3]  }
0xdc: {  	s0 =	sadd.s32 @!p0 $0x100000, s0  }
0xdd: {  	[sflag:s0] =	ssyncadd.tile.s32 @!p0 $0x1;
	_ =	shalt  }
.Lfunc_end2:
_tile_overlayer_lowered:
.L_overlay_start_2:
0xde: {  	(tag) =	ssettag $0x2  }
0xdf: {  	s0 =	rddreg [dreg:$0x0];
	s2 =	stileid.u32  }
0xe0: {  	s1 =	rddreg [dreg:$0x1];
	p0 =	sne.s32 s2, $0x0  }
0xe1: {  	s3 =	rddreg [dreg:$0x2];
	[bflag:$0x3] =	sbarrier.arrive $0xFFFF;
	s2 =	simm.s32 @!p0 $0x1C05  }
0xe2: {  	[timem:s3], [sflag:s2] =	dma.local @!p0 [hbm:s0], s1  }
0xe3: {  	s0 =	simm.s32 @!p0 $0x5  }
0xe4: {  	_ =	swait.ge @!p0 [sflag:s0], s1  }
0xe5: {  	s1 =	ssub.s32 @!p0 $0x0, s1;
	[sflag:s0] =	ssyncset.done @!p0 $0x0  }
0xe6: {  	[sflag:s0] =	ssyncadd.s32 @!p0 s1  }
0xe7: {  	[bflag:$0x3] =	sbarrier.arrive $0xFFFF  }
0xe8: {  	_ =	shalt  }

// kernel: kernel.8.cloned.1.call-start
scs
__scs_entry_jumppad:
0x0: {  	(pc) =	sbr.rel $0x88, $3  }
0x1: {  	(tag) =	ssettag $0x0;
	lr =	simm.s32 $0x1  }
0x2: {  	[smem:$0x3F9B] =	sst lr;
	_ =	strace $0xD0000000  }
0x3: {  	_ = 	snop  }
0x4: {  	_ = 	snop  }
0x5: {  	_ = 	snop  }
0x6: {  	_ = 	snop  }
0x7: {  	_ = 	snop  }
__scs_overlays_trampoline_lowered:
0x8: {  	[smem:$0x3FAA] =	sst s0  }
0x9: {  	[smem:$0x3FAB] =	sst s1  }
0xa: {  	[smem:$0x3FAC] =	sst s2  }
0xb: {  	[smem:$0x3FAD] =	sst s3  }
0xc: {  	[smem:$0x3FAE] =	sst s4  }
0xd: {  	[smem:$0x3FAF] =	sst s5  }
0xe: {  	[smem:$0x3FB0] =	sst s6  }
0xf: {  	[smem:$0x3FB1] =	sst s7  }
0x10: {  	[smem:$0x3FB2] =	sst s8  }
0x11: {  	[smem:$0x3FB3] =	sst s9;
	s0 =	simm.s32 @!p0 $0x0  }
0x12: {  	s1 =	sld [smem:$0x3F99];
	s0 =	simm.s32 @p0 $0x1  }
0x13: {  	[smem:$0x3FB4] =	sst s0;
	s0 =	simm.s32 @!p1 $0x0  }
0x14: {  	s2 =	sld [smem:$0x3F98];
	s0 =	simm.s32 @p1 $0x1  }
0x15: {  	[smem:$0x3FB5] =	sst s0;
	s0 =	simm.s32 @!p2 $0x0  }
0x16: {  	s3 =	sld [smem:$0x3FDB];
	s0 =	simm.s32 @p2 $0x1  }
0x17: {  	s4 =	simm.s32 $0x1BF5;
	[smem:$0x3FB7] =	sst s0  }
0x18: {  	s0 =	sld [smem:$0x3F9A];
	_ =	swait.ge [sflag:s4], $0x0  }
0x19: {  	s7 =	sld [smem:$0x3F9B]  }
0x1a: {  	s8 =	sadd.s32 $0xFFFFE003, lr  }
0x1b: {  	s9 =	sadd.s32 $0xFFFFFEF7, lr;
	s5 =	simm.s32 $0xFFFFFFFF;
	p2 =	slt.u32 s8, $0xFFFFF086  }
0x1c: {  	p1 =	slt.u32 s9, $0xF7A;
	s5 =	simm.s32 @!p2 $0x0  }
0x1d: {  	s5 =	simm.s32 @p1 $0x1;
	p0 =	seq.s32 s7, s2  }
0x1e: {  	s7 =	smul.u32 @!p0 $0xF7A, s2;
	p2 =	seq.s32 @!p0 s5, $0x0  }
0x1f: {  	s9 =	smul.u32 $0xF7A, s1;
	s8 =	simm.s32 @!p0 $0x1BF5;
	p2 =	por !p2, p0  }
0x20: {  	[sflag:s8] =	ssyncset.s32 @!p0 $0xFFFFF086;
	s6 =	sadd.s32 @!p0 s3, s7;
	s7 =	simm.s32 @!p0 $0x108  }
0x21: {  	s3 =	sadd.s32 s3, s9;
	s6 =	sadd.s32 @!p0 $0x88, s6;
	s7 =	simm.s32 @p2 $0x1082  }
0x22: {  	[simem:s7], [sflag:s8] =	dma.local @!p0 [hbm:s6], $0xF7A  }
0x23: {  	s9 =	sor.u32 $0xD0000000, s2;
	s6 =	simm.s32 $0x108;
	_ =	swait.ge @!p0 [sflag:s8], $0x0  }
0x24: {  	s3 =	sadd.s32 $0x88, s3;
	s6 =	simm.s32 @!p1 $0x1082;
	[sflag:s4] =	ssyncset.s32 $0xFFFFF086  }
0x25: {  	[simem:s6], [sflag:s4] =	dma.local [hbm:s3], $0xF7A  }
0x26: {  	[smem:$0x3F9B] =	sst s1;
	(tag) =	ssettag s2;
	_ =	strace s9  }
0x27: {  	s1 =	sld [smem:$0x3FAB]  }
0x28: {  	s2 =	sld [smem:$0x3FAC]  }
0x29: {  	s4 =	sld [smem:$0x3FAE]  }
0x2a: {  	p0 =	seq.s32 s5, $0x0;
	s5 =	sld [smem:$0x3FAF]  }
0x2b: {  	s6 =	sld [smem:$0x3FB0]  }
0x2c: {  	s7 =	sld [smem:$0x3FB1]  }
0x2d: {  	s3 =	simm.s32 $0x108;
	s8 =	sld [smem:$0x3FB2]  }
0x2e: {  	s3 =	simm.s32 @!p0 $0x1082;
	s9 =	sld [smem:$0x3FB3]  }
0x2f: {  	lr =	sadd.s32 s0, s3;
	s0 =	sld [smem:$0x3FAA]  }
0x30: {  	s3 =	sld [smem:$0x3FAD]  }
0x31: {  	[smem:$0x3FB6] =	sst s10  }
0x32: {  	s10 =	sld [smem:$0x3FB4];
	_ =	sdelay $0x3  }
0x33: {  	p0 =	seq.s32 s10, $0x1;
	s10 =	sld [smem:$0x3FB6];
	_ =	sdelay $0x3  }
0x34: {  	[smem:$0x3FB6] =	sst s10  }
0x35: {  	s10 =	sld [smem:$0x3FB5];
	_ =	sdelay $0x3  }
0x36: {  	p1 =	seq.s32 s10, $0x1;
	s10 =	sld [smem:$0x3FB6];
	_ =	sdelay $0x3  }
0x37: {  	[smem:$0x3FB6] =	sst s10  }
0x38: {  	s10 =	sld [smem:$0x3FB7]  }
0x39: {  	_ = 	snop;
	(pc) =	sbr.ind lr, $3  }
0x3a: {  	_ = 	snop  }
0x3b: {  	_ = 	snop  }
0x3c: {  	p2 =	seq.s32 s10, $0x1;
	s10 =	sld [smem:$0x3FB6]  }
0x3d: {  	_ =	shalt  }
0x3e: {  	_ =	shalt  }
0x3f: {  	_ =	shalt  }
0x40: {  	_ =	shalt  }
0x41: {  	_ =	shalt  }
0x42: {  	_ =	shalt  }
0x43: {  	_ =	shalt  }
0x44: {  	_ =	shalt  }
0x45: {  	_ =	shalt  }
0x46: {  	_ =	shalt  }
0x47: {  	_ =	shalt  }
0x48: {  	_ =	shalt  }
0x49: {  	_ =	shalt  }
0x4a: {  	_ =	shalt  }
0x4b: {  	_ =	shalt  }
0x4c: {  	_ =	shalt  }
0x4d: {  	_ =	shalt  }
0x4e: {  	_ =	shalt  }
0x4f: {  	_ =	shalt  }
0x50: {  	_ =	shalt  }
0x51: {  	_ =	shalt  }
0x52: {  	_ =	shalt  }
0x53: {  	_ =	shalt  }
0x54: {  	_ =	shalt  }
0x55: {  	_ =	shalt  }
0x56: {  	_ =	shalt  }
0x57: {  	_ =	shalt  }
0x58: {  	_ =	shalt  }
0x59: {  	_ =	shalt  }
0x5a: {  	_ =	shalt  }
0x5b: {  	_ =	shalt  }
0x5c: {  	_ =	shalt  }
0x5d: {  	_ =	shalt  }
0x5e: {  	_ =	shalt  }
0x5f: {  	_ =	shalt  }
0x60: {  	_ =	shalt  }
0x61: {  	_ =	shalt  }
0x62: {  	_ =	shalt  }
0x63: {  	_ =	shalt  }
0x64: {  	_ =	shalt  }
0x65: {  	_ =	shalt  }
0x66: {  	_ =	shalt  }
0x67: {  	_ =	shalt  }
0x68: {  	_ =	shalt  }
0x69: {  	_ =	shalt  }
0x6a: {  	_ =	shalt  }
0x6b: {  	_ =	shalt  }
0x6c: {  	_ =	shalt  }
0x6d: {  	_ =	shalt  }
0x6e: {  	_ =	shalt  }
0x6f: {  	_ =	shalt  }
0x70: {  	_ =	shalt  }
0x71: {  	_ =	shalt  }
0x72: {  	_ =	shalt  }
0x73: {  	_ =	shalt  }
0x74: {  	_ =	shalt  }
0x75: {  	_ =	shalt  }
0x76: {  	_ =	shalt  }
0x77: {  	_ =	shalt  }
0x78: {  	_ =	shalt  }
0x79: {  	_ =	shalt  }
0x7a: {  	_ =	shalt  }
0x7b: {  	_ =	shalt  }
0x7c: {  	_ =	shalt  }
0x7d: {  	_ =	shalt  }
0x7e: {  	_ =	shalt  }
0x7f: {  	_ =	shalt  }
0x80: {  	_ =	shalt  }
0x81: {  	_ =	shalt  }
0x82: {  	_ =	shalt  }
0x83: {  	_ =	shalt  }
0x84: {  	_ =	shalt  }
0x85: {  	_ =	shalt  }
0x86: {  	_ =	shalt  }
0x87: {  	_ =	shalt  }
.Lfunc_end0:
.L_simem_size_0:
called_computation_lowered:
.L_overlay_start_0:
0x88: {  	s2 =	sld [smem:$0x3FD9]  }
0x89: {  	s3 =	sld [smem:$0x3FFE];
	_ =	sdelay $0x1  }
0x8a: {  	s1 =	srdreg.scid  }
0x8b: {  	s0 =	sand.u32 $0x1, s1  }
0x8c: {  	s17 =	sshll.u32 s0, $0xA;
	s2 =	sadd.s32 s3, s2  }
0x8d: {  	s2 =	sadd.s32 s2, s17  }
0x8e: {  	[smem:$0x3FC2] =	sst s2  }
0x8f: {  	_ = 	snop  }
0x90: {  	s2 =	sld [smem:$0x3FD0];
	(tm) =	ssettm $0x1  }
0x91: {  	s18 =	sld [smem:$0x3FFB];
	_ =	sdelay $0x3  }
0x92: {  	_ =	strace s18  }
0x93: {  	s3 =	sld [smem:$0x3FFC];
	_ =	sdelay $0x3  }
0x94: {  	_ =	strace s3  }
0x95: {  	s3 =	sld [smem:$0x3FFD];
	_ =	sdelay $0x3  }
0x96: {  	_ =	strace s3  }
0x97: {  	_ =	strace $0x8FFFFFFF  }
0x98: {  	s19 =	sld [smem:$0x3FDB];
	_ =	sdelay $0x1  }
0x99: {  	s4 =	simm.s32 $_scs_section_size  }
0x9a: {  	s5 =	simm.s32 $_size__tile_overlayer_lowered;
	s6 =	simm.s32 $_tile_overlayer_lowered  }
0x9b: {  	s22 =	simm.s32 $0x1BFF;
	s21 =	sshll.u32 s6, $0x1;
	s3 =	sadd.s32 s4, s19  }
0x9c: {  	s7 =	simm.s32 $0x0;
	s20 =	sshll.u32 s5, $0x1;
	s5 =	sadd.s32 s21, s3  }
0x9d: {  	[timem:s7], [sflag:s22] =	dma.local [hbm:s5], s20  }
0x9e: {  	_ =	swait.ge [sflag:s22], s20  }
0x9f: {  	s4 =	ssub.s32 $0x0, s20;
	[sflag:s22] =	ssyncset.done $0x0  }
0xa0: {  	[sflag:s22] =	ssyncadd.s32 s4;
	_ =	sdelay $0x1  }
0xa1: {  	s23 =	simm.s32 $0x1B8B  }
0xa2: {  	_ =	swait.ge [sflag:s23], $0x1  }
0xa3: {  	[sflag:s23] =	ssyncset.done $0x0  }
0xa4: {  	s25 =	simm.s32 $0x1B8E;
	s24 =	sld [smem:$0x3FFE];
	[sflag:s23] =	ssyncadd.s32 $0xFFFFFFFF  }
0xa5: {  	s26 =	simm.s32 $execute0_lowered;
	[smem:$0x3FD2] =	sst s25  }
0xa6: {  	s5 =	sshll.u32 s26, $0x1;
	_ =	strace $0x80000046;
	[dreg:$0x1] =	wrdreg $0xFFFFFFFF  }
0xa7: {  	s28 =	simm.s32 $_size_execute0_lowered;
	s3 =	sadd.s32 s3, s5;
	[dreg:$0x0] =	wrdreg $0x0  }
0xa8: {  	s5 =	sshll.u32 s28, $0x1;
	[dreg:$0x2] =	wrdreg s3  }
0xa9: {  	[dreg:$0x3] =	wrdreg s5  }
0xaa: {  	[dreg:$0x4] =	wrdreg $0xC0  }
0xab: {  	_ =	task [dreg:s7], $0x5FFFF  }
0xac: {  	[dreg:$0x1] =	wrdreg $0xFFFFFFFF  }
0xad: {  	[dreg:$0x0] =	wrdreg $0x60  }
0xae: {  	[dreg:$0x2] =	wrdreg s24  }
0xaf: {  	[dreg:$0x3] =	wrdreg s2  }
0xb0: {  	[dreg:$0x4] =	wrdreg $0x2B000  }
0xb1: {  	[dreg:$0x5] =	wrdreg $0x9  }
0xb2: {  	_ =	task.clear_ibuf [dreg:s7], $0x6FFFF;
	_ =	strace $0x90000046  }
0xb3: {  	s29 =	simm.s32 $0x9;
	_ =	strace $0x80000048  }
0xb4: {  	_ =	swait.ge [sflag:s29], $0x1  }
0xb5: {  	[sflag:s29] =	ssyncadd.s32 $0xFFFFFFFF  }
0xb6: {  	_ =	strace $0x90000048  }
0xb7: {  	_ =	sfence  }
0xb8: {  	s30 =	sld [smem:$0x0];
	_ =	sdelay $0x2  }
0xb9: {  	s31 =	sshll.u32 s1, $0xD;
	s1 =	sshrl.u32 s1, $0x2  }
0xba: {  	s3 =	sand.u32 $0x4000, s31;
	s1 =	sadd.s32 s1, s30  }
0xbb: {  	s0 =	sor.u32 s3, s0;
	s1 =	sshll.u32 s1, $0x11  }
0xbc: {  	s0 =	sor.u32 s1, s0  }
0xbd: {  	s0 =	sadd.s32 $0x8F2B, s0  }
0xbe: {  	[sflag:s0] =	ssyncadd.remote.s32 $0x1  }
0xbf: {  	_ =	sfence.sel $0xFFFF  }
0xc0: {  	[dreg:$0x0] =	wrdreg $0xFFFFFFFF;
	(pc) =	sbr.abs _section_cstart, $3  }
0xc1: {  	[dreg:$0x1] =	wrdreg $0xFFFFFFFF  }
0xc2: {  	_ =	task.clear_ibuf [dreg:s7], $0x2FFFF;
	_ =	strace $0x9FFFFFFF  }
0xc3: {  	(tm) =	ssettm $0x7FFFFFFF  }
tec
execute0_lowered:
.L_overlay_start_1:
0x0: {  	(tag) =	ssettag $0x1  }
0x1: {  	s4 =	rddreg [dreg:$0x0]  }
0x2: {  	s7 =	rddreg [dreg:$0x1]  }
0x3: {  	s0 =	srdreg.scid;
	s2 =	rddreg [dreg:$0x2]  }
0x4: {  	s3 =	simm.s32 $0x0;
	s12 =	simm.s32 $0x2800;
	s13 =	simm.s32 $0x1  }
0x5: {  	s14 =	simm.s32 $0x0;
	s5 =	sand.u32 $0x1, s0;
	s0 =	stileid.u32  }
0x6: {  	[smem:$0x7FF] =	sst s3;
	s1 =	sshll.u32 s5, $0x4;
	s8 =	smul.u32 $0x280, s0  }
0x7: {  	s9 =	ssub.s32 $0x2, s5;
	s5 =	smul.u32 $0x2800, s5;
	s6 =	sor.u32 s0, s1  }
0x8: {  	s1 =	rddreg [dreg:$0x3];
	_ =	strace $0x80000047;
	s11 =	sshrl.u32 s9, $0x1  }
0x9: {  	s6 =	smul.u32 $0x500, s6;
	s10 =	sshrl.u32 s8, $0x3;
	s9 =	ssub.s32 s9, s11  }
0xa: {  	s30 =	sadd.s32 s8, s5;
	s5 =	sadd.s32 s8, s2;
	s11 =	simm.s32 $0x80  }
0xb: {  	s31 =	sshrl.u32 s30, $0x3;
	s8 =	smax.u32 s9, $0x1;
	s9 =	simm.s32 $0x2880  }
0xc: {  	s6 =	sadd.s32 s6, s4;
	s4 =	sadd.s32 s10, s4;
	s7 =	sadd.s32 s7, s31  }
0xd: {  	v0 =	vimm.f32 $1.000000000e+00;
	s10 =	simm.s32 $0x2;
	s4 =	sadd.s32 $0x16200, s4;
	s6 =	sadd.s32 $0x2200, s6  }
.LBB2_1:
0xe: {  	[tilespmem:s9], [sflag:$0x2] =	stream.linear.gather [hbm4b:s4+s3], $0x280, $0x38;
	[tilespmem:$0x2D80] =	vst v63  }
0xf: {  	_ =	swait.ge [sflag:s10], $0x280  }
0x10: {  	[sflag:s10] =	ssyncset.done $0x0  }
0x11: {  	[sflag:s10] =	ssyncadd.s32 $0xFFFFFD80  }
0x12: {  	[spmem:s5] =	stream.linear.scatter [tilespmem:s9], [sflag:$0x2], $0x280, $0x38;
	[tilespmem:$0x2D80] =	vst v63  }
0x13: {  	_ =	swait.ge [sflag:s10], $0x280  }
0x14: {  	[sflag:s10] =	ssyncset.done $0x0  }
0x15: {  	[sflag:s10] =	ssyncadd.s32 $0xFFFFFD80  }
0x16: {  	[tilespmem:s3], [sflag:$0x2] =	stream.linear.gather [hbm4b:s6+s3], $0x2800, $0x38;
	[tilespmem:$0x2D80] =	vst v63  }
0x17: {  	_ =	swait.ge [sflag:s10], $0x2800  }
0x18: {  	[sflag:s10] =	ssyncset.done $0x0  }
0x19: {  	[sflag:s10] =	ssyncadd.s32 $0xFFFFD800  }
0x1a: {  	[tilespmem:$0x2800] =	vst v0  }
0x1b: {  	[tilespmem:$0x2810] =	vst v0  }
0x1c: {  	[tilespmem:$0x2820] =	vst v0  }
0x1d: {  	[tilespmem:$0x2830] =	vst v0  }
0x1e: {  	[tilespmem:$0x2840] =	vst v0  }
0x1f: {  	[tilespmem:$0x2850] =	vst v0  }
0x20: {  	[tilespmem:$0x2860] =	vst v0  }
0x21: {  	[tilespmem:$0x2870] =	vst v0  }
0x22: {  	s15 =	simm.s32 $0x0;
	[bflag:$0x0] =	sbarrier.arrive $0xFFFF  }
0x23: {  	[spmem:s2] =	stream.indirect.scatter.add.f32 [tilespmem:s12], [sflag:$0x1], $0x1, s15, s11, $0xb8;
	[tilespmem:$0x2D80] =	vst v63  }
0x24: {  	s24 =	simm.s32 $0x80  }
0x25: {  	[spmem:s2] =	stream.indirect.scatter.add.f32 [tilespmem:s12], [sflag:$0x1], $0x1, s24, s11, $0xb8;
	[tilespmem:$0x2D80] =	vst v63  }
0x26: {  	s25 =	simm.s32 $0x100  }
0x27: {  	[spmem:s2] =	stream.indirect.scatter.add.f32 [tilespmem:s12], [sflag:$0x1], $0x1, s25, s11, $0xb8;
	[tilespmem:$0x2D80] =	vst v63  }
0x28: {  	s26 =	simm.s32 $0x180  }
0x29: {  	[spmem:s2] =	stream.indirect.scatter.add.f32 [tilespmem:s12], [sflag:$0x1], $0x1, s26, s11, $0xb8;
	[tilespmem:$0x2D80] =	vst v63  }
0x2a: {  	s28 =	simm.s32 $0x200  }
0x2b: {  	[spmem:s2] =	stream.indirect.scatter.add.f32 [tilespmem:s12], [sflag:$0x1], $0x1, s28, s11, $0xb8;
	[tilespmem:$0x2D80] =	vst v63  }
0x2c: {  	s29 =	simm.s32 $0x280  }
0x2d: {  	[spmem:s2] =	stream.indirect.scatter.add.f32 [tilespmem:s12], [sflag:$0x1], $0x1, s29, s11, $0xb8;
	[tilespmem:$0x2D80] =	vst v63  }
0x2e: {  	s30 =	simm.s32 $0x300  }
0x2f: {  	[spmem:s2] =	stream.indirect.scatter.add.f32 [tilespmem:s12], [sflag:$0x1], $0x1, s30, s11, $0xb8;
	[tilespmem:$0x2D80] =	vst v63  }
0x30: {  	s31 =	simm.s32 $0x380  }
0x31: {  	[spmem:s2] =	stream.indirect.scatter.add.f32 [tilespmem:s12], [sflag:$0x1], $0x1, s31, s11, $0xb8;
	[tilespmem:$0x2D80] =	vst v63  }
0x32: {  	_ =	swait.ge [sflag:s13], $0x80  }
0x33: {  	[sflag:s13] =	ssyncset.done $0x0  }
0x34: {  	[sflag:s13] =	ssyncadd.s32 $0xFFFFFF80  }
0x35: {  	_ =	swait.ge [sflag:s13], $0x80  }
0x36: {  	[sflag:s13] =	ssyncset.done $0x0  }
0x37: {  	[sflag:s13] =	ssyncadd.s32 $0xFFFFFF80  }
0x38: {  	_ =	swait.ge [sflag:s13], $0x80  }
0x39: {  	[sflag:s13] =	ssyncset.done $0x0  }
0x3a: {  	[sflag:s13] =	ssyncadd.s32 $0xFFFFFF80  }
0x3b: {  	_ =	swait.ge [sflag:s13], $0x80  }
0x3c: {  	[sflag:s13] =	ssyncset.done $0x0  }
0x3d: {  	[sflag:s13] =	ssyncadd.s32 $0xFFFFFF80  }
0x3e: {  	_ =	swait.ge [sflag:s13], $0x80  }
0x3f: {  	[sflag:s13] =	ssyncset.done $0x0  }
0x40: {  	[sflag:s13] =	ssyncadd.s32 $0xFFFFFF80  }
0x41: {  	_ =	swait.ge [sflag:s13], $0x80  }
0x42: {  	[sflag:s13] =	ssyncset.done $0x0  }
0x43: {  	[sflag:s13] =	ssyncadd.s32 $0xFFFFFF80  }
0x44: {  	_ =	swait.ge [sflag:s13], $0x80  }
0x45: {  	[sflag:s13] =	ssyncset.done $0x0  }
0x46: {  	[sflag:s13] =	ssyncadd.s32 $0xFFFFFF80  }
0x47: {  	_ =	swait.ge [sflag:s13], $0x80  }
0x48: {  	s17 =	simm.s32 $0x2000;
	s15 =	simm.s32 $0x1000;
	[sflag:s13] =	ssyncset.done $0x0  }
.LBB2_2:
0x49: {  	s18 =	sshra.s32 s15, $0x2  }
0x4a: {  	[sflag:s13] =	ssyncadd.s32 $0xFFFFFF80;
	s15 =	smov.u32 s17;
	s16 =	sadd.s32 $0x1000, s17  }
0x4b: {  	[spmem:s2] =	stream.indirect.scatter.add.f32 [tilespmem:s12], [sflag:$0x1], $0x1, s18, s11, $0xb8;
	[tilespmem:$0x2D80] =	vst v63  }
0x4c: {  	p0 =	sne.s32 s17, $0x9000;
	s17 =	sadd.s32 $0x80, s18  }
0x4d: {  	[spmem:s2] =	stream.indirect.scatter.add.f32 [tilespmem:s12], [sflag:$0x1], $0x1, s17, s11, $0xb8;
	[tilespmem:$0x2D80] =	vst v63  }
0x4e: {  	s17 =	sadd.s32 $0x100, s18  }
0x4f: {  	[spmem:s2] =	stream.indirect.scatter.add.f32 [tilespmem:s12], [sflag:$0x1], $0x1, s17, s11, $0xb8;
	[tilespmem:$0x2D80] =	vst v63  }
0x50: {  	s17 =	sadd.s32 $0x180, s18  }
0x51: {  	[spmem:s2] =	stream.indirect.scatter.add.f32 [tilespmem:s12], [sflag:$0x1], $0x1, s17, s11, $0xb8;
	[tilespmem:$0x2D80] =	vst v63  }
0x52: {  	s17 =	sadd.s32 $0x200, s18  }
0x53: {  	[spmem:s2] =	stream.indirect.scatter.add.f32 [tilespmem:s12], [sflag:$0x1], $0x1, s17, s11, $0xb8;
	[tilespmem:$0x2D80] =	vst v63  }
0x54: {  	s17 =	sadd.s32 $0x280, s18  }
0x55: {  	[spmem:s2] =	stream.indirect.scatter.add.f32 [tilespmem:s12], [sflag:$0x1], $0x1, s17, s11, $0xb8;
	[tilespmem:$0x2D80] =	vst v63  }
0x56: {  	s17 =	sadd.s32 $0x300, s18  }
0x57: {  	[spmem:s2] =	stream.indirect.scatter.add.f32 [tilespmem:s12], [sflag:$0x1], $0x1, s17, s11, $0xb8;
	[tilespmem:$0x2D80] =	vst v63  }
0x58: {  	s17 =	sadd.s32 $0x380, s18  }
0x59: {  	[spmem:s2] =	stream.indirect.scatter.add.f32 [tilespmem:s12], [sflag:$0x1], $0x1, s17, s11, $0xb8;
	[tilespmem:$0x2D80] =	vst v63  }
0x5a: {  	_ =	swait.ge [sflag:s13], $0x80  }
0x5b: {  	[sflag:s13] =	ssyncset.done $0x0  }
0x5c: {  	[sflag:s13] =	ssyncadd.s32 $0xFFFFFF80  }
0x5d: {  	_ =	swait.ge [sflag:s13], $0x80  }
0x5e: {  	[sflag:s13] =	ssyncset.done $0x0  }
0x5f: {  	[sflag:s13] =	ssyncadd.s32 $0xFFFFFF80  }
0x60: {  	_ =	swait.ge [sflag:s13], $0x80  }
0x61: {  	[sflag:s13] =	ssyncset.done $0x0  }
0x62: {  	[sflag:s13] =	ssyncadd.s32 $0xFFFFFF80  }
0x63: {  	_ =	swait.ge [sflag:s13], $0x80  }
0x64: {  	[sflag:s13] =	ssyncset.done $0x0  }
0x65: {  	[sflag:s13] =	ssyncadd.s32 $0xFFFFFF80  }
0x66: {  	_ =	swait.ge [sflag:s13], $0x80  }
0x67: {  	[sflag:s13] =	ssyncset.done $0x0  }
0x68: {  	[sflag:s13] =	ssyncadd.s32 $0xFFFFFF80  }
0x69: {  	_ =	swait.ge [sflag:s13], $0x80  }
0x6a: {  	[sflag:s13] =	ssyncset.done $0x0  }
0x6b: {  	[sflag:s13] =	ssyncadd.s32 $0xFFFFFF80  }
.Ltmp0:
0x6c: {  	_ =	swait.ge [sflag:s13], $0x80;
	(pc) =	sbr.rel @p0 .LBB2_2-.Ltmp0, $4  }
0x6d: {  	[sflag:s13] =	ssyncset.done $0x0  }
0x6e: {  	[sflag:s13] =	ssyncadd.s32 $0xFFFFFF80  }
0x6f: {  	_ =	swait.ge [sflag:s13], $0x80  }
0x70: {  	s17 =	smov.u32 s16;
	[sflag:s13] =	ssyncset.done $0x0  }
0x71: {  	s15 =	sshra.s32 s15, $0x2;
	[sflag:s13] =	ssyncadd.s32 $0xFFFFFF80  }
0x72: {  	[spmem:s2] =	stream.indirect.scatter.add.f32 [tilespmem:s12], [sflag:$0x1], $0x1, s15, s11, $0xb8;
	[tilespmem:$0x2D80] =	vst v63  }
0x73: {  	s16 =	sadd.s32 $0x80, s15  }
0x74: {  	[spmem:s2] =	stream.indirect.scatter.add.f32 [tilespmem:s12], [sflag:$0x1], $0x1, s16, s11, $0xb8;
	[tilespmem:$0x2D80] =	vst v63  }
0x75: {  	s26 =	sadd.s32 $0x100, s15  }
0x76: {  	[spmem:s2] =	stream.indirect.scatter.add.f32 [tilespmem:s12], [sflag:$0x1], $0x1, s26, s11, $0xb8;
	[tilespmem:$0x2D80] =	vst v63  }
0x77: {  	s28 =	sadd.s32 $0x180, s15  }
0x78: {  	[spmem:s2] =	stream.indirect.scatter.add.f32 [tilespmem:s12], [sflag:$0x1], $0x1, s28, s11, $0xb8;
	[tilespmem:$0x2D80] =	vst v63  }
0x79: {  	s29 =	sadd.s32 $0x200, s15  }
0x7a: {  	[spmem:s2] =	stream.indirect.scatter.add.f32 [tilespmem:s12], [sflag:$0x1], $0x1, s29, s11, $0xb8;
	[tilespmem:$0x2D80] =	vst v63  }
0x7b: {  	s30 =	sadd.s32 $0x280, s15  }
0x7c: {  	[spmem:s2] =	stream.indirect.scatter.add.f32 [tilespmem:s12], [sflag:$0x1], $0x1, s30, s11, $0xb8;
	[tilespmem:$0x2D80] =	vst v63  }
0x7d: {  	s31 =	sadd.s32 $0x300, s15  }
0x7e: {  	[spmem:s2] =	stream.indirect.scatter.add.f32 [tilespmem:s12], [sflag:$0x1], $0x1, s31, s11, $0xb8;
	[tilespmem:$0x2D80] =	vst v63  }
0x7f: {  	s15 =	sadd.s32 $0x380, s15  }
0x80: {  	[spmem:s2] =	stream.indirect.scatter.add.f32 [tilespmem:s12], [sflag:$0x1], $0x1, s15, s11, $0xb8;
	[tilespmem:$0x2D80] =	vst v63  }
0x81: {  	_ =	swait.ge [sflag:s13], $0x80  }
0x82: {  	[sflag:s13] =	ssyncset.done $0x0  }
0x83: {  	[sflag:s13] =	ssyncadd.s32 $0xFFFFFF80  }
0x84: {  	_ =	swait.ge [sflag:s13], $0x80  }
0x85: {  	[sflag:s13] =	ssyncset.done $0x0  }
0x86: {  	[sflag:s13] =	ssyncadd.s32 $0xFFFFFF80  }
0x87: {  	_ =	swait.ge [sflag:s13], $0x80  }
0x88: {  	[sflag:s13] =	ssyncset.done $0x0  }
0x89: {  	[sflag:s13] =	ssyncadd.s32 $0xFFFFFF80  }
0x8a: {  	_ =	swait.ge [sflag:s13], $0x80  }
0x8b: {  	[sflag:s13] =	ssyncset.done $0x0  }
0x8c: {  	[sflag:s13] =	ssyncadd.s32 $0xFFFFFF80  }
0x8d: {  	_ =	swait.ge [sflag:s13], $0x80  }
0x8e: {  	[sflag:s13] =	ssyncset.done $0x0  }
0x8f: {  	[sflag:s13] =	ssyncadd.s32 $0xFFFFFF80  }
0x90: {  	_ =	swait.ge [sflag:s13], $0x80  }
0x91: {  	[sflag:s13] =	ssyncset.done $0x0  }
0x92: {  	[sflag:s13] =	ssyncadd.s32 $0xFFFFFF80  }
0x93: {  	_ =	swait.ge [sflag:s13], $0x80  }
0x94: {  	[sflag:s13] =	ssyncset.done $0x0  }
0x95: {  	[sflag:s13] =	ssyncadd.s32 $0xFFFFFF80  }
0x96: {  	_ =	swait.ge [sflag:s13], $0x80  }
0x97: {  	[sflag:s13] =	ssyncset.done $0x0  }
0x98: {  	[sflag:s13] =	ssyncadd.s32 $0xFFFFFF80  }
0x99: {  	[bflag:$0x0] =	sbarrier.arrive $0xFFFF  }
0x9a: {  	[tilespmem:s9], [sflag:$0x2] =	stream.linear.gather [spmem:s5], $0x280, $0x38;
	[tilespmem:$0x2D80] =	vst v63  }
0x9b: {  	s14 =	sadd.s32 $0x1, s14;
	_ =	swait.ge [sflag:s10], $0x280  }
0x9c: {  	p0 =	sne.s32 s14, s8;
	[sflag:s10] =	ssyncset.done $0x0  }
.Ltmp1:
0x9d: {  	[sflag:s10] =	ssyncadd.s32 $0xFFFFFD80;
	(pc) =	sbr.rel @p0 .LBB2_1-.Ltmp1, $4  }
0x9e: {  	[hbm4b:s7+s3] =	stream.linear.scatter [tilespmem:s9], [sflag:$0x2], $0x280, $0x38;
	[tilespmem:$0x2D80] =	vst v63  }
0x9f: {  	_ =	swait.ge [sflag:s10], $0x280  }
0xa0: {  	[sflag:s10] =	ssyncset.done $0x0  }
0xa1: {  	[sflag:s10] =	ssyncadd.s32 $0xFFFFFD80  }
0xa2: {  	_ =	sfence.sel $0x180000  }
0xa3: {  	[bflag:$0x0] =	sbarrier.arrive $0xFFFF  }
0xa4: {  	p0 =	sne.s32 s0, $0x0;
	_ =	strace $0x90000047  }
0xa5: {  	s0 =	sadd.s32 @!p0 $0x100000, s1;
	[bflag:$0x2] =	sbarrier.arrive $0xFFFF  }
0xa6: {  	[sflag:s0] =	ssyncadd.tile.s32 @!p0 $0x1;
	_ =	shalt  }
.Lfunc_end2:
_tile_overlayer_lowered:
.L_overlay_start_2:
0xa7: {  	(tag) =	ssettag $0x2  }
0xa8: {  	s0 =	rddreg [dreg:$0x0];
	s2 =	stileid.u32  }
0xa9: {  	s1 =	rddreg [dreg:$0x1];
	p0 =	sne.s32 s2, $0x0  }
0xaa: {  	s3 =	rddreg [dreg:$0x2];
	[bflag:$0x3] =	sbarrier.arrive $0xFFFF;
	s2 =	simm.s32 @!p0 $0x1C02  }
0xab: {  	[timem:s3], [sflag:s2] =	dma.local @!p0 [hbm:s0], s1  }
0xac: {  	s0 =	simm.s32 @!p0 $0x2  }
0xad: {  	_ =	swait.ge @!p0 [sflag:s0], s1  }
0xae: {  	s1 =	ssub.s32 @!p0 $0x0, s1;
	[sflag:s0] =	ssyncset.done @!p0 $0x0  }
0xaf: {  	[sflag:s0] =	ssyncadd.s32 @!p0 s1  }
0xb0: {  	[bflag:$0x3] =	sbarrier.arrive $0xFFFF  }
0xb1: {  	_ =	shalt  }

</sc_bundles>
